<compile_context>
chip_gen: v7x
topology: tpu7x:2x2x1
jax: 0.10.2.dev20260603
libtpu: 0.0.44.dev20260713+nightly
codegen_flags: <defaults>
</compile_context>

<pallas_src>
import functools

import jax
import jax.numpy as jnp
from jax import lax
from jax.experimental import pallas as pl
from jax.experimental.pallas import tpu as pltpu
from jax.experimental.pallas import tpu_sc as plsc

NC, NS, L = 2, 16, 16
NW = NC * NS
CHUNK = 32
NBUF = 4


def _make_sc_gather(B, N, C, W, npix):
    pts_per_w = (B * N) // NW
    w_per_b = N // pts_per_w
    nchunk = pts_per_w // CHUNK
    mesh = plsc.VectorSubcoreMesh(
        core_axis_name="c", subcore_axis_name="s", num_cores=NC, num_subcores=NS
    )

    @functools.partial(
        pl.kernel,
        out_type=jax.ShapeDtypeStruct((B, N, C), jnp.float32),
        mesh=mesh,
        compiler_params=pltpu.CompilerParams(needs_layout_passes=False),
        scratch_types=[
            pltpu.VMEM((pts_per_w,), jnp.float32),
            pltpu.VMEM((pts_per_w,), jnp.float32),
            pltpu.VMEM((nchunk, CHUNK), jnp.int32),
            [pltpu.VMEM((CHUNK, C), jnp.float32) for _ in range(NBUF)],
            [pltpu.SemaphoreType.DMA for _ in range(NBUF)],
            [pltpu.SemaphoreType.DMA for _ in range(NBUF)],
        ],
    )
    def sc_gather(loc_t_hbm, table_hbm, out_hbm, x_v, y_v, idx_v, rows, gsem, osem):
        cid = lax.axis_index("c")
        sid = lax.axis_index("s")
        wid = sid * NC + cid
        b = wid // w_per_b
        noff = (wid % w_per_b) * pts_per_w

        pltpu.sync_copy(loc_t_hbm.at[b, 0, pl.ds(noff, pts_per_w)], x_v)
        pltpu.sync_copy(loc_t_hbm.at[b, 1, pl.ds(noff, pts_per_w)], y_v)

        half = jnp.float32(W / 2.0)
        lane = lax.iota(jnp.int32, L)
        base = b * npix

        @plsc.parallel_loop(0, pts_per_w // L, unroll=4)
        def idx_body(j):
            x = x_v[pl.ds(j * L, L)]
            y = y_v[pl.ds(j * L, L)]
            x = jnp.clip(x, -0.999, 0.999)
            y = jnp.clip(y, -0.999, 0.999)
            row = ((jnp.float32(1.0) - y) * half).astype(jnp.int32)
            col = ((jnp.float32(1.0) + x) * half).astype(jnp.int32)
            vpc = CHUNK // L
            idx_v[j // vpc, pl.ds((j % vpc) * L, L)] = row * W + col + base

        def start_gather(ch, par):
            cp = pltpu.make_async_copy(
                table_hbm.at[idx_v.at[ch]], rows[par], gsem[par]
            )
            cp.start()
            return cp

        def start_out(ch, par):
            cp = pltpu.make_async_copy(
                rows[par],
                out_hbm.at[b, pl.ds(noff + ch * CHUNK, CHUNK), :],
                osem[par],
            )
            cp.start()
            return cp

        gcp = [start_gather(ch, ch) for ch in range(NBUF)]
        ocp = [None] * NBUF
        for ch in range(nchunk):
            par = ch % NBUF
            gcp[par].wait()
            ocp[par] = start_out(ch, par)
            if ch + NBUF < nchunk:
                ocp[par].wait()
                gcp[par] = start_gather(ch + NBUF, par)
        for ch in range(nchunk - NBUF, nchunk):
            ocp[ch % NBUF].wait()

    return sc_gather


def kernel(fmap, loc):
    B, C, H, W = fmap.shape
    N = loc.shape[1]
    npix = H * W
    table = jnp.transpose(fmap, (0, 2, 3, 1)).reshape(B * npix, C)
    sc_gather = _make_sc_gather(B, N, C, W, npix)
    return sc_gather(jnp.transpose(loc, (0, 2, 1)), table)

# --- scband reference (transcript-rebuilt; emitter-appended) ---
"""Pipeline reference for scband-map-index-layer-91018946937271 (READ-ONLY COPY).

The authoritative reference and input builder live on the scoring server;
editing this copy changes nothing except your own understanding.
"""

import jax, jax.numpy as jnp
import numpy as np


def setup_inputs(seed: int = 0) -> dict:
    key = jax.random.key(seed)
    k1, k2 = jax.random.split(key)
    fmap = jax.random.normal(k1, (16, 384, 32, 32), dtype=jnp.float32)
    loc = jax.random.normal(k2, (16, 2048, 2), dtype=jnp.float32)
    return {"fmap": fmap, "loc": loc}


def reference(fmap, loc):
    wl = fmap.shape[2]
    C = fmap.shape[1]
    B = fmap.shape[0]
    loc = jnp.clip(loc, -0.999, 0.999)
    x = loc[..., 0]
    y = loc[..., 1]
    # torch .long() truncates toward zero; values here are strictly positive so trunc == floor
    row = ((1.0 - y) * wl / 2.0).astype(jnp.int32)
    col = ((1.0 + x) * wl / 2.0).astype(jnp.int32)
    idx = row * wl + col  # [B, N]
    fmap_flat = fmap.reshape(B, C, wl * wl).transpose(0, 2, 1)  # [B, wl*wl, C]
    indexed = jnp.take_along_axis(fmap_flat, idx[..., None], axis=1)  # [B, N, C]
    return indexed

if __name__ == "__main__":
    import jax
    _d = setup_inputs()
    print(jax.jit(kernel)(*tuple(_d.values())))

</pallas_src>

<mosaic_0001>
#map = affine_map<(d0, d1) -> (0, 0, 0)>
#map1 = affine_map<(d0, d1) -> (0, 0)>
module attributes {stable_mosaic.version = 14 : i64} {
  func.func @sc_gather(%arg0: i32, %arg1: i32, %arg2: memref<16x2x2048xf32, #tpu.memory_space<hbm>>, %arg3: memref<16384x384xf32, #tpu.memory_space<hbm>>, %arg4: memref<16x2048x384xf32, #tpu.memory_space<hbm>>, %arg5: memref<1024xf32, #tpu.memory_space<vmem>>, %arg6: memref<1024xf32, #tpu.memory_space<vmem>>, %arg7: memref<32x32xi32, #tpu.memory_space<vmem>>, %arg8: memref<32x384xf32, #tpu.memory_space<vmem>>, %arg9: memref<32x384xf32, #tpu.memory_space<vmem>>, %arg10: memref<32x384xf32, #tpu.memory_space<vmem>>, %arg11: memref<32x384xf32, #tpu.memory_space<vmem>>, %arg12: memref<!tpu.dma_semaphore, #tpu.memory_space<semaphore_mem>>, %arg13: memref<!tpu.dma_semaphore, #tpu.memory_space<semaphore_mem>>, %arg14: memref<!tpu.dma_semaphore, #tpu.memory_space<semaphore_mem>>, %arg15: memref<!tpu.dma_semaphore, #tpu.memory_space<semaphore_mem>>, %arg16: memref<!tpu.dma_semaphore, #tpu.memory_space<semaphore_mem>>, %arg17: memref<!tpu.dma_semaphore, #tpu.memory_space<semaphore_mem>>, %arg18: memref<!tpu.dma_semaphore, #tpu.memory_space<semaphore_mem>>, %arg19: memref<!tpu.dma_semaphore, #tpu.memory_space<semaphore_mem>>) attributes {dimension_semantics = [#tpu.dimension_semantics<core_parallel>, #tpu.dimension_semantics<subcore_parallel>], iteration_bounds = array<i64: 2, 16>, scalar_prefetch = 0 : i64, scratch_operands = 15 : i64, tpu.core_type = #tpu.core_type<sc_vector_subcore>, window_params = [{transform_indices = #map}, {transform_indices = #map1}, {transform_indices = #map}]} {
    %mul3A = arith.constant 2 : i32
    %mul3A_0 = arith.muli %arg1, %mul3A : i32
    %add3A = arith.addi %mul3A_0, %arg0 : i32
    %jit3A = arith.constant 2 : i32
    %div3A = arith.divsi %add3A, %jit3A : i32
    %sign3A = arith.constant 0 : i32
    %sign3A_1 = arith.cmpi sgt, %add3A, %sign3A : i32
    %sign3A_2 = arith.extui %sign3A_1 : i1 to i32
    %sign3A_3 = arith.constant 0 : i32
    %sign3A_4 = arith.cmpi slt, %add3A, %sign3A_3 : i32
    %sign3A_5 = arith.extui %sign3A_4 : i1 to i32
    %sign3A_6 = arith.subi %sign3A_2, %sign3A_5 : i32
    %sign3A_7 = arith.constant 0 : i32
    %sign3A_8 = arith.cmpi sgt, %jit3A, %sign3A_7 : i32
    %sign3A_9 = arith.extui %sign3A_8 : i1 to i32
    %sign3A_10 = arith.constant 0 : i32
    %sign3A_11 = arith.cmpi slt, %jit3A, %sign3A_10 : i32
    %sign3A_12 = arith.extui %sign3A_11 : i1 to i32
    %sign3A_13 = arith.subi %sign3A_9, %sign3A_12 : i32
    %ne3A = arith.cmpi ne, %sign3A_6, %sign3A_13 : i32
    %rem3A = arith.remsi %add3A, %jit3A : i32
    %ne3A_14 = arith.constant 0 : i32
    %ne3A_15 = arith.cmpi ne, %rem3A, %ne3A_14 : i32
    %and3A = arith.andi %ne3A, %ne3A_15 : i1
    %sub3A = arith.constant 1 : i32
    %sub3A_16 = arith.subi %div3A, %sub3A : i32
    %select_n3A = arith.select %and3A, %sub3A_16, %div3A : i32
    %jit3A_17 = arith.constant 2 : i32
    %eq3A = arith.constant 0 : i32
    %eq3A_18 = arith.cmpi eq, %jit3A_17, %eq3A : i32
    %jit3A_19 = arith.constant 1 : i32
    %select_n3A_20 = arith.select %eq3A_18, %jit3A_19, %jit3A_17 : i32
    %rem3A_21 = arith.remsi %add3A, %select_n3A_20 : i32
    %ne3A_22 = arith.constant 0 : i32
    %ne3A_23 = arith.cmpi ne, %rem3A_21, %ne3A_22 : i32
    %lt3A = arith.constant 0 : i32
    %lt3A_24 = arith.cmpi slt, %rem3A_21, %lt3A : i32
    %lt3A_25 = arith.constant 0 : i32
    %lt3A_26 = arith.cmpi slt, %select_n3A_20, %lt3A_25 : i32
    %ne3A_27 = arith.xori %lt3A_24, %lt3A_26 : i1
    %and3A_28 = arith.andi %ne3A_27, %ne3A_23 : i1
    %add3A_29 = arith.addi %rem3A_21, %select_n3A_20 : i32
    %select_n3A_30 = arith.select %and3A_28, %add3A_29, %rem3A_21 : i32
    %mul3A_31 = arith.constant 1024 : i32
    %mul3A_32 = arith.muli %select_n3A_30, %mul3A_31 : i32
    %run_scoped3A = arith.constant 0 : i32
    "tpu.region"() ({
      %run_scoped3A_933 = tpu.sem_alloc : memref<!tpu.dma_semaphore, #tpu.memory_space<semaphore_mem>>
      %dma_start3A_934 = tpu.memref_slice %arg2[%select_n3A, %run_scoped3A, %mul3A_32] : memref<16x2x2048xf32, #tpu.memory_space<hbm>> -> memref<1x1x1024xf32, #tpu.memory_space<hbm>>
      %dma_start3A_935 = tpu.memref_squeeze %dma_start3A_934 : memref<1x1x1024xf32, #tpu.memory_space<hbm>> -> memref<1024xf32, #tpu.memory_space<hbm>>
      %dma_start3A_936 = tpu.memref_slice %arg2[%select_n3A, %run_scoped3A, %mul3A_32] : memref<16x2x2048xf32, #tpu.memory_space<hbm>> -> memref<1x1x1024xf32, #tpu.memory_space<hbm>>
      %dma_start3A_937 = tpu.memref_squeeze %dma_start3A_936 : memref<1x1x1024xf32, #tpu.memory_space<hbm>> -> memref<1024xf32, #tpu.memory_space<hbm>>
      tpu.enqueue_dma source(%dma_start3A_937 : memref<1024xf32, #tpu.memory_space<hbm>>) target(%arg5 : memref<1024xf32, #tpu.memory_space<vmem>>) target_semaphore(%run_scoped3A_933 : memref<!tpu.dma_semaphore, #tpu.memory_space<semaphore_mem>>)
      %dma_wait3A_938 = tpu.memref_slice %arg2[%select_n3A, %run_scoped3A, %mul3A_32] : memref<16x2x2048xf32, #tpu.memory_space<hbm>> -> memref<1x1x1024xf32, #tpu.memory_space<hbm>>
      %dma_wait3A_939 = tpu.memref_squeeze %dma_wait3A_938 : memref<1x1x1024xf32, #tpu.memory_space<hbm>> -> memref<1024xf32, #tpu.memory_space<hbm>>
      %dma_wait3A_940 = tpu.memref_slice %arg2[%select_n3A, %run_scoped3A, %mul3A_32] : memref<16x2x2048xf32, #tpu.memory_space<hbm>> -> memref<1x1x1024xf32, #tpu.memory_space<hbm>>
      %dma_wait3A_941 = tpu.memref_squeeze %dma_wait3A_940 : memref<1x1x1024xf32, #tpu.memory_space<hbm>> -> memref<1024xf32, #tpu.memory_space<hbm>>
      tpu.wait_dma2 semaphore(%run_scoped3A_933 : memref<!tpu.dma_semaphore, #tpu.memory_space<semaphore_mem>>) src(%dma_wait3A_941 : memref<1024xf32, #tpu.memory_space<hbm>>) dst(%arg5 : memref<1024xf32, #tpu.memory_space<vmem>>)
      tpu.yield
    }) : () -> ()
    %run_scoped3A_33 = arith.constant 1 : i32
    "tpu.region"() ({
      %run_scoped3A_933 = tpu.sem_alloc : memref<!tpu.dma_semaphore, #tpu.memory_space<semaphore_mem>>
      %dma_start3A_934 = tpu.memref_slice %arg2[%select_n3A, %run_scoped3A_33, %mul3A_32] : memref<16x2x2048xf32, #tpu.memory_space<hbm>> -> memref<1x1x1024xf32, #tpu.memory_space<hbm>>
      %dma_start3A_935 = tpu.memref_squeeze %dma_start3A_934 : memref<1x1x1024xf32, #tpu.memory_space<hbm>> -> memref<1024xf32, #tpu.memory_space<hbm>>
      %dma_start3A_936 = tpu.memref_slice %arg2[%select_n3A, %run_scoped3A_33, %mul3A_32] : memref<16x2x2048xf32, #tpu.memory_space<hbm>> -> memref<1x1x1024xf32, #tpu.memory_space<hbm>>
      %dma_start3A_937 = tpu.memref_squeeze %dma_start3A_936 : memref<1x1x1024xf32, #tpu.memory_space<hbm>> -> memref<1024xf32, #tpu.memory_space<hbm>>
      tpu.enqueue_dma source(%dma_start3A_937 : memref<1024xf32, #tpu.memory_space<hbm>>) target(%arg6 : memref<1024xf32, #tpu.memory_space<vmem>>) target_semaphore(%run_scoped3A_933 : memref<!tpu.dma_semaphore, #tpu.memory_space<semaphore_mem>>)
      %dma_wait3A_938 = tpu.memref_slice %arg2[%select_n3A, %run_scoped3A_33, %mul3A_32] : memref<16x2x2048xf32, #tpu.memory_space<hbm>> -> memref<1x1x1024xf32, #tpu.memory_space<hbm>>
      %dma_wait3A_939 = tpu.memref_squeeze %dma_wait3A_938 : memref<1x1x1024xf32, #tpu.memory_space<hbm>> -> memref<1024xf32, #tpu.memory_space<hbm>>
      %dma_wait3A_940 = tpu.memref_slice %arg2[%select_n3A, %run_scoped3A_33, %mul3A_32] : memref<16x2x2048xf32, #tpu.memory_space<hbm>> -> memref<1x1x1024xf32, #tpu.memory_space<hbm>>
      %dma_wait3A_941 = tpu.memref_squeeze %dma_wait3A_940 : memref<1x1x1024xf32, #tpu.memory_space<hbm>> -> memref<1024xf32, #tpu.memory_space<hbm>>
      tpu.wait_dma2 semaphore(%run_scoped3A_933 : memref<!tpu.dma_semaphore, #tpu.memory_space<semaphore_mem>>) src(%dma_wait3A_941 : memref<1024xf32, #tpu.memory_space<hbm>>) dst(%arg6 : memref<1024xf32, #tpu.memory_space<vmem>>)
      tpu.yield
    }) : () -> ()
    %iota3A = tpu.iota {dimensions = array<i32: 0>} : vector<16xi32>
    %mul3A_34 = arith.constant 1024 : i32
    %mul3A_35 = arith.muli %select_n3A, %mul3A_34 : i32
    %parallel_loop3A = arith.constant 0 : i32
    %parallel_loop3A_36 = arith.constant 64 : i32
    %parallel_loop3A_37 = arith.constant 1 : i32
    %parallel_loop3A_38 = arith.constant 1.600000e+01 : f32
    scf.for %parallel_loop3A_933 = %parallel_loop3A to %parallel_loop3A_36 step %parallel_loop3A_37  : i32 {
      %parallel_loop3A_934 = arith.constant 16 : i32
      %parallel_loop3A_935 = arith.muli %parallel_loop3A_933, %parallel_loop3A_934 : i32
      %parallel_loop3A_936 = arith.index_cast %parallel_loop3A_935 : i32 to index
      %parallel_loop3A_937 = tpu.vector_load %arg5[%parallel_loop3A_936] {strides = array<i32>} : memref<1024xf32, #tpu.memory_space<vmem>>, vector<16xf32>,
      %parallel_loop3A_938 = arith.constant 16 : i32
      %parallel_loop3A_939 = arith.muli %parallel_loop3A_933, %parallel_loop3A_938 : i32
      %parallel_loop3A_940 = arith.index_cast %parallel_loop3A_939 : i32 to index
      %parallel_loop3A_941 = tpu.vector_load %arg6[%parallel_loop3A_940] {strides = array<i32>} : memref<1024xf32, #tpu.memory_space<vmem>>, vector<16xf32>,
      %parallel_loop3A_942 = arith.constant -9.990000e-01 : f32
      %parallel_loop3A_943 = arith.constant 9.990000e-01 : f32
      %parallel_loop3A_944 = vector.broadcast %parallel_loop3A_942 : f32 to vector<16xf32>
      %parallel_loop3A_945 = arith.maximumf %parallel_loop3A_944, %parallel_loop3A_937 : vector<16xf32>
      %parallel_loop3A_946 = vector.broadcast %parallel_loop3A_943 : f32 to vector<16xf32>
      %parallel_loop3A_947 = arith.minimumf %parallel_loop3A_946, %parallel_loop3A_945 : vector<16xf32>
      %parallel_loop3A_948 = arith.constant -9.990000e-01 : f32
      %parallel_loop3A_949 = arith.constant 9.990000e-01 : f32
      %parallel_loop3A_950 = vector.broadcast %parallel_loop3A_948 : f32 to vector<16xf32>
      %parallel_loop3A_951 = arith.maximumf %parallel_loop3A_950, %parallel_loop3A_941 : vector<16xf32>
      %parallel_loop3A_952 = vector.broadcast %parallel_loop3A_949 : f32 to vector<16xf32>
      %parallel_loop3A_953 = arith.minimumf %parallel_loop3A_952, %parallel_loop3A_951 : vector<16xf32>
      %parallel_loop3A_954 = arith.constant 1.000000e+00 : f32
      %parallel_loop3A_955 = vector.broadcast %parallel_loop3A_954 : f32 to vector<16xf32>
      %parallel_loop3A_956 = arith.subf %parallel_loop3A_955, %parallel_loop3A_953 : vector<16xf32>
      %parallel_loop3A_957 = vector.broadcast %parallel_loop3A_38 : f32 to vector<16xf32>
      %parallel_loop3A_958 = arith.mulf %parallel_loop3A_956, %parallel_loop3A_957 : vector<16xf32>
      %parallel_loop3A_959 = arith.fptosi %parallel_loop3A_958 : vector<16xf32> to vector<16xi32>
      %parallel_loop3A_960 = arith.constant 1.000000e+00 : f32
      %parallel_loop3A_961 = vector.broadcast %parallel_loop3A_960 : f32 to vector<16xf32>
      %parallel_loop3A_962 = arith.addf %parallel_loop3A_961, %parallel_loop3A_947 : vector<16xf32>
      %parallel_loop3A_963 = vector.broadcast %parallel_loop3A_38 : f32 to vector<16xf32>
      %parallel_loop3A_964 = arith.mulf %parallel_loop3A_962, %parallel_loop3A_963 : vector<16xf32>
      %parallel_loop3A_965 = arith.fptosi %parallel_loop3A_964 : vector<16xf32> to vector<16xi32>
      %parallel_loop3A_966 = arith.constant 32 : i32
      %parallel_loop3A_967 = vector.broadcast %parallel_loop3A_966 : i32 to vector<16xi32>
      %parallel_loop3A_968 = arith.muli %parallel_loop3A_959, %parallel_loop3A_967 : vector<16xi32>
      %parallel_loop3A_969 = arith.addi %parallel_loop3A_968, %parallel_loop3A_965 : vector<16xi32>
      %parallel_loop3A_970 = vector.broadcast %mul3A_35 : i32 to vector<16xi32>
      %parallel_loop3A_971 = arith.addi %parallel_loop3A_969, %parallel_loop3A_970 : vector<16xi32>
      %parallel_loop3A_972 = arith.constant 2 : i32
      %parallel_loop3A_973 = arith.divsi %parallel_loop3A_933, %parallel_loop3A_972 : i32
      %parallel_loop3A_974 = arith.constant 0 : i32
      %parallel_loop3A_975 = arith.cmpi sgt, %parallel_loop3A_933, %parallel_loop3A_974 : i32
      %parallel_loop3A_976 = arith.extui %parallel_loop3A_975 : i1 to i32
      %parallel_loop3A_977 = arith.constant 0 : i32
      %parallel_loop3A_978 = arith.cmpi slt, %parallel_loop3A_933, %parallel_loop3A_977 : i32
      %parallel_loop3A_979 = arith.extui %parallel_loop3A_978 : i1 to i32
      %parallel_loop3A_980 = arith.subi %parallel_loop3A_976, %parallel_loop3A_979 : i32
      %parallel_loop3A_981 = arith.constant 0 : i32
      %parallel_loop3A_982 = arith.cmpi sgt, %parallel_loop3A_972, %parallel_loop3A_981 : i32
      %parallel_loop3A_983 = arith.extui %parallel_loop3A_982 : i1 to i32
      %parallel_loop3A_984 = arith.constant 0 : i32
      %parallel_loop3A_985 = arith.cmpi slt, %parallel_loop3A_972, %parallel_loop3A_984 : i32
      %parallel_loop3A_986 = arith.extui %parallel_loop3A_985 : i1 to i32
      %parallel_loop3A_987 = arith.subi %parallel_loop3A_983, %parallel_loop3A_986 : i32
      %parallel_loop3A_988 = arith.cmpi ne, %parallel_loop3A_980, %parallel_loop3A_987 : i32
      %parallel_loop3A_989 = arith.remsi %parallel_loop3A_933, %parallel_loop3A_972 : i32
      %parallel_loop3A_990 = arith.constant 0 : i32
      %parallel_loop3A_991 = arith.cmpi ne, %parallel_loop3A_989, %parallel_loop3A_990 : i32
      %parallel_loop3A_992 = arith.andi %parallel_loop3A_988, %parallel_loop3A_991 : i1
      %parallel_loop3A_993 = arith.constant 1 : i32
      %parallel_loop3A_994 = arith.subi %parallel_loop3A_973, %parallel_loop3A_993 : i32
      %parallel_loop3A_995 = arith.select %parallel_loop3A_992, %parallel_loop3A_994, %parallel_loop3A_973 : i32
      %parallel_loop3A_996 = arith.constant 2 : i32
      %parallel_loop3A_997 = arith.constant 0 : i32
      %parallel_loop3A_998 = arith.cmpi eq, %parallel_loop3A_996, %parallel_loop3A_997 : i32
      %parallel_loop3A_999 = arith.constant 1 : i32
      %parallel_loop3A_1000 = arith.select %parallel_loop3A_998, %parallel_loop3A_999, %parallel_loop3A_996 : i32
      %parallel_loop3A_1001 = arith.remsi %parallel_loop3A_933, %parallel_loop3A_1000 : i32
      %parallel_loop3A_1002 = arith.constant 0 : i32
      %parallel_loop3A_1003 = arith.cmpi ne, %parallel_loop3A_1001, %parallel_loop3A_1002 : i32
      %parallel_loop3A_1004 = arith.constant 0 : i32
      %parallel_loop3A_1005 = arith.cmpi slt, %parallel_loop3A_1001, %parallel_loop3A_1004 : i32
      %parallel_loop3A_1006 = arith.constant 0 : i32
      %parallel_loop3A_1007 = arith.cmpi slt, %parallel_loop3A_1000, %parallel_loop3A_1006 : i32
      %parallel_loop3A_1008 = arith.xori %parallel_loop3A_1005, %parallel_loop3A_1007 : i1
      %parallel_loop3A_1009 = arith.andi %parallel_loop3A_1008, %parallel_loop3A_1003 : i1
      %parallel_loop3A_1010 = arith.addi %parallel_loop3A_1001, %parallel_loop3A_1000 : i32
      %parallel_loop3A_1011 = arith.select %parallel_loop3A_1009, %parallel_loop3A_1010, %parallel_loop3A_1001 : i32
      %parallel_loop3A_1012 = arith.constant 16 : i32
      %parallel_loop3A_1013 = arith.muli %parallel_loop3A_1011, %parallel_loop3A_1012 : i32
      %parallel_loop3A_1014 = arith.index_cast %parallel_loop3A_995 : i32 to index
      %parallel_loop3A_1015 = arith.index_cast %parallel_loop3A_1013 : i32 to index
      %parallel_loop3A_1016 = tpu.vector_load %arg7[%parallel_loop3A_1014, %parallel_loop3A_1015] {strides = array<i32>} : memref<32x32xi32, #tpu.memory_space<vmem>>, vector<16xi32>,
      tpu.vector_store %arg7[%parallel_loop3A_1014, %parallel_loop3A_1015], %parallel_loop3A_971 {strides = array<i32>} : memref<32x32xi32, #tpu.memory_space<vmem>>, vector<16xi32>,
    } {sc.loop_unroll_factor = 4 : i64, sc.parallel_access}
    %dma_start3A = arith.constant 0 : i32
    %dma_start3A_39 = arith.constant 0 : i32
    %dma_start3A_40 = tpu.memref_slice %arg7[%dma_start3A, %dma_start3A_39] : memref<32x32xi32, #tpu.memory_space<vmem>> -> memref<1x32xi32, #tpu.memory_space<vmem>>
    %dma_start3A_41 = tpu.memref_squeeze %dma_start3A_40 : memref<1x32xi32, #tpu.memory_space<vmem>> -> memref<32xi32, #tpu.memory_space<vmem>>
    %dma_start3A_42 = arith.constant 0 : i32
    %dma_start3A_43 = arith.constant 0 : i32
    %dma_start3A_44 = tpu.memref_slice %arg3[%dma_start3A_42, %dma_start3A_43] : memref<16384x384xf32, #tpu.memory_space<hbm>> -> memref<16384x384xf32, #tpu.memory_space<hbm>>
    tpu.enqueue_indirect_dma source(%dma_start3A_44 : memref<16384x384xf32, #tpu.memory_space<hbm>>) target(%arg8 : memref<32x384xf32, #tpu.memory_space<vmem>>) offsets(%dma_start3A_41 : memref<32xi32, #tpu.memory_space<vmem>>) semaphore(%arg12 : memref<!tpu.dma_semaphore, #tpu.memory_space<semaphore_mem>>)
    %dma_start3A_45 = arith.constant 1 : i32
    %dma_start3A_46 = arith.constant 0 : i32
    %dma_start3A_47 = tpu.memref_slice %arg7[%dma_start3A_45, %dma_start3A_46] : memref<32x32xi32, #tpu.memory_space<vmem>> -> memref<1x32xi32, #tpu.memory_space<vmem>>
    %dma_start3A_48 = tpu.memref_squeeze %dma_start3A_47 : memref<1x32xi32, #tpu.memory_space<vmem>> -> memref<32xi32, #tpu.memory_space<vmem>>
    %dma_start3A_49 = arith.constant 0 : i32
    %dma_start3A_50 = arith.constant 0 : i32
    %dma_start3A_51 = tpu.memref_slice %arg3[%dma_start3A_49, %dma_start3A_50] : memref<16384x384xf32, #tpu.memory_space<hbm>> -> memref<16384x384xf32, #tpu.memory_space<hbm>>
    tpu.enqueue_indirect_dma source(%dma_start3A_51 : memref<16384x384xf32, #tpu.memory_space<hbm>>) target(%arg9 : memref<32x384xf32, #tpu.memory_space<vmem>>) offsets(%dma_start3A_48 : memref<32xi32, #tpu.memory_space<vmem>>) semaphore(%arg13 : memref<!tpu.dma_semaphore, #tpu.memory_space<semaphore_mem>>)
    %dma_start3A_52 = arith.constant 2 : i32
    %dma_start3A_53 = arith.constant 0 : i32
    %dma_start3A_54 = tpu.memref_slice %arg7[%dma_start3A_52, %dma_start3A_53] : memref<32x32xi32, #tpu.memory_space<vmem>> -> memref<1x32xi32, #tpu.memory_space<vmem>>
    %dma_start3A_55 = tpu.memref_squeeze %dma_start3A_54 : memref<1x32xi32, #tpu.memory_space<vmem>> -> memref<32xi32, #tpu.memory_space<vmem>>
    %dma_start3A_56 = arith.constant 0 : i32
    %dma_start3A_57 = arith.constant 0 : i32
    %dma_start3A_58 = tpu.memref_slice %arg3[%dma_start3A_56, %dma_start3A_57] : memref<16384x384xf32, #tpu.memory_space<hbm>> -> memref<16384x384xf32, #tpu.memory_space<hbm>>
    tpu.enqueue_indirect_dma source(%dma_start3A_58 : memref<16384x384xf32, #tpu.memory_space<hbm>>) target(%arg10 : memref<32x384xf32, #tpu.memory_space<vmem>>) offsets(%dma_start3A_55 : memref<32xi32, #tpu.memory_space<vmem>>) semaphore(%arg14 : memref<!tpu.dma_semaphore, #tpu.memory_space<semaphore_mem>>)
    %dma_start3A_59 = arith.constant 3 : i32
    %dma_start3A_60 = arith.constant 0 : i32
    %dma_start3A_61 = tpu.memref_slice %arg7[%dma_start3A_59, %dma_start3A_60] : memref<32x32xi32, #tpu.memory_space<vmem>> -> memref<1x32xi32, #tpu.memory_space<vmem>>
    %dma_start3A_62 = tpu.memref_squeeze %dma_start3A_61 : memref<1x32xi32, #tpu.memory_space<vmem>> -> memref<32xi32, #tpu.memory_space<vmem>>
    %dma_start3A_63 = arith.constant 0 : i32
    %dma_start3A_64 = arith.constant 0 : i32
    %dma_start3A_65 = tpu.memref_slice %arg3[%dma_start3A_63, %dma_start3A_64] : memref<16384x384xf32, #tpu.memory_space<hbm>> -> memref<16384x384xf32, #tpu.memory_space<hbm>>
    tpu.enqueue_indirect_dma source(%dma_start3A_65 : memref<16384x384xf32, #tpu.memory_space<hbm>>) target(%arg11 : memref<32x384xf32, #tpu.memory_space<vmem>>) offsets(%dma_start3A_62 : memref<32xi32, #tpu.memory_space<vmem>>) semaphore(%arg15 : memref<!tpu.dma_semaphore, #tpu.memory_space<semaphore_mem>>)
    %dma_wait3A = arith.constant 0 : i32
    %dma_wait3A_66 = arith.constant 0 : i32
    %dma_wait3A_67 = tpu.memref_slice %arg7[%dma_wait3A, %dma_wait3A_66] : memref<32x32xi32, #tpu.memory_space<vmem>> -> memref<1x32xi32, #tpu.memory_space<vmem>>
    %dma_wait3A_68 = tpu.memref_squeeze %dma_wait3A_67 : memref<1x32xi32, #tpu.memory_space<vmem>> -> memref<32xi32, #tpu.memory_space<vmem>>
    %dma_wait3A_69 = arith.constant 0 : i32
    %dma_wait3A_70 = arith.constant 0 : i32
    %dma_wait3A_71 = tpu.memref_slice %arg3[%dma_wait3A_69, %dma_wait3A_70] : memref<16384x384xf32, #tpu.memory_space<hbm>> -> memref<16384x384xf32, #tpu.memory_space<hbm>>
    tpu.wait_indirect_dma semaphore(%arg12 : memref<!tpu.dma_semaphore, #tpu.memory_space<semaphore_mem>>) src(%dma_wait3A_71 : memref<16384x384xf32, #tpu.memory_space<hbm>>) dst(%arg8 : memref<32x384xf32, #tpu.memory_space<vmem>>)
    %add3A_72 = arith.constant 0 : i32
    %add3A_73 = arith.addi %mul3A_32, %add3A_72 : i32
    %dma_start3A_74 = arith.constant 0 : i32
    %dma_start3A_75 = tpu.memref_slice %arg4[%select_n3A, %add3A_73, %dma_start3A_74] : memref<16x2048x384xf32, #tpu.memory_space<hbm>> -> memref<1x32x384xf32, #tpu.memory_space<hbm>>
    %dma_start3A_76 = tpu.memref_squeeze %dma_start3A_75 : memref<1x32x384xf32, #tpu.memory_space<hbm>> -> memref<32x384xf32, #tpu.memory_space<hbm>>
    %dma_start3A_77 = arith.constant 0 : i32
    %dma_start3A_78 = tpu.memref_slice %arg4[%select_n3A, %add3A_73, %dma_start3A_77] : memref<16x2048x384xf32, #tpu.memory_space<hbm>> -> memref<1x32x384xf32, #tpu.memory_space<hbm>>
    %dma_start3A_79 = tpu.memref_squeeze %dma_start3A_78 : memref<1x32x384xf32, #tpu.memory_space<hbm>> -> memref<32x384xf32, #tpu.memory_space<hbm>>
    tpu.enqueue_dma source(%arg8 : memref<32x384xf32, #tpu.memory_space<vmem>>) target(%dma_start3A_79 : memref<32x384xf32, #tpu.memory_space<hbm>>) target_semaphore(%arg16 : memref<!tpu.dma_semaphore, #tpu.memory_space<semaphore_mem>>)
    %dma_wait3A_80 = arith.constant 0 : i32
    %dma_wait3A_81 = tpu.memref_slice %arg4[%select_n3A, %add3A_73, %dma_wait3A_80] : memref<16x2048x384xf32, #tpu.memory_space<hbm>> -> memref<1x32x384xf32, #tpu.memory_space<hbm>>
    %dma_wait3A_82 = tpu.memref_squeeze %dma_wait3A_81 : memref<1x32x384xf32, #tpu.memory_space<hbm>> -> memref<32x384xf32, #tpu.memory_space<hbm>>
    %dma_wait3A_83 = arith.constant 0 : i32
    %dma_wait3A_84 = tpu.memref_slice %arg4[%select_n3A, %add3A_73, %dma_wait3A_83] : memref<16x2048x384xf32, #tpu.memory_space<hbm>> -> memref<1x32x384xf32, #tpu.memory_space<hbm>>
    %dma_wait3A_85 = tpu.memref_squeeze %dma_wait3A_84 : memref<1x32x384xf32, #tpu.memory_space<hbm>> -> memref<32x384xf32, #tpu.memory_space<hbm>>
    tpu.wait_dma2 semaphore(%arg16 : memref<!tpu.dma_semaphore, #tpu.memory_space<semaphore_mem>>) src(%arg8 : memref<32x384xf32, #tpu.memory_space<vmem>>) dst(%dma_wait3A_85 : memref<32x384xf32, #tpu.memory_space<hbm>>)
    %dma_start3A_86 = arith.constant 4 : i32
    %dma_start3A_87 = arith.constant 0 : i32
    %dma_start3A_88 = tpu.memref_slice %arg7[%dma_start3A_86, %dma_start3A_87] : memref<32x32xi32, #tpu.memory_space<vmem>> -> memref<1x32xi32, #tpu.memory_space<vmem>>
    %dma_start3A_89 = tpu.memref_squeeze %dma_start3A_88 : memref<1x32xi32, #tpu.memory_space<vmem>> -> memref<32xi32, #tpu.memory_space<vmem>>
    %dma_start3A_90 = arith.constant 0 : i32
    %dma_start3A_91 = arith.constant 0 : i32
    %dma_start3A_92 = tpu.memref_slice %arg3[%dma_start3A_90, %dma_start3A_91] : memref<16384x384xf32, #tpu.memory_space<hbm>> -> memref<16384x384xf32, #tpu.memory_space<hbm>>
    tpu.enqueue_indirect_dma source(%dma_start3A_92 : memref<16384x384xf32, #tpu.memory_space<hbm>>) target(%arg8 : memref<32x384xf32, #tpu.memory_space<vmem>>) offsets(%dma_start3A_89 : memref<32xi32, #tpu.memory_space<vmem>>) semaphore(%arg12 : memref<!tpu.dma_semaphore, #tpu.memory_space<semaphore_mem>>)
    %dma_wait3A_93 = arith.constant 1 : i32
    %dma_wait3A_94 = arith.constant 0 : i32
    %dma_wait3A_95 = tpu.memref_slice %arg7[%dma_wait3A_93, %dma_wait3A_94] : memref<32x32xi32, #tpu.memory_space<vmem>> -> memref<1x32xi32, #tpu.memory_space<vmem>>
    %dma_wait3A_96 = tpu.memref_squeeze %dma_wait3A_95 : memref<1x32xi32, #tpu.memory_space<vmem>> -> memref<32xi32, #tpu.memory_space<vmem>>
    %dma_wait3A_97 = arith.constant 0 : i32
    %dma_wait3A_98 = arith.constant 0 : i32
    %dma_wait3A_99 = tpu.memref_slice %arg3[%dma_wait3A_97, %dma_wait3A_98] : memref<16384x384xf32, #tpu.memory_space<hbm>> -> memref<16384x384xf32, #tpu.memory_space<hbm>>
    tpu.wait_indirect_dma semaphore(%arg13 : memref<!tpu.dma_semaphore, #tpu.memory_space<semaphore_mem>>) src(%dma_wait3A_99 : memref<16384x384xf32, #tpu.memory_space<hbm>>) dst(%arg9 : memref<32x384xf32, #tpu.memory_space<vmem>>)
    %add3A_100 = arith.constant 32 : i32
    %add3A_101 = arith.addi %mul3A_32, %add3A_100 : i32
    %dma_start3A_102 = arith.constant 0 : i32
    %dma_start3A_103 = tpu.memref_slice %arg4[%select_n3A, %add3A_101, %dma_start3A_102] : memref<16x2048x384xf32, #tpu.memory_space<hbm>> -> memref<1x32x384xf32, #tpu.memory_space<hbm>>
    %dma_start3A_104 = tpu.memref_squeeze %dma_start3A_103 : memref<1x32x384xf32, #tpu.memory_space<hbm>> -> memref<32x384xf32, #tpu.memory_space<hbm>>
    %dma_start3A_105 = arith.constant 0 : i32
    %dma_start3A_106 = tpu.memref_slice %arg4[%select_n3A, %add3A_101, %dma_start3A_105] : memref<16x2048x384xf32, #tpu.memory_space<hbm>> -> memref<1x32x384xf32, #tpu.memory_space<hbm>>
    %dma_start3A_107 = tpu.memref_squeeze %dma_start3A_106 : memref<1x32x384xf32, #tpu.memory_space<hbm>> -> memref<32x384xf32, #tpu.memory_space<hbm>>
    tpu.enqueue_dma source(%arg9 : memref<32x384xf32, #tpu.memory_space<vmem>>) target(%dma_start3A_107 : memref<32x384xf32, #tpu.memory_space<hbm>>) target_semaphore(%arg17 : memref<!tpu.dma_semaphore, #tpu.memory_space<semaphore_mem>>)
    %dma_wait3A_108 = arith.constant 0 : i32
    %dma_wait3A_109 = tpu.memref_slice %arg4[%select_n3A, %add3A_101, %dma_wait3A_108] : memref<16x2048x384xf32, #tpu.memory_space<hbm>> -> memref<1x32x384xf32, #tpu.memory_space<hbm>>
    %dma_wait3A_110 = tpu.memref_squeeze %dma_wait3A_109 : memref<1x32x384xf32, #tpu.memory_space<hbm>> -> memref<32x384xf32, #tpu.memory_space<hbm>>
    %dma_wait3A_111 = arith.constant 0 : i32
    %dma_wait3A_112 = tpu.memref_slice %arg4[%select_n3A, %add3A_101, %dma_wait3A_111] : memref<16x2048x384xf32, #tpu.memory_space<hbm>> -> memref<1x32x384xf32, #tpu.memory_space<hbm>>
    %dma_wait3A_113 = tpu.memref_squeeze %dma_wait3A_112 : memref<1x32x384xf32, #tpu.memory_space<hbm>> -> memref<32x384xf32, #tpu.memory_space<hbm>>
    tpu.wait_dma2 semaphore(%arg17 : memref<!tpu.dma_semaphore, #tpu.memory_space<semaphore_mem>>) src(%arg9 : memref<32x384xf32, #tpu.memory_space<vmem>>) dst(%dma_wait3A_113 : memref<32x384xf32, #tpu.memory_space<hbm>>)
    %dma_start3A_114 = arith.constant 5 : i32
    %dma_start3A_115 = arith.constant 0 : i32
    %dma_start3A_116 = tpu.memref_slice %arg7[%dma_start3A_114, %dma_start3A_115] : memref<32x32xi32, #tpu.memory_space<vmem>> -> memref<1x32xi32, #tpu.memory_space<vmem>>
    %dma_start3A_117 = tpu.memref_squeeze %dma_start3A_116 : memref<1x32xi32, #tpu.memory_space<vmem>> -> memref<32xi32, #tpu.memory_space<vmem>>
    %dma_start3A_118 = arith.constant 0 : i32
    %dma_start3A_119 = arith.constant 0 : i32
    %dma_start3A_120 = tpu.memref_slice %arg3[%dma_start3A_118, %dma_start3A_119] : memref<16384x384xf32, #tpu.memory_space<hbm>> -> memref<16384x384xf32, #tpu.memory_space<hbm>>
    tpu.enqueue_indirect_dma source(%dma_start3A_120 : memref<16384x384xf32, #tpu.memory_space<hbm>>) target(%arg9 : memref<32x384xf32, #tpu.memory_space<vmem>>) offsets(%dma_start3A_117 : memref<32xi32, #tpu.memory_space<vmem>>) semaphore(%arg13 : memref<!tpu.dma_semaphore, #tpu.memory_space<semaphore_mem>>)
    %dma_wait3A_121 = arith.constant 2 : i32
    %dma_wait3A_122 = arith.constant 0 : i32
    %dma_wait3A_123 = tpu.memref_slice %arg7[%dma_wait3A_121, %dma_wait3A_122] : memref<32x32xi32, #tpu.memory_space<vmem>> -> memref<1x32xi32, #tpu.memory_space<vmem>>
    %dma_wait3A_124 = tpu.memref_squeeze %dma_wait3A_123 : memref<1x32xi32, #tpu.memory_space<vmem>> -> memref<32xi32, #tpu.memory_space<vmem>>
    %dma_wait3A_125 = arith.constant 0 : i32
    %dma_wait3A_126 = arith.constant 0 : i32
    %dma_wait3A_127 = tpu.memref_slice %arg3[%dma_wait3A_125, %dma_wait3A_126] : memref<16384x384xf32, #tpu.memory_space<hbm>> -> memref<16384x384xf32, #tpu.memory_space<hbm>>
    tpu.wait_indirect_dma semaphore(%arg14 : memref<!tpu.dma_semaphore, #tpu.memory_space<semaphore_mem>>) src(%dma_wait3A_127 : memref<16384x384xf32, #tpu.memory_space<hbm>>) dst(%arg10 : memref<32x384xf32, #tpu.memory_space<vmem>>)
    %add3A_128 = arith.constant 64 : i32
    %add3A_129 = arith.addi %mul3A_32, %add3A_128 : i32
    %dma_start3A_130 = arith.constant 0 : i32
    %dma_start3A_131 = tpu.memref_slice %arg4[%select_n3A, %add3A_129, %dma_start3A_130] : memref<16x2048x384xf32, #tpu.memory_space<hbm>> -> memref<1x32x384xf32, #tpu.memory_space<hbm>>
    %dma_start3A_132 = tpu.memref_squeeze %dma_start3A_131 : memref<1x32x384xf32, #tpu.memory_space<hbm>> -> memref<32x384xf32, #tpu.memory_space<hbm>>
    %dma_start3A_133 = arith.constant 0 : i32
    %dma_start3A_134 = tpu.memref_slice %arg4[%select_n3A, %add3A_129, %dma_start3A_133] : memref<16x2048x384xf32, #tpu.memory_space<hbm>> -> memref<1x32x384xf32, #tpu.memory_space<hbm>>
    %dma_start3A_135 = tpu.memref_squeeze %dma_start3A_134 : memref<1x32x384xf32, #tpu.memory_space<hbm>> -> memref<32x384xf32, #tpu.memory_space<hbm>>
    tpu.enqueue_dma source(%arg10 : memref<32x384xf32, #tpu.memory_space<vmem>>) target(%dma_start3A_135 : memref<32x384xf32, #tpu.memory_space<hbm>>) target_semaphore(%arg18 : memref<!tpu.dma_semaphore, #tpu.memory_space<semaphore_mem>>)
    %dma_wait3A_136 = arith.constant 0 : i32
    %dma_wait3A_137 = tpu.memref_slice %arg4[%select_n3A, %add3A_129, %dma_wait3A_136] : memref<16x2048x384xf32, #tpu.memory_space<hbm>> -> memref<1x32x384xf32, #tpu.memory_space<hbm>>
    %dma_wait3A_138 = tpu.memref_squeeze %dma_wait3A_137 : memref<1x32x384xf32, #tpu.memory_space<hbm>> -> memref<32x384xf32, #tpu.memory_space<hbm>>
    %dma_wait3A_139 = arith.constant 0 : i32
    %dma_wait3A_140 = tpu.memref_slice %arg4[%select_n3A, %add3A_129, %dma_wait3A_139] : memref<16x2048x384xf32, #tpu.memory_space<hbm>> -> memref<1x32x384xf32, #tpu.memory_space<hbm>>
    %dma_wait3A_141 = tpu.memref_squeeze %dma_wait3A_140 : memref<1x32x384xf32, #tpu.memory_space<hbm>> -> memref<32x384xf32, #tpu.memory_space<hbm>>
    tpu.wait_dma2 semaphore(%arg18 : memref<!tpu.dma_semaphore, #tpu.memory_space<semaphore_mem>>) src(%arg10 : memref<32x384xf32, #tpu.memory_space<vmem>>) dst(%dma_wait3A_141 : memref<32x384xf32, #tpu.memory_space<hbm>>)
    %dma_start3A_142 = arith.constant 6 : i32
    %dma_start3A_143 = arith.constant 0 : i32
    %dma_start3A_144 = tpu.memref_slice %arg7[%dma_start3A_142, %dma_start3A_143] : memref<32x32xi32, #tpu.memory_space<vmem>> -> memref<1x32xi32, #tpu.memory_space<vmem>>
    %dma_start3A_145 = tpu.memref_squeeze %dma_start3A_144 : memref<1x32xi32, #tpu.memory_space<vmem>> -> memref<32xi32, #tpu.memory_space<vmem>>
    %dma_start3A_146 = arith.constant 0 : i32
    %dma_start3A_147 = arith.constant 0 : i32
    %dma_start3A_148 = tpu.memref_slice %arg3[%dma_start3A_146, %dma_start3A_147] : memref<16384x384xf32, #tpu.memory_space<hbm>> -> memref<16384x384xf32, #tpu.memory_space<hbm>>
    tpu.enqueue_indirect_dma source(%dma_start3A_148 : memref<16384x384xf32, #tpu.memory_space<hbm>>) target(%arg10 : memref<32x384xf32, #tpu.memory_space<vmem>>) offsets(%dma_start3A_145 : memref<32xi32, #tpu.memory_space<vmem>>) semaphore(%arg14 : memref<!tpu.dma_semaphore, #tpu.memory_space<semaphore_mem>>)
    %dma_wait3A_149 = arith.constant 3 : i32
    %dma_wait3A_150 = arith.constant 0 : i32
    %dma_wait3A_151 = tpu.memref_slice %arg7[%dma_wait3A_149, %dma_wait3A_150] : memref<32x32xi32, #tpu.memory_space<vmem>> -> memref<1x32xi32, #tpu.memory_space<vmem>>
    %dma_wait3A_152 = tpu.memref_squeeze %dma_wait3A_151 : memref<1x32xi32, #tpu.memory_space<vmem>> -> memref<32xi32, #tpu.memory_space<vmem>>
    %dma_wait3A_153 = arith.constant 0 : i32
    %dma_wait3A_154 = arith.constant 0 : i32
    %dma_wait3A_155 = tpu.memref_slice %arg3[%dma_wait3A_153, %dma_wait3A_154] : memref<16384x384xf32, #tpu.memory_space<hbm>> -> memref<16384x384xf32, #tpu.memory_space<hbm>>
    tpu.wait_indirect_dma semaphore(%arg15 : memref<!tpu.dma_semaphore, #tpu.memory_space<semaphore_mem>>) src(%dma_wait3A_155 : memref<16384x384xf32, #tpu.memory_space<hbm>>) dst(%arg11 : memref<32x384xf32, #tpu.memory_space<vmem>>)
    %add3A_156 = arith.constant 96 : i32
    %add3A_157 = arith.addi %mul3A_32, %add3A_156 : i32
    %dma_start3A_158 = arith.constant 0 : i32
    %dma_start3A_159 = tpu.memref_slice %arg4[%select_n3A, %add3A_157, %dma_start3A_158] : memref<16x2048x384xf32, #tpu.memory_space<hbm>> -> memref<1x32x384xf32, #tpu.memory_space<hbm>>
    %dma_start3A_160 = tpu.memref_squeeze %dma_start3A_159 : memref<1x32x384xf32, #tpu.memory_space<hbm>> -> memref<32x384xf32, #tpu.memory_space<hbm>>
    %dma_start3A_161 = arith.constant 0 : i32
    %dma_start3A_162 = tpu.memref_slice %arg4[%select_n3A, %add3A_157, %dma_start3A_161] : memref<16x2048x384xf32, #tpu.memory_space<hbm>> -> memref<1x32x384xf32, #tpu.memory_space<hbm>>
    %dma_start3A_163 = tpu.memref_squeeze %dma_start3A_162 : memref<1x32x384xf32, #tpu.memory_space<hbm>> -> memref<32x384xf32, #tpu.memory_space<hbm>>
    tpu.enqueue_dma source(%arg11 : memref<32x384xf32, #tpu.memory_space<vmem>>) target(%dma_start3A_163 : memref<32x384xf32, #tpu.memory_space<hbm>>) target_semaphore(%arg19 : memref<!tpu.dma_semaphore, #tpu.memory_space<semaphore_mem>>)
    %dma_wait3A_164 = arith.constant 0 : i32
    %dma_wait3A_165 = tpu.memref_slice %arg4[%select_n3A, %add3A_157, %dma_wait3A_164] : memref<16x2048x384xf32, #tpu.memory_space<hbm>> -> memref<1x32x384xf32, #tpu.memory_space<hbm>>
    %dma_wait3A_166 = tpu.memref_squeeze %dma_wait3A_165 : memref<1x32x384xf32, #tpu.memory_space<hbm>> -> memref<32x384xf32, #tpu.memory_space<hbm>>
    %dma_wait3A_167 = arith.constant 0 : i32
    %dma_wait3A_168 = tpu.memref_slice %arg4[%select_n3A, %add3A_157, %dma_wait3A_167] : memref<16x2048x384xf32, #tpu.memory_space<hbm>> -> memref<1x32x384xf32, #tpu.memory_space<hbm>>
    %dma_wait3A_169 = tpu.memref_squeeze %dma_wait3A_168 : memref<1x32x384xf32, #tpu.memory_space<hbm>> -> memref<32x384xf32, #tpu.memory_space<hbm>>
    tpu.wait_dma2 semaphore(%arg19 : memref<!tpu.dma_semaphore, #tpu.memory_space<semaphore_mem>>) src(%arg11 : memref<32x384xf32, #tpu.memory_space<vmem>>) dst(%dma_wait3A_169 : memref<32x384xf32, #tpu.memory_space<hbm>>)
    %dma_start3A_170 = arith.constant 7 : i32
    %dma_start3A_171 = arith.constant 0 : i32
    %dma_start3A_172 = tpu.memref_slice %arg7[%dma_start3A_170, %dma_start3A_171] : memref<32x32xi32, #tpu.memory_space<vmem>> -> memref<1x32xi32, #tpu.memory_space<vmem>>
    %dma_start3A_173 = tpu.memref_squeeze %dma_start3A_172 : memref<1x32xi32, #tpu.memory_space<vmem>> -> memref<32xi32, #tpu.memory_space<vmem>>
    %dma_start3A_174 = arith.constant 0 : i32
    %dma_start3A_175 = arith.constant 0 : i32
    %dma_start3A_176 = tpu.memref_slice %arg3[%dma_start3A_174, %dma_start3A_175] : memref<16384x384xf32, #tpu.memory_space<hbm>> -> memref<16384x384xf32, #tpu.memory_space<hbm>>
    tpu.enqueue_indirect_dma source(%dma_start3A_176 : memref<16384x384xf32, #tpu.memory_space<hbm>>) target(%arg11 : memref<32x384xf32, #tpu.memory_space<vmem>>) offsets(%dma_start3A_173 : memref<32xi32, #tpu.memory_space<vmem>>) semaphore(%arg15 : memref<!tpu.dma_semaphore, #tpu.memory_space<semaphore_mem>>)
    %dma_wait3A_177 = arith.constant 4 : i32
    %dma_wait3A_178 = arith.constant 0 : i32
    %dma_wait3A_179 = tpu.memref_slice %arg7[%dma_wait3A_177, %dma_wait3A_178] : memref<32x32xi32, #tpu.memory_space<vmem>> -> memref<1x32xi32, #tpu.memory_space<vmem>>
    %dma_wait3A_180 = tpu.memref_squeeze %dma_wait3A_179 : memref<1x32xi32, #tpu.memory_space<vmem>> -> memref<32xi32, #tpu.memory_space<vmem>>
    %dma_wait3A_181 = arith.constant 0 : i32
    %dma_wait3A_182 = arith.constant 0 : i32
    %dma_wait3A_183 = tpu.memref_slice %arg3[%dma_wait3A_181, %dma_wait3A_182] : memref<16384x384xf32, #tpu.memory_space<hbm>> -> memref<16384x384xf32, #tpu.memory_space<hbm>>
    tpu.wait_indirect_dma semaphore(%arg12 : memref<!tpu.dma_semaphore, #tpu.memory_space<semaphore_mem>>) src(%dma_wait3A_183 : memref<16384x384xf32, #tpu.memory_space<hbm>>) dst(%arg8 : memref<32x384xf32, #tpu.memory_space<vmem>>)
    %add3A_184 = arith.constant 128 : i32
    %add3A_185 = arith.addi %mul3A_32, %add3A_184 : i32
    %dma_start3A_186 = arith.constant 0 : i32
    %dma_start3A_187 = tpu.memref_slice %arg4[%select_n3A, %add3A_185, %dma_start3A_186] : memref<16x2048x384xf32, #tpu.memory_space<hbm>> -> memref<1x32x384xf32, #tpu.memory_space<hbm>>
    %dma_start3A_188 = tpu.memref_squeeze %dma_start3A_187 : memref<1x32x384xf32, #tpu.memory_space<hbm>> -> memref<32x384xf32, #tpu.memory_space<hbm>>
    %dma_start3A_189 = arith.constant 0 : i32
    %dma_start3A_190 = tpu.memref_slice %arg4[%select_n3A, %add3A_185, %dma_start3A_189] : memref<16x2048x384xf32, #tpu.memory_space<hbm>> -> memref<1x32x384xf32, #tpu.memory_space<hbm>>
    %dma_start3A_191 = tpu.memref_squeeze %dma_start3A_190 : memref<1x32x384xf32, #tpu.memory_space<hbm>> -> memref<32x384xf32, #tpu.memory_space<hbm>>
    tpu.enqueue_dma source(%arg8 : memref<32x384xf32, #tpu.memory_space<vmem>>) target(%dma_start3A_191 : memref<32x384xf32, #tpu.memory_space<hbm>>) target_semaphore(%arg16 : memref<!tpu.dma_semaphore, #tpu.memory_space<semaphore_mem>>)
    %dma_wait3A_192 = arith.constant 0 : i32
    %dma_wait3A_193 = tpu.memref_slice %arg4[%select_n3A, %add3A_185, %dma_wait3A_192] : memref<16x2048x384xf32, #tpu.memory_space<hbm>> -> memref<1x32x384xf32, #tpu.memory_space<hbm>>
    %dma_wait3A_194 = tpu.memref_squeeze %dma_wait3A_193 : memref<1x32x384xf32, #tpu.memory_space<hbm>> -> memref<32x384xf32, #tpu.memory_space<hbm>>
    %dma_wait3A_195 = arith.constant 0 : i32
    %dma_wait3A_196 = tpu.memref_slice %arg4[%select_n3A, %add3A_185, %dma_wait3A_195] : memref<16x2048x384xf32, #tpu.memory_space<hbm>> -> memref<1x32x384xf32, #tpu.memory_space<hbm>>
    %dma_wait3A_197 = tpu.memref_squeeze %dma_wait3A_196 : memref<1x32x384xf32, #tpu.memory_space<hbm>> -> memref<32x384xf32, #tpu.memory_space<hbm>>
    tpu.wait_dma2 semaphore(%arg16 : memref<!tpu.dma_semaphore, #tpu.memory_space<semaphore_mem>>) src(%arg8 : memref<32x384xf32, #tpu.memory_space<vmem>>) dst(%dma_wait3A_197 : memref<32x384xf32, #tpu.memory_space<hbm>>)
    %dma_start3A_198 = arith.constant 8 : i32
    %dma_start3A_199 = arith.constant 0 : i32
    %dma_start3A_200 = tpu.memref_slice %arg7[%dma_start3A_198, %dma_start3A_199] : memref<32x32xi32, #tpu.memory_space<vmem>> -> memref<1x32xi32, #tpu.memory_space<vmem>>
    %dma_start3A_201 = tpu.memref_squeeze %dma_start3A_200 : memref<1x32xi32, #tpu.memory_space<vmem>> -> memref<32xi32, #tpu.memory_space<vmem>>
    %dma_start3A_202 = arith.constant 0 : i32
    %dma_start3A_203 = arith.constant 0 : i32
    %dma_start3A_204 = tpu.memref_slice %arg3[%dma_start3A_202, %dma_start3A_203] : memref<16384x384xf32, #tpu.memory_space<hbm>> -> memref<16384x384xf32, #tpu.memory_space<hbm>>
    tpu.enqueue_indirect_dma source(%dma_start3A_204 : memref<16384x384xf32, #tpu.memory_space<hbm>>) target(%arg8 : memref<32x384xf32, #tpu.memory_space<vmem>>) offsets(%dma_start3A_201 : memref<32xi32, #tpu.memory_space<vmem>>) semaphore(%arg12 : memref<!tpu.dma_semaphore, #tpu.memory_space<semaphore_mem>>)
    %dma_wait3A_205 = arith.constant 5 : i32
    %dma_wait3A_206 = arith.constant 0 : i32
    %dma_wait3A_207 = tpu.memref_slice %arg7[%dma_wait3A_205, %dma_wait3A_206] : memref<32x32xi32, #tpu.memory_space<vmem>> -> memref<1x32xi32, #tpu.memory_space<vmem>>
    %dma_wait3A_208 = tpu.memref_squeeze %dma_wait3A_207 : memref<1x32xi32, #tpu.memory_space<vmem>> -> memref<32xi32, #tpu.memory_space<vmem>>
    %dma_wait3A_209 = arith.constant 0 : i32
    %dma_wait3A_210 = arith.constant 0 : i32
    %dma_wait3A_211 = tpu.memref_slice %arg3[%dma_wait3A_209, %dma_wait3A_210] : memref<16384x384xf32, #tpu.memory_space<hbm>> -> memref<16384x384xf32, #tpu.memory_space<hbm>>
    tpu.wait_indirect_dma semaphore(%arg13 : memref<!tpu.dma_semaphore, #tpu.memory_space<semaphore_mem>>) src(%dma_wait3A_211 : memref<16384x384xf32, #tpu.memory_space<hbm>>) dst(%arg9 : memref<32x384xf32, #tpu.memory_space<vmem>>)
    %add3A_212 = arith.constant 160 : i32
    %add3A_213 = arith.addi %mul3A_32, %add3A_212 : i32
    %dma_start3A_214 = arith.constant 0 : i32
    %dma_start3A_215 = tpu.memref_slice %arg4[%select_n3A, %add3A_213, %dma_start3A_214] : memref<16x2048x384xf32, #tpu.memory_space<hbm>> -> memref<1x32x384xf32, #tpu.memory_space<hbm>>
    %dma_start3A_216 = tpu.memref_squeeze %dma_start3A_215 : memref<1x32x384xf32, #tpu.memory_space<hbm>> -> memref<32x384xf32, #tpu.memory_space<hbm>>
    %dma_start3A_217 = arith.constant 0 : i32
    %dma_start3A_218 = tpu.memref_slice %arg4[%select_n3A, %add3A_213, %dma_start3A_217] : memref<16x2048x384xf32, #tpu.memory_space<hbm>> -> memref<1x32x384xf32, #tpu.memory_space<hbm>>
    %dma_start3A_219 = tpu.memref_squeeze %dma_start3A_218 : memref<1x32x384xf32, #tpu.memory_space<hbm>> -> memref<32x384xf32, #tpu.memory_space<hbm>>
    tpu.enqueue_dma source(%arg9 : memref<32x384xf32, #tpu.memory_space<vmem>>) target(%dma_start3A_219 : memref<32x384xf32, #tpu.memory_space<hbm>>) target_semaphore(%arg17 : memref<!tpu.dma_semaphore, #tpu.memory_space<semaphore_mem>>)
    %dma_wait3A_220 = arith.constant 0 : i32
    %dma_wait3A_221 = tpu.memref_slice %arg4[%select_n3A, %add3A_213, %dma_wait3A_220] : memref<16x2048x384xf32, #tpu.memory_space<hbm>> -> memref<1x32x384xf32, #tpu.memory_space<hbm>>
    %dma_wait3A_222 = tpu.memref_squeeze %dma_wait3A_221 : memref<1x32x384xf32, #tpu.memory_space<hbm>> -> memref<32x384xf32, #tpu.memory_space<hbm>>
    %dma_wait3A_223 = arith.constant 0 : i32
    %dma_wait3A_224 = tpu.memref_slice %arg4[%select_n3A, %add3A_213, %dma_wait3A_223] : memref<16x2048x384xf32, #tpu.memory_space<hbm>> -> memref<1x32x384xf32, #tpu.memory_space<hbm>>
    %dma_wait3A_225 = tpu.memref_squeeze %dma_wait3A_224 : memref<1x32x384xf32, #tpu.memory_space<hbm>> -> memref<32x384xf32, #tpu.memory_space<hbm>>
    tpu.wait_dma2 semaphore(%arg17 : memref<!tpu.dma_semaphore, #tpu.memory_space<semaphore_mem>>) src(%arg9 : memref<32x384xf32, #tpu.memory_space<vmem>>) dst(%dma_wait3A_225 : memref<32x384xf32, #tpu.memory_space<hbm>>)
    %dma_start3A_226 = arith.constant 9 : i32
    %dma_start3A_227 = arith.constant 0 : i32
    %dma_start3A_228 = tpu.memref_slice %arg7[%dma_start3A_226, %dma_start3A_227] : memref<32x32xi32, #tpu.memory_space<vmem>> -> memref<1x32xi32, #tpu.memory_space<vmem>>
    %dma_start3A_229 = tpu.memref_squeeze %dma_start3A_228 : memref<1x32xi32, #tpu.memory_space<vmem>> -> memref<32xi32, #tpu.memory_space<vmem>>
    %dma_start3A_230 = arith.constant 0 : i32
    %dma_start3A_231 = arith.constant 0 : i32
    %dma_start3A_232 = tpu.memref_slice %arg3[%dma_start3A_230, %dma_start3A_231] : memref<16384x384xf32, #tpu.memory_space<hbm>> -> memref<16384x384xf32, #tpu.memory_space<hbm>>
    tpu.enqueue_indirect_dma source(%dma_start3A_232 : memref<16384x384xf32, #tpu.memory_space<hbm>>) target(%arg9 : memref<32x384xf32, #tpu.memory_space<vmem>>) offsets(%dma_start3A_229 : memref<32xi32, #tpu.memory_space<vmem>>) semaphore(%arg13 : memref<!tpu.dma_semaphore, #tpu.memory_space<semaphore_mem>>)
    %dma_wait3A_233 = arith.constant 6 : i32
    %dma_wait3A_234 = arith.constant 0 : i32
    %dma_wait3A_235 = tpu.memref_slice %arg7[%dma_wait3A_233, %dma_wait3A_234] : memref<32x32xi32, #tpu.memory_space<vmem>> -> memref<1x32xi32, #tpu.memory_space<vmem>>
    %dma_wait3A_236 = tpu.memref_squeeze %dma_wait3A_235 : memref<1x32xi32, #tpu.memory_space<vmem>> -> memref<32xi32, #tpu.memory_space<vmem>>
    %dma_wait3A_237 = arith.constant 0 : i32
    %dma_wait3A_238 = arith.constant 0 : i32
    %dma_wait3A_239 = tpu.memref_slice %arg3[%dma_wait3A_237, %dma_wait3A_238] : memref<16384x384xf32, #tpu.memory_space<hbm>> -> memref<16384x384xf32, #tpu.memory_space<hbm>>
    tpu.wait_indirect_dma semaphore(%arg14 : memref<!tpu.dma_semaphore, #tpu.memory_space<semaphore_mem>>) src(%dma_wait3A_239 : memref<16384x384xf32, #tpu.memory_space<hbm>>) dst(%arg10 : memref<32x384xf32, #tpu.memory_space<vmem>>)
    %add3A_240 = arith.constant 192 : i32
    %add3A_241 = arith.addi %mul3A_32, %add3A_240 : i32
    %dma_start3A_242 = arith.constant 0 : i32
    %dma_start3A_243 = tpu.memref_slice %arg4[%select_n3A, %add3A_241, %dma_start3A_242] : memref<16x2048x384xf32, #tpu.memory_space<hbm>> -> memref<1x32x384xf32, #tpu.memory_space<hbm>>
    %dma_start3A_244 = tpu.memref_squeeze %dma_start3A_243 : memref<1x32x384xf32, #tpu.memory_space<hbm>> -> memref<32x384xf32, #tpu.memory_space<hbm>>
    %dma_start3A_245 = arith.constant 0 : i32
    %dma_start3A_246 = tpu.memref_slice %arg4[%select_n3A, %add3A_241, %dma_start3A_245] : memref<16x2048x384xf32, #tpu.memory_space<hbm>> -> memref<1x32x384xf32, #tpu.memory_space<hbm>>
    %dma_start3A_247 = tpu.memref_squeeze %dma_start3A_246 : memref<1x32x384xf32, #tpu.memory_space<hbm>> -> memref<32x384xf32, #tpu.memory_space<hbm>>
    tpu.enqueue_dma source(%arg10 : memref<32x384xf32, #tpu.memory_space<vmem>>) target(%dma_start3A_247 : memref<32x384xf32, #tpu.memory_space<hbm>>) target_semaphore(%arg18 : memref<!tpu.dma_semaphore, #tpu.memory_space<semaphore_mem>>)
    %dma_wait3A_248 = arith.constant 0 : i32
    %dma_wait3A_249 = tpu.memref_slice %arg4[%select_n3A, %add3A_241, %dma_wait3A_248] : memref<16x2048x384xf32, #tpu.memory_space<hbm>> -> memref<1x32x384xf32, #tpu.memory_space<hbm>>
    %dma_wait3A_250 = tpu.memref_squeeze %dma_wait3A_249 : memref<1x32x384xf32, #tpu.memory_space<hbm>> -> memref<32x384xf32, #tpu.memory_space<hbm>>
    %dma_wait3A_251 = arith.constant 0 : i32
    %dma_wait3A_252 = tpu.memref_slice %arg4[%select_n3A, %add3A_241, %dma_wait3A_251] : memref<16x2048x384xf32, #tpu.memory_space<hbm>> -> memref<1x32x384xf32, #tpu.memory_space<hbm>>
    %dma_wait3A_253 = tpu.memref_squeeze %dma_wait3A_252 : memref<1x32x384xf32, #tpu.memory_space<hbm>> -> memref<32x384xf32, #tpu.memory_space<hbm>>
    tpu.wait_dma2 semaphore(%arg18 : memref<!tpu.dma_semaphore, #tpu.memory_space<semaphore_mem>>) src(%arg10 : memref<32x384xf32, #tpu.memory_space<vmem>>) dst(%dma_wait3A_253 : memref<32x384xf32, #tpu.memory_space<hbm>>)
    %dma_start3A_254 = arith.constant 10 : i32
    %dma_start3A_255 = arith.constant 0 : i32
    %dma_start3A_256 = tpu.memref_slice %arg7[%dma_start3A_254, %dma_start3A_255] : memref<32x32xi32, #tpu.memory_space<vmem>> -> memref<1x32xi32, #tpu.memory_space<vmem>>
    %dma_start3A_257 = tpu.memref_squeeze %dma_start3A_256 : memref<1x32xi32, #tpu.memory_space<vmem>> -> memref<32xi32, #tpu.memory_space<vmem>>
    %dma_start3A_258 = arith.constant 0 : i32
    %dma_start3A_259 = arith.constant 0 : i32
    %dma_start3A_260 = tpu.memref_slice %arg3[%dma_start3A_258, %dma_start3A_259] : memref<16384x384xf32, #tpu.memory_space<hbm>> -> memref<16384x384xf32, #tpu.memory_space<hbm>>
    tpu.enqueue_indirect_dma source(%dma_start3A_260 : memref<16384x384xf32, #tpu.memory_space<hbm>>) target(%arg10 : memref<32x384xf32, #tpu.memory_space<vmem>>) offsets(%dma_start3A_257 : memref<32xi32, #tpu.memory_space<vmem>>) semaphore(%arg14 : memref<!tpu.dma_semaphore, #tpu.memory_space<semaphore_mem>>)
    %dma_wait3A_261 = arith.constant 7 : i32
    %dma_wait3A_262 = arith.constant 0 : i32
    %dma_wait3A_263 = tpu.memref_slice %arg7[%dma_wait3A_261, %dma_wait3A_262] : memref<32x32xi32, #tpu.memory_space<vmem>> -> memref<1x32xi32, #tpu.memory_space<vmem>>
    %dma_wait3A_264 = tpu.memref_squeeze %dma_wait3A_263 : memref<1x32xi32, #tpu.memory_space<vmem>> -> memref<32xi32, #tpu.memory_space<vmem>>
    %dma_wait3A_265 = arith.constant 0 : i32
    %dma_wait3A_266 = arith.constant 0 : i32
    %dma_wait3A_267 = tpu.memref_slice %arg3[%dma_wait3A_265, %dma_wait3A_266] : memref<16384x384xf32, #tpu.memory_space<hbm>> -> memref<16384x384xf32, #tpu.memory_space<hbm>>
    tpu.wait_indirect_dma semaphore(%arg15 : memref<!tpu.dma_semaphore, #tpu.memory_space<semaphore_mem>>) src(%dma_wait3A_267 : memref<16384x384xf32, #tpu.memory_space<hbm>>) dst(%arg11 : memref<32x384xf32, #tpu.memory_space<vmem>>)
    %add3A_268 = arith.constant 224 : i32
    %add3A_269 = arith.addi %mul3A_32, %add3A_268 : i32
    %dma_start3A_270 = arith.constant 0 : i32
    %dma_start3A_271 = tpu.memref_slice %arg4[%select_n3A, %add3A_269, %dma_start3A_270] : memref<16x2048x384xf32, #tpu.memory_space<hbm>> -> memref<1x32x384xf32, #tpu.memory_space<hbm>>
    %dma_start3A_272 = tpu.memref_squeeze %dma_start3A_271 : memref<1x32x384xf32, #tpu.memory_space<hbm>> -> memref<32x384xf32, #tpu.memory_space<hbm>>
    %dma_start3A_273 = arith.constant 0 : i32
    %dma_start3A_274 = tpu.memref_slice %arg4[%select_n3A, %add3A_269, %dma_start3A_273] : memref<16x2048x384xf32, #tpu.memory_space<hbm>> -> memref<1x32x384xf32, #tpu.memory_space<hbm>>
    %dma_start3A_275 = tpu.memref_squeeze %dma_start3A_274 : memref<1x32x384xf32, #tpu.memory_space<hbm>> -> memref<32x384xf32, #tpu.memory_space<hbm>>
    tpu.enqueue_dma source(%arg11 : memref<32x384xf32, #tpu.memory_space<vmem>>) target(%dma_start3A_275 : memref<32x384xf32, #tpu.memory_space<hbm>>) target_semaphore(%arg19 : memref<!tpu.dma_semaphore, #tpu.memory_space<semaphore_mem>>)
    %dma_wait3A_276 = arith.constant 0 : i32
    %dma_wait3A_277 = tpu.memref_slice %arg4[%select_n3A, %add3A_269, %dma_wait3A_276] : memref<16x2048x384xf32, #tpu.memory_space<hbm>> -> memref<1x32x384xf32, #tpu.memory_space<hbm>>
    %dma_wait3A_278 = tpu.memref_squeeze %dma_wait3A_277 : memref<1x32x384xf32, #tpu.memory_space<hbm>> -> memref<32x384xf32, #tpu.memory_space<hbm>>
    %dma_wait3A_279 = arith.constant 0 : i32
    %dma_wait3A_280 = tpu.memref_slice %arg4[%select_n3A, %add3A_269, %dma_wait3A_279] : memref<16x2048x384xf32, #tpu.memory_space<hbm>> -> memref<1x32x384xf32, #tpu.memory_space<hbm>>
    %dma_wait3A_281 = tpu.memref_squeeze %dma_wait3A_280 : memref<1x32x384xf32, #tpu.memory_space<hbm>> -> memref<32x384xf32, #tpu.memory_space<hbm>>
    tpu.wait_dma2 semaphore(%arg19 : memref<!tpu.dma_semaphore, #tpu.memory_space<semaphore_mem>>) src(%arg11 : memref<32x384xf32, #tpu.memory_space<vmem>>) dst(%dma_wait3A_281 : memref<32x384xf32, #tpu.memory_space<hbm>>)
    %dma_start3A_282 = arith.constant 11 : i32
    %dma_start3A_283 = arith.constant 0 : i32
    %dma_start3A_284 = tpu.memref_slice %arg7[%dma_start3A_282, %dma_start3A_283] : memref<32x32xi32, #tpu.memory_space<vmem>> -> memref<1x32xi32, #tpu.memory_space<vmem>>
    %dma_start3A_285 = tpu.memref_squeeze %dma_start3A_284 : memref<1x32xi32, #tpu.memory_space<vmem>> -> memref<32xi32, #tpu.memory_space<vmem>>
    %dma_start3A_286 = arith.constant 0 : i32
    %dma_start3A_287 = arith.constant 0 : i32
    %dma_start3A_288 = tpu.memref_slice %arg3[%dma_start3A_286, %dma_start3A_287] : memref<16384x384xf32, #tpu.memory_space<hbm>> -> memref<16384x384xf32, #tpu.memory_space<hbm>>
    tpu.enqueue_indirect_dma source(%dma_start3A_288 : memref<16384x384xf32, #tpu.memory_space<hbm>>) target(%arg11 : memref<32x384xf32, #tpu.memory_space<vmem>>) offsets(%dma_start3A_285 : memref<32xi32, #tpu.memory_space<vmem>>) semaphore(%arg15 : memref<!tpu.dma_semaphore, #tpu.memory_space<semaphore_mem>>)
    %dma_wait3A_289 = arith.constant 8 : i32
    %dma_wait3A_290 = arith.constant 0 : i32
    %dma_wait3A_291 = tpu.memref_slice %arg7[%dma_wait3A_289, %dma_wait3A_290] : memref<32x32xi32, #tpu.memory_space<vmem>> -> memref<1x32xi32, #tpu.memory_space<vmem>>
    %dma_wait3A_292 = tpu.memref_squeeze %dma_wait3A_291 : memref<1x32xi32, #tpu.memory_space<vmem>> -> memref<32xi32, #tpu.memory_space<vmem>>
    %dma_wait3A_293 = arith.constant 0 : i32
    %dma_wait3A_294 = arith.constant 0 : i32
    %dma_wait3A_295 = tpu.memref_slice %arg3[%dma_wait3A_293, %dma_wait3A_294] : memref<16384x384xf32, #tpu.memory_space<hbm>> -> memref<16384x384xf32, #tpu.memory_space<hbm>>
    tpu.wait_indirect_dma semaphore(%arg12 : memref<!tpu.dma_semaphore, #tpu.memory_space<semaphore_mem>>) src(%dma_wait3A_295 : memref<16384x384xf32, #tpu.memory_space<hbm>>) dst(%arg8 : memref<32x384xf32, #tpu.memory_space<vmem>>)
    %add3A_296 = arith.constant 256 : i32
    %add3A_297 = arith.addi %mul3A_32, %add3A_296 : i32
    %dma_start3A_298 = arith.constant 0 : i32
    %dma_start3A_299 = tpu.memref_slice %arg4[%select_n3A, %add3A_297, %dma_start3A_298] : memref<16x2048x384xf32, #tpu.memory_space<hbm>> -> memref<1x32x384xf32, #tpu.memory_space<hbm>>
    %dma_start3A_300 = tpu.memref_squeeze %dma_start3A_299 : memref<1x32x384xf32, #tpu.memory_space<hbm>> -> memref<32x384xf32, #tpu.memory_space<hbm>>
    %dma_start3A_301 = arith.constant 0 : i32
    %dma_start3A_302 = tpu.memref_slice %arg4[%select_n3A, %add3A_297, %dma_start3A_301] : memref<16x2048x384xf32, #tpu.memory_space<hbm>> -> memref<1x32x384xf32, #tpu.memory_space<hbm>>
    %dma_start3A_303 = tpu.memref_squeeze %dma_start3A_302 : memref<1x32x384xf32, #tpu.memory_space<hbm>> -> memref<32x384xf32, #tpu.memory_space<hbm>>
    tpu.enqueue_dma source(%arg8 : memref<32x384xf32, #tpu.memory_space<vmem>>) target(%dma_start3A_303 : memref<32x384xf32, #tpu.memory_space<hbm>>) target_semaphore(%arg16 : memref<!tpu.dma_semaphore, #tpu.memory_space<semaphore_mem>>)
    %dma_wait3A_304 = arith.constant 0 : i32
    %dma_wait3A_305 = tpu.memref_slice %arg4[%select_n3A, %add3A_297, %dma_wait3A_304] : memref<16x2048x384xf32, #tpu.memory_space<hbm>> -> memref<1x32x384xf32, #tpu.memory_space<hbm>>
    %dma_wait3A_306 = tpu.memref_squeeze %dma_wait3A_305 : memref<1x32x384xf32, #tpu.memory_space<hbm>> -> memref<32x384xf32, #tpu.memory_space<hbm>>
    %dma_wait3A_307 = arith.constant 0 : i32
    %dma_wait3A_308 = tpu.memref_slice %arg4[%select_n3A, %add3A_297, %dma_wait3A_307] : memref<16x2048x384xf32, #tpu.memory_space<hbm>> -> memref<1x32x384xf32, #tpu.memory_space<hbm>>
    %dma_wait3A_309 = tpu.memref_squeeze %dma_wait3A_308 : memref<1x32x384xf32, #tpu.memory_space<hbm>> -> memref<32x384xf32, #tpu.memory_space<hbm>>
    tpu.wait_dma2 semaphore(%arg16 : memref<!tpu.dma_semaphore, #tpu.memory_space<semaphore_mem>>) src(%arg8 : memref<32x384xf32, #tpu.memory_space<vmem>>) dst(%dma_wait3A_309 : memref<32x384xf32, #tpu.memory_space<hbm>>)
    %dma_start3A_310 = arith.constant 12 : i32
    %dma_start3A_311 = arith.constant 0 : i32
    %dma_start3A_312 = tpu.memref_slice %arg7[%dma_start3A_310, %dma_start3A_311] : memref<32x32xi32, #tpu.memory_space<vmem>> -> memref<1x32xi32, #tpu.memory_space<vmem>>
    %dma_start3A_313 = tpu.memref_squeeze %dma_start3A_312 : memref<1x32xi32, #tpu.memory_space<vmem>> -> memref<32xi32, #tpu.memory_space<vmem>>
    %dma_start3A_314 = arith.constant 0 : i32
    %dma_start3A_315 = arith.constant 0 : i32
    %dma_start3A_316 = tpu.memref_slice %arg3[%dma_start3A_314, %dma_start3A_315] : memref<16384x384xf32, #tpu.memory_space<hbm>> -> memref<16384x384xf32, #tpu.memory_space<hbm>>
    tpu.enqueue_indirect_dma source(%dma_start3A_316 : memref<16384x384xf32, #tpu.memory_space<hbm>>) target(%arg8 : memref<32x384xf32, #tpu.memory_space<vmem>>) offsets(%dma_start3A_313 : memref<32xi32, #tpu.memory_space<vmem>>) semaphore(%arg12 : memref<!tpu.dma_semaphore, #tpu.memory_space<semaphore_mem>>)
    %dma_wait3A_317 = arith.constant 9 : i32
    %dma_wait3A_318 = arith.constant 0 : i32
    %dma_wait3A_319 = tpu.memref_slice %arg7[%dma_wait3A_317, %dma_wait3A_318] : memref<32x32xi32, #tpu.memory_space<vmem>> -> memref<1x32xi32, #tpu.memory_space<vmem>>
    %dma_wait3A_320 = tpu.memref_squeeze %dma_wait3A_319 : memref<1x32xi32, #tpu.memory_space<vmem>> -> memref<32xi32, #tpu.memory_space<vmem>>
    %dma_wait3A_321 = arith.constant 0 : i32
    %dma_wait3A_322 = arith.constant 0 : i32
    %dma_wait3A_323 = tpu.memref_slice %arg3[%dma_wait3A_321, %dma_wait3A_322] : memref<16384x384xf32, #tpu.memory_space<hbm>> -> memref<16384x384xf32, #tpu.memory_space<hbm>>
    tpu.wait_indirect_dma semaphore(%arg13 : memref<!tpu.dma_semaphore, #tpu.memory_space<semaphore_mem>>) src(%dma_wait3A_323 : memref<16384x384xf32, #tpu.memory_space<hbm>>) dst(%arg9 : memref<32x384xf32, #tpu.memory_space<vmem>>)
    %add3A_324 = arith.constant 288 : i32
    %add3A_325 = arith.addi %mul3A_32, %add3A_324 : i32
    %dma_start3A_326 = arith.constant 0 : i32
    %dma_start3A_327 = tpu.memref_slice %arg4[%select_n3A, %add3A_325, %dma_start3A_326] : memref<16x2048x384xf32, #tpu.memory_space<hbm>> -> memref<1x32x384xf32, #tpu.memory_space<hbm>>
    %dma_start3A_328 = tpu.memref_squeeze %dma_start3A_327 : memref<1x32x384xf32, #tpu.memory_space<hbm>> -> memref<32x384xf32, #tpu.memory_space<hbm>>
    %dma_start3A_329 = arith.constant 0 : i32
    %dma_start3A_330 = tpu.memref_slice %arg4[%select_n3A, %add3A_325, %dma_start3A_329] : memref<16x2048x384xf32, #tpu.memory_space<hbm>> -> memref<1x32x384xf32, #tpu.memory_space<hbm>>
    %dma_start3A_331 = tpu.memref_squeeze %dma_start3A_330 : memref<1x32x384xf32, #tpu.memory_space<hbm>> -> memref<32x384xf32, #tpu.memory_space<hbm>>
    tpu.enqueue_dma source(%arg9 : memref<32x384xf32, #tpu.memory_space<vmem>>) target(%dma_start3A_331 : memref<32x384xf32, #tpu.memory_space<hbm>>) target_semaphore(%arg17 : memref<!tpu.dma_semaphore, #tpu.memory_space<semaphore_mem>>)
    %dma_wait3A_332 = arith.constant 0 : i32
    %dma_wait3A_333 = tpu.memref_slice %arg4[%select_n3A, %add3A_325, %dma_wait3A_332] : memref<16x2048x384xf32, #tpu.memory_space<hbm>> -> memref<1x32x384xf32, #tpu.memory_space<hbm>>
    %dma_wait3A_334 = tpu.memref_squeeze %dma_wait3A_333 : memref<1x32x384xf32, #tpu.memory_space<hbm>> -> memref<32x384xf32, #tpu.memory_space<hbm>>
    %dma_wait3A_335 = arith.constant 0 : i32
    %dma_wait3A_336 = tpu.memref_slice %arg4[%select_n3A, %add3A_325, %dma_wait3A_335] : memref<16x2048x384xf32, #tpu.memory_space<hbm>> -> memref<1x32x384xf32, #tpu.memory_space<hbm>>
    %dma_wait3A_337 = tpu.memref_squeeze %dma_wait3A_336 : memref<1x32x384xf32, #tpu.memory_space<hbm>> -> memref<32x384xf32, #tpu.memory_space<hbm>>
    tpu.wait_dma2 semaphore(%arg17 : memref<!tpu.dma_semaphore, #tpu.memory_space<semaphore_mem>>) src(%arg9 : memref<32x384xf32, #tpu.memory_space<vmem>>) dst(%dma_wait3A_337 : memref<32x384xf32, #tpu.memory_space<hbm>>)
    %dma_start3A_338 = arith.constant 13 : i32
    %dma_start3A_339 = arith.constant 0 : i32
    %dma_start3A_340 = tpu.memref_slice %arg7[%dma_start3A_338, %dma_start3A_339] : memref<32x32xi32, #tpu.memory_space<vmem>> -> memref<1x32xi32, #tpu.memory_space<vmem>>
    %dma_start3A_341 = tpu.memref_squeeze %dma_start3A_340 : memref<1x32xi32, #tpu.memory_space<vmem>> -> memref<32xi32, #tpu.memory_space<vmem>>
    %dma_start3A_342 = arith.constant 0 : i32
    %dma_start3A_343 = arith.constant 0 : i32
    %dma_start3A_344 = tpu.memref_slice %arg3[%dma_start3A_342, %dma_start3A_343] : memref<16384x384xf32, #tpu.memory_space<hbm>> -> memref<16384x384xf32, #tpu.memory_space<hbm>>
    tpu.enqueue_indirect_dma source(%dma_start3A_344 : memref<16384x384xf32, #tpu.memory_space<hbm>>) target(%arg9 : memref<32x384xf32, #tpu.memory_space<vmem>>) offsets(%dma_start3A_341 : memref<32xi32, #tpu.memory_space<vmem>>) semaphore(%arg13 : memref<!tpu.dma_semaphore, #tpu.memory_space<semaphore_mem>>)
    %dma_wait3A_345 = arith.constant 10 : i32
    %dma_wait3A_346 = arith.constant 0 : i32
    %dma_wait3A_347 = tpu.memref_slice %arg7[%dma_wait3A_345, %dma_wait3A_346] : memref<32x32xi32, #tpu.memory_space<vmem>> -> memref<1x32xi32, #tpu.memory_space<vmem>>
    %dma_wait3A_348 = tpu.memref_squeeze %dma_wait3A_347 : memref<1x32xi32, #tpu.memory_space<vmem>> -> memref<32xi32, #tpu.memory_space<vmem>>
    %dma_wait3A_349 = arith.constant 0 : i32
    %dma_wait3A_350 = arith.constant 0 : i32
    %dma_wait3A_351 = tpu.memref_slice %arg3[%dma_wait3A_349, %dma_wait3A_350] : memref<16384x384xf32, #tpu.memory_space<hbm>> -> memref<16384x384xf32, #tpu.memory_space<hbm>>
    tpu.wait_indirect_dma semaphore(%arg14 : memref<!tpu.dma_semaphore, #tpu.memory_space<semaphore_mem>>) src(%dma_wait3A_351 : memref<16384x384xf32, #tpu.memory_space<hbm>>) dst(%arg10 : memref<32x384xf32, #tpu.memory_space<vmem>>)
    %add3A_352 = arith.constant 320 : i32
    %add3A_353 = arith.addi %mul3A_32, %add3A_352 : i32
    %dma_start3A_354 = arith.constant 0 : i32
    %dma_start3A_355 = tpu.memref_slice %arg4[%select_n3A, %add3A_353, %dma_start3A_354] : memref<16x2048x384xf32, #tpu.memory_space<hbm>> -> memref<1x32x384xf32, #tpu.memory_space<hbm>>
    %dma_start3A_356 = tpu.memref_squeeze %dma_start3A_355 : memref<1x32x384xf32, #tpu.memory_space<hbm>> -> memref<32x384xf32, #tpu.memory_space<hbm>>
    %dma_start3A_357 = arith.constant 0 : i32
    %dma_start3A_358 = tpu.memref_slice %arg4[%select_n3A, %add3A_353, %dma_start3A_357] : memref<16x2048x384xf32, #tpu.memory_space<hbm>> -> memref<1x32x384xf32, #tpu.memory_space<hbm>>
    %dma_start3A_359 = tpu.memref_squeeze %dma_start3A_358 : memref<1x32x384xf32, #tpu.memory_space<hbm>> -> memref<32x384xf32, #tpu.memory_space<hbm>>
    tpu.enqueue_dma source(%arg10 : memref<32x384xf32, #tpu.memory_space<vmem>>) target(%dma_start3A_359 : memref<32x384xf32, #tpu.memory_space<hbm>>) target_semaphore(%arg18 : memref<!tpu.dma_semaphore, #tpu.memory_space<semaphore_mem>>)
    %dma_wait3A_360 = arith.constant 0 : i32
    %dma_wait3A_361 = tpu.memref_slice %arg4[%select_n3A, %add3A_353, %dma_wait3A_360] : memref<16x2048x384xf32, #tpu.memory_space<hbm>> -> memref<1x32x384xf32, #tpu.memory_space<hbm>>
    %dma_wait3A_362 = tpu.memref_squeeze %dma_wait3A_361 : memref<1x32x384xf32, #tpu.memory_space<hbm>> -> memref<32x384xf32, #tpu.memory_space<hbm>>
    %dma_wait3A_363 = arith.constant 0 : i32
    %dma_wait3A_364 = tpu.memref_slice %arg4[%select_n3A, %add3A_353, %dma_wait3A_363] : memref<16x2048x384xf32, #tpu.memory_space<hbm>> -> memref<1x32x384xf32, #tpu.memory_space<hbm>>
    %dma_wait3A_365 = tpu.memref_squeeze %dma_wait3A_364 : memref<1x32x384xf32, #tpu.memory_space<hbm>> -> memref<32x384xf32, #tpu.memory_space<hbm>>
    tpu.wait_dma2 semaphore(%arg18 : memref<!tpu.dma_semaphore, #tpu.memory_space<semaphore_mem>>) src(%arg10 : memref<32x384xf32, #tpu.memory_space<vmem>>) dst(%dma_wait3A_365 : memref<32x384xf32, #tpu.memory_space<hbm>>)
    %dma_start3A_366 = arith.constant 14 : i32
    %dma_start3A_367 = arith.constant 0 : i32
    %dma_start3A_368 = tpu.memref_slice %arg7[%dma_start3A_366, %dma_start3A_367] : memref<32x32xi32, #tpu.memory_space<vmem>> -> memref<1x32xi32, #tpu.memory_space<vmem>>
    %dma_start3A_369 = tpu.memref_squeeze %dma_start3A_368 : memref<1x32xi32, #tpu.memory_space<vmem>> -> memref<32xi32, #tpu.memory_space<vmem>>
    %dma_start3A_370 = arith.constant 0 : i32
    %dma_start3A_371 = arith.constant 0 : i32
    %dma_start3A_372 = tpu.memref_slice %arg3[%dma_start3A_370, %dma_start3A_371] : memref<16384x384xf32, #tpu.memory_space<hbm>> -> memref<16384x384xf32, #tpu.memory_space<hbm>>
    tpu.enqueue_indirect_dma source(%dma_start3A_372 : memref<16384x384xf32, #tpu.memory_space<hbm>>) target(%arg10 : memref<32x384xf32, #tpu.memory_space<vmem>>) offsets(%dma_start3A_369 : memref<32xi32, #tpu.memory_space<vmem>>) semaphore(%arg14 : memref<!tpu.dma_semaphore, #tpu.memory_space<semaphore_mem>>)
    %dma_wait3A_373 = arith.constant 11 : i32
    %dma_wait3A_374 = arith.constant 0 : i32
    %dma_wait3A_375 = tpu.memref_slice %arg7[%dma_wait3A_373, %dma_wait3A_374] : memref<32x32xi32, #tpu.memory_space<vmem>> -> memref<1x32xi32, #tpu.memory_space<vmem>>
    %dma_wait3A_376 = tpu.memref_squeeze %dma_wait3A_375 : memref<1x32xi32, #tpu.memory_space<vmem>> -> memref<32xi32, #tpu.memory_space<vmem>>
    %dma_wait3A_377 = arith.constant 0 : i32
    %dma_wait3A_378 = arith.constant 0 : i32
    %dma_wait3A_379 = tpu.memref_slice %arg3[%dma_wait3A_377, %dma_wait3A_378] : memref<16384x384xf32, #tpu.memory_space<hbm>> -> memref<16384x384xf32, #tpu.memory_space<hbm>>
    tpu.wait_indirect_dma semaphore(%arg15 : memref<!tpu.dma_semaphore, #tpu.memory_space<semaphore_mem>>) src(%dma_wait3A_379 : memref<16384x384xf32, #tpu.memory_space<hbm>>) dst(%arg11 : memref<32x384xf32, #tpu.memory_space<vmem>>)
    %add3A_380 = arith.constant 352 : i32
    %add3A_381 = arith.addi %mul3A_32, %add3A_380 : i32
    %dma_start3A_382 = arith.constant 0 : i32
    %dma_start3A_383 = tpu.memref_slice %arg4[%select_n3A, %add3A_381, %dma_start3A_382] : memref<16x2048x384xf32, #tpu.memory_space<hbm>> -> memref<1x32x384xf32, #tpu.memory_space<hbm>>
    %dma_start3A_384 = tpu.memref_squeeze %dma_start3A_383 : memref<1x32x384xf32, #tpu.memory_space<hbm>> -> memref<32x384xf32, #tpu.memory_space<hbm>>
    %dma_start3A_385 = arith.constant 0 : i32
    %dma_start3A_386 = tpu.memref_slice %arg4[%select_n3A, %add3A_381, %dma_start3A_385] : memref<16x2048x384xf32, #tpu.memory_space<hbm>> -> memref<1x32x384xf32, #tpu.memory_space<hbm>>
    %dma_start3A_387 = tpu.memref_squeeze %dma_start3A_386 : memref<1x32x384xf32, #tpu.memory_space<hbm>> -> memref<32x384xf32, #tpu.memory_space<hbm>>
    tpu.enqueue_dma source(%arg11 : memref<32x384xf32, #tpu.memory_space<vmem>>) target(%dma_start3A_387 : memref<32x384xf32, #tpu.memory_space<hbm>>) target_semaphore(%arg19 : memref<!tpu.dma_semaphore, #tpu.memory_space<semaphore_mem>>)
    %dma_wait3A_388 = arith.constant 0 : i32
    %dma_wait3A_389 = tpu.memref_slice %arg4[%select_n3A, %add3A_381, %dma_wait3A_388] : memref<16x2048x384xf32, #tpu.memory_space<hbm>> -> memref<1x32x384xf32, #tpu.memory_space<hbm>>
    %dma_wait3A_390 = tpu.memref_squeeze %dma_wait3A_389 : memref<1x32x384xf32, #tpu.memory_space<hbm>> -> memref<32x384xf32, #tpu.memory_space<hbm>>
    %dma_wait3A_391 = arith.constant 0 : i32
    %dma_wait3A_392 = tpu.memref_slice %arg4[%select_n3A, %add3A_381, %dma_wait3A_391] : memref<16x2048x384xf32, #tpu.memory_space<hbm>> -> memref<1x32x384xf32, #tpu.memory_space<hbm>>
    %dma_wait3A_393 = tpu.memref_squeeze %dma_wait3A_392 : memref<1x32x384xf32, #tpu.memory_space<hbm>> -> memref<32x384xf32, #tpu.memory_space<hbm>>
    tpu.wait_dma2 semaphore(%arg19 : memref<!tpu.dma_semaphore, #tpu.memory_space<semaphore_mem>>) src(%arg11 : memref<32x384xf32, #tpu.memory_space<vmem>>) dst(%dma_wait3A_393 : memref<32x384xf32, #tpu.memory_space<hbm>>)
    %dma_start3A_394 = arith.constant 15 : i32
    %dma_start3A_395 = arith.constant 0 : i32
    %dma_start3A_396 = tpu.memref_slice %arg7[%dma_start3A_394, %dma_start3A_395] : memref<32x32xi32, #tpu.memory_space<vmem>> -> memref<1x32xi32, #tpu.memory_space<vmem>>
    %dma_start3A_397 = tpu.memref_squeeze %dma_start3A_396 : memref<1x32xi32, #tpu.memory_space<vmem>> -> memref<32xi32, #tpu.memory_space<vmem>>
    %dma_start3A_398 = arith.constant 0 : i32
    %dma_start3A_399 = arith.constant 0 : i32
    %dma_start3A_400 = tpu.memref_slice %arg3[%dma_start3A_398, %dma_start3A_399] : memref<16384x384xf32, #tpu.memory_space<hbm>> -> memref<16384x384xf32, #tpu.memory_space<hbm>>
    tpu.enqueue_indirect_dma source(%dma_start3A_400 : memref<16384x384xf32, #tpu.memory_space<hbm>>) target(%arg11 : memref<32x384xf32, #tpu.memory_space<vmem>>) offsets(%dma_start3A_397 : memref<32xi32, #tpu.memory_space<vmem>>) semaphore(%arg15 : memref<!tpu.dma_semaphore, #tpu.memory_space<semaphore_mem>>)
    %dma_wait3A_401 = arith.constant 12 : i32
    %dma_wait3A_402 = arith.constant 0 : i32
    %dma_wait3A_403 = tpu.memref_slice %arg7[%dma_wait3A_401, %dma_wait3A_402] : memref<32x32xi32, #tpu.memory_space<vmem>> -> memref<1x32xi32, #tpu.memory_space<vmem>>
    %dma_wait3A_404 = tpu.memref_squeeze %dma_wait3A_403 : memref<1x32xi32, #tpu.memory_space<vmem>> -> memref<32xi32, #tpu.memory_space<vmem>>
    %dma_wait3A_405 = arith.constant 0 : i32
    %dma_wait3A_406 = arith.constant 0 : i32
    %dma_wait3A_407 = tpu.memref_slice %arg3[%dma_wait3A_405, %dma_wait3A_406] : memref<16384x384xf32, #tpu.memory_space<hbm>> -> memref<16384x384xf32, #tpu.memory_space<hbm>>
    tpu.wait_indirect_dma semaphore(%arg12 : memref<!tpu.dma_semaphore, #tpu.memory_space<semaphore_mem>>) src(%dma_wait3A_407 : memref<16384x384xf32, #tpu.memory_space<hbm>>) dst(%arg8 : memref<32x384xf32, #tpu.memory_space<vmem>>)
    %add3A_408 = arith.constant 384 : i32
    %add3A_409 = arith.addi %mul3A_32, %add3A_408 : i32
    %dma_start3A_410 = arith.constant 0 : i32
    %dma_start3A_411 = tpu.memref_slice %arg4[%select_n3A, %add3A_409, %dma_start3A_410] : memref<16x2048x384xf32, #tpu.memory_space<hbm>> -> memref<1x32x384xf32, #tpu.memory_space<hbm>>
    %dma_start3A_412 = tpu.memref_squeeze %dma_start3A_411 : memref<1x32x384xf32, #tpu.memory_space<hbm>> -> memref<32x384xf32, #tpu.memory_space<hbm>>
    %dma_start3A_413 = arith.constant 0 : i32
    %dma_start3A_414 = tpu.memref_slice %arg4[%select_n3A, %add3A_409, %dma_start3A_413] : memref<16x2048x384xf32, #tpu.memory_space<hbm>> -> memref<1x32x384xf32, #tpu.memory_space<hbm>>
    %dma_start3A_415 = tpu.memref_squeeze %dma_start3A_414 : memref<1x32x384xf32, #tpu.memory_space<hbm>> -> memref<32x384xf32, #tpu.memory_space<hbm>>
    tpu.enqueue_dma source(%arg8 : memref<32x384xf32, #tpu.memory_space<vmem>>) target(%dma_start3A_415 : memref<32x384xf32, #tpu.memory_space<hbm>>) target_semaphore(%arg16 : memref<!tpu.dma_semaphore, #tpu.memory_space<semaphore_mem>>)
    %dma_wait3A_416 = arith.constant 0 : i32
    %dma_wait3A_417 = tpu.memref_slice %arg4[%select_n3A, %add3A_409, %dma_wait3A_416] : memref<16x2048x384xf32, #tpu.memory_space<hbm>> -> memref<1x32x384xf32, #tpu.memory_space<hbm>>
    %dma_wait3A_418 = tpu.memref_squeeze %dma_wait3A_417 : memref<1x32x384xf32, #tpu.memory_space<hbm>> -> memref<32x384xf32, #tpu.memory_space<hbm>>
    %dma_wait3A_419 = arith.constant 0 : i32
    %dma_wait3A_420 = tpu.memref_slice %arg4[%select_n3A, %add3A_409, %dma_wait3A_419] : memref<16x2048x384xf32, #tpu.memory_space<hbm>> -> memref<1x32x384xf32, #tpu.memory_space<hbm>>
    %dma_wait3A_421 = tpu.memref_squeeze %dma_wait3A_420 : memref<1x32x384xf32, #tpu.memory_space<hbm>> -> memref<32x384xf32, #tpu.memory_space<hbm>>
    tpu.wait_dma2 semaphore(%arg16 : memref<!tpu.dma_semaphore, #tpu.memory_space<semaphore_mem>>) src(%arg8 : memref<32x384xf32, #tpu.memory_space<vmem>>) dst(%dma_wait3A_421 : memref<32x384xf32, #tpu.memory_space<hbm>>)
    %dma_start3A_422 = arith.constant 16 : i32
    %dma_start3A_423 = arith.constant 0 : i32
    %dma_start3A_424 = tpu.memref_slice %arg7[%dma_start3A_422, %dma_start3A_423] : memref<32x32xi32, #tpu.memory_space<vmem>> -> memref<1x32xi32, #tpu.memory_space<vmem>>
    %dma_start3A_425 = tpu.memref_squeeze %dma_start3A_424 : memref<1x32xi32, #tpu.memory_space<vmem>> -> memref<32xi32, #tpu.memory_space<vmem>>
    %dma_start3A_426 = arith.constant 0 : i32
    %dma_start3A_427 = arith.constant 0 : i32
    %dma_start3A_428 = tpu.memref_slice %arg3[%dma_start3A_426, %dma_start3A_427] : memref<16384x384xf32, #tpu.memory_space<hbm>> -> memref<16384x384xf32, #tpu.memory_space<hbm>>
    tpu.enqueue_indirect_dma source(%dma_start3A_428 : memref<16384x384xf32, #tpu.memory_space<hbm>>) target(%arg8 : memref<32x384xf32, #tpu.memory_space<vmem>>) offsets(%dma_start3A_425 : memref<32xi32, #tpu.memory_space<vmem>>) semaphore(%arg12 : memref<!tpu.dma_semaphore, #tpu.memory_space<semaphore_mem>>)
    %dma_wait3A_429 = arith.constant 13 : i32
    %dma_wait3A_430 = arith.constant 0 : i32
    %dma_wait3A_431 = tpu.memref_slice %arg7[%dma_wait3A_429, %dma_wait3A_430] : memref<32x32xi32, #tpu.memory_space<vmem>> -> memref<1x32xi32, #tpu.memory_space<vmem>>
    %dma_wait3A_432 = tpu.memref_squeeze %dma_wait3A_431 : memref<1x32xi32, #tpu.memory_space<vmem>> -> memref<32xi32, #tpu.memory_space<vmem>>
    %dma_wait3A_433 = arith.constant 0 : i32
    %dma_wait3A_434 = arith.constant 0 : i32
    %dma_wait3A_435 = tpu.memref_slice %arg3[%dma_wait3A_433, %dma_wait3A_434] : memref<16384x384xf32, #tpu.memory_space<hbm>> -> memref<16384x384xf32, #tpu.memory_space<hbm>>
    tpu.wait_indirect_dma semaphore(%arg13 : memref<!tpu.dma_semaphore, #tpu.memory_space<semaphore_mem>>) src(%dma_wait3A_435 : memref<16384x384xf32, #tpu.memory_space<hbm>>) dst(%arg9 : memref<32x384xf32, #tpu.memory_space<vmem>>)
    %add3A_436 = arith.constant 416 : i32
    %add3A_437 = arith.addi %mul3A_32, %add3A_436 : i32
    %dma_start3A_438 = arith.constant 0 : i32
    %dma_start3A_439 = tpu.memref_slice %arg4[%select_n3A, %add3A_437, %dma_start3A_438] : memref<16x2048x384xf32, #tpu.memory_space<hbm>> -> memref<1x32x384xf32, #tpu.memory_space<hbm>>
    %dma_start3A_440 = tpu.memref_squeeze %dma_start3A_439 : memref<1x32x384xf32, #tpu.memory_space<hbm>> -> memref<32x384xf32, #tpu.memory_space<hbm>>
    %dma_start3A_441 = arith.constant 0 : i32
    %dma_start3A_442 = tpu.memref_slice %arg4[%select_n3A, %add3A_437, %dma_start3A_441] : memref<16x2048x384xf32, #tpu.memory_space<hbm>> -> memref<1x32x384xf32, #tpu.memory_space<hbm>>
    %dma_start3A_443 = tpu.memref_squeeze %dma_start3A_442 : memref<1x32x384xf32, #tpu.memory_space<hbm>> -> memref<32x384xf32, #tpu.memory_space<hbm>>
    tpu.enqueue_dma source(%arg9 : memref<32x384xf32, #tpu.memory_space<vmem>>) target(%dma_start3A_443 : memref<32x384xf32, #tpu.memory_space<hbm>>) target_semaphore(%arg17 : memref<!tpu.dma_semaphore, #tpu.memory_space<semaphore_mem>>)
    %dma_wait3A_444 = arith.constant 0 : i32
    %dma_wait3A_445 = tpu.memref_slice %arg4[%select_n3A, %add3A_437, %dma_wait3A_444] : memref<16x2048x384xf32, #tpu.memory_space<hbm>> -> memref<1x32x384xf32, #tpu.memory_space<hbm>>
    %dma_wait3A_446 = tpu.memref_squeeze %dma_wait3A_445 : memref<1x32x384xf32, #tpu.memory_space<hbm>> -> memref<32x384xf32, #tpu.memory_space<hbm>>
    %dma_wait3A_447 = arith.constant 0 : i32
    %dma_wait3A_448 = tpu.memref_slice %arg4[%select_n3A, %add3A_437, %dma_wait3A_447] : memref<16x2048x384xf32, #tpu.memory_space<hbm>> -> memref<1x32x384xf32, #tpu.memory_space<hbm>>
    %dma_wait3A_449 = tpu.memref_squeeze %dma_wait3A_448 : memref<1x32x384xf32, #tpu.memory_space<hbm>> -> memref<32x384xf32, #tpu.memory_space<hbm>>
    tpu.wait_dma2 semaphore(%arg17 : memref<!tpu.dma_semaphore, #tpu.memory_space<semaphore_mem>>) src(%arg9 : memref<32x384xf32, #tpu.memory_space<vmem>>) dst(%dma_wait3A_449 : memref<32x384xf32, #tpu.memory_space<hbm>>)
    %dma_start3A_450 = arith.constant 17 : i32
    %dma_start3A_451 = arith.constant 0 : i32
    %dma_start3A_452 = tpu.memref_slice %arg7[%dma_start3A_450, %dma_start3A_451] : memref<32x32xi32, #tpu.memory_space<vmem>> -> memref<1x32xi32, #tpu.memory_space<vmem>>
    %dma_start3A_453 = tpu.memref_squeeze %dma_start3A_452 : memref<1x32xi32, #tpu.memory_space<vmem>> -> memref<32xi32, #tpu.memory_space<vmem>>
    %dma_start3A_454 = arith.constant 0 : i32
    %dma_start3A_455 = arith.constant 0 : i32
    %dma_start3A_456 = tpu.memref_slice %arg3[%dma_start3A_454, %dma_start3A_455] : memref<16384x384xf32, #tpu.memory_space<hbm>> -> memref<16384x384xf32, #tpu.memory_space<hbm>>
    tpu.enqueue_indirect_dma source(%dma_start3A_456 : memref<16384x384xf32, #tpu.memory_space<hbm>>) target(%arg9 : memref<32x384xf32, #tpu.memory_space<vmem>>) offsets(%dma_start3A_453 : memref<32xi32, #tpu.memory_space<vmem>>) semaphore(%arg13 : memref<!tpu.dma_semaphore, #tpu.memory_space<semaphore_mem>>)
    %dma_wait3A_457 = arith.constant 14 : i32
    %dma_wait3A_458 = arith.constant 0 : i32
    %dma_wait3A_459 = tpu.memref_slice %arg7[%dma_wait3A_457, %dma_wait3A_458] : memref<32x32xi32, #tpu.memory_space<vmem>> -> memref<1x32xi32, #tpu.memory_space<vmem>>
    %dma_wait3A_460 = tpu.memref_squeeze %dma_wait3A_459 : memref<1x32xi32, #tpu.memory_space<vmem>> -> memref<32xi32, #tpu.memory_space<vmem>>
    %dma_wait3A_461 = arith.constant 0 : i32
    %dma_wait3A_462 = arith.constant 0 : i32
    %dma_wait3A_463 = tpu.memref_slice %arg3[%dma_wait3A_461, %dma_wait3A_462] : memref<16384x384xf32, #tpu.memory_space<hbm>> -> memref<16384x384xf32, #tpu.memory_space<hbm>>
    tpu.wait_indirect_dma semaphore(%arg14 : memref<!tpu.dma_semaphore, #tpu.memory_space<semaphore_mem>>) src(%dma_wait3A_463 : memref<16384x384xf32, #tpu.memory_space<hbm>>) dst(%arg10 : memref<32x384xf32, #tpu.memory_space<vmem>>)
    %add3A_464 = arith.constant 448 : i32
    %add3A_465 = arith.addi %mul3A_32, %add3A_464 : i32
    %dma_start3A_466 = arith.constant 0 : i32
    %dma_start3A_467 = tpu.memref_slice %arg4[%select_n3A, %add3A_465, %dma_start3A_466] : memref<16x2048x384xf32, #tpu.memory_space<hbm>> -> memref<1x32x384xf32, #tpu.memory_space<hbm>>
    %dma_start3A_468 = tpu.memref_squeeze %dma_start3A_467 : memref<1x32x384xf32, #tpu.memory_space<hbm>> -> memref<32x384xf32, #tpu.memory_space<hbm>>
    %dma_start3A_469 = arith.constant 0 : i32
    %dma_start3A_470 = tpu.memref_slice %arg4[%select_n3A, %add3A_465, %dma_start3A_469] : memref<16x2048x384xf32, #tpu.memory_space<hbm>> -> memref<1x32x384xf32, #tpu.memory_space<hbm>>
    %dma_start3A_471 = tpu.memref_squeeze %dma_start3A_470 : memref<1x32x384xf32, #tpu.memory_space<hbm>> -> memref<32x384xf32, #tpu.memory_space<hbm>>
    tpu.enqueue_dma source(%arg10 : memref<32x384xf32, #tpu.memory_space<vmem>>) target(%dma_start3A_471 : memref<32x384xf32, #tpu.memory_space<hbm>>) target_semaphore(%arg18 : memref<!tpu.dma_semaphore, #tpu.memory_space<semaphore_mem>>)
    %dma_wait3A_472 = arith.constant 0 : i32
    %dma_wait3A_473 = tpu.memref_slice %arg4[%select_n3A, %add3A_465, %dma_wait3A_472] : memref<16x2048x384xf32, #tpu.memory_space<hbm>> -> memref<1x32x384xf32, #tpu.memory_space<hbm>>
    %dma_wait3A_474 = tpu.memref_squeeze %dma_wait3A_473 : memref<1x32x384xf32, #tpu.memory_space<hbm>> -> memref<32x384xf32, #tpu.memory_space<hbm>>
    %dma_wait3A_475 = arith.constant 0 : i32
    %dma_wait3A_476 = tpu.memref_slice %arg4[%select_n3A, %add3A_465, %dma_wait3A_475] : memref<16x2048x384xf32, #tpu.memory_space<hbm>> -> memref<1x32x384xf32, #tpu.memory_space<hbm>>
    %dma_wait3A_477 = tpu.memref_squeeze %dma_wait3A_476 : memref<1x32x384xf32, #tpu.memory_space<hbm>> -> memref<32x384xf32, #tpu.memory_space<hbm>>
    tpu.wait_dma2 semaphore(%arg18 : memref<!tpu.dma_semaphore, #tpu.memory_space<semaphore_mem>>) src(%arg10 : memref<32x384xf32, #tpu.memory_space<vmem>>) dst(%dma_wait3A_477 : memref<32x384xf32, #tpu.memory_space<hbm>>)
    %dma_start3A_478 = arith.constant 18 : i32
    %dma_start3A_479 = arith.constant 0 : i32
    %dma_start3A_480 = tpu.memref_slice %arg7[%dma_start3A_478, %dma_start3A_479] : memref<32x32xi32, #tpu.memory_space<vmem>> -> memref<1x32xi32, #tpu.memory_space<vmem>>
    %dma_start3A_481 = tpu.memref_squeeze %dma_start3A_480 : memref<1x32xi32, #tpu.memory_space<vmem>> -> memref<32xi32, #tpu.memory_space<vmem>>
    %dma_start3A_482 = arith.constant 0 : i32
    %dma_start3A_483 = arith.constant 0 : i32
    %dma_start3A_484 = tpu.memref_slice %arg3[%dma_start3A_482, %dma_start3A_483] : memref<16384x384xf32, #tpu.memory_space<hbm>> -> memref<16384x384xf32, #tpu.memory_space<hbm>>
    tpu.enqueue_indirect_dma source(%dma_start3A_484 : memref<16384x384xf32, #tpu.memory_space<hbm>>) target(%arg10 : memref<32x384xf32, #tpu.memory_space<vmem>>) offsets(%dma_start3A_481 : memref<32xi32, #tpu.memory_space<vmem>>) semaphore(%arg14 : memref<!tpu.dma_semaphore, #tpu.memory_space<semaphore_mem>>)
    %dma_wait3A_485 = arith.constant 15 : i32
    %dma_wait3A_486 = arith.constant 0 : i32
    %dma_wait3A_487 = tpu.memref_slice %arg7[%dma_wait3A_485, %dma_wait3A_486] : memref<32x32xi32, #tpu.memory_space<vmem>> -> memref<1x32xi32, #tpu.memory_space<vmem>>
    %dma_wait3A_488 = tpu.memref_squeeze %dma_wait3A_487 : memref<1x32xi32, #tpu.memory_space<vmem>> -> memref<32xi32, #tpu.memory_space<vmem>>
    %dma_wait3A_489 = arith.constant 0 : i32
    %dma_wait3A_490 = arith.constant 0 : i32
    %dma_wait3A_491 = tpu.memref_slice %arg3[%dma_wait3A_489, %dma_wait3A_490] : memref<16384x384xf32, #tpu.memory_space<hbm>> -> memref<16384x384xf32, #tpu.memory_space<hbm>>
    tpu.wait_indirect_dma semaphore(%arg15 : memref<!tpu.dma_semaphore, #tpu.memory_space<semaphore_mem>>) src(%dma_wait3A_491 : memref<16384x384xf32, #tpu.memory_space<hbm>>) dst(%arg11 : memref<32x384xf32, #tpu.memory_space<vmem>>)
    %add3A_492 = arith.constant 480 : i32
    %add3A_493 = arith.addi %mul3A_32, %add3A_492 : i32
    %dma_start3A_494 = arith.constant 0 : i32
    %dma_start3A_495 = tpu.memref_slice %arg4[%select_n3A, %add3A_493, %dma_start3A_494] : memref<16x2048x384xf32, #tpu.memory_space<hbm>> -> memref<1x32x384xf32, #tpu.memory_space<hbm>>
    %dma_start3A_496 = tpu.memref_squeeze %dma_start3A_495 : memref<1x32x384xf32, #tpu.memory_space<hbm>> -> memref<32x384xf32, #tpu.memory_space<hbm>>
    %dma_start3A_497 = arith.constant 0 : i32
    %dma_start3A_498 = tpu.memref_slice %arg4[%select_n3A, %add3A_493, %dma_start3A_497] : memref<16x2048x384xf32, #tpu.memory_space<hbm>> -> memref<1x32x384xf32, #tpu.memory_space<hbm>>
    %dma_start3A_499 = tpu.memref_squeeze %dma_start3A_498 : memref<1x32x384xf32, #tpu.memory_space<hbm>> -> memref<32x384xf32, #tpu.memory_space<hbm>>
    tpu.enqueue_dma source(%arg11 : memref<32x384xf32, #tpu.memory_space<vmem>>) target(%dma_start3A_499 : memref<32x384xf32, #tpu.memory_space<hbm>>) target_semaphore(%arg19 : memref<!tpu.dma_semaphore, #tpu.memory_space<semaphore_mem>>)
    %dma_wait3A_500 = arith.constant 0 : i32
    %dma_wait3A_501 = tpu.memref_slice %arg4[%select_n3A, %add3A_493, %dma_wait3A_500] : memref<16x2048x384xf32, #tpu.memory_space<hbm>> -> memref<1x32x384xf32, #tpu.memory_space<hbm>>
    %dma_wait3A_502 = tpu.memref_squeeze %dma_wait3A_501 : memref<1x32x384xf32, #tpu.memory_space<hbm>> -> memref<32x384xf32, #tpu.memory_space<hbm>>
    %dma_wait3A_503 = arith.constant 0 : i32
    %dma_wait3A_504 = tpu.memref_slice %arg4[%select_n3A, %add3A_493, %dma_wait3A_503] : memref<16x2048x384xf32, #tpu.memory_space<hbm>> -> memref<1x32x384xf32, #tpu.memory_space<hbm>>
    %dma_wait3A_505 = tpu.memref_squeeze %dma_wait3A_504 : memref<1x32x384xf32, #tpu.memory_space<hbm>> -> memref<32x384xf32, #tpu.memory_space<hbm>>
    tpu.wait_dma2 semaphore(%arg19 : memref<!tpu.dma_semaphore, #tpu.memory_space<semaphore_mem>>) src(%arg11 : memref<32x384xf32, #tpu.memory_space<vmem>>) dst(%dma_wait3A_505 : memref<32x384xf32, #tpu.memory_space<hbm>>)
    %dma_start3A_506 = arith.constant 19 : i32
    %dma_start3A_507 = arith.constant 0 : i32
    %dma_start3A_508 = tpu.memref_slice %arg7[%dma_start3A_506, %dma_start3A_507] : memref<32x32xi32, #tpu.memory_space<vmem>> -> memref<1x32xi32, #tpu.memory_space<vmem>>
    %dma_start3A_509 = tpu.memref_squeeze %dma_start3A_508 : memref<1x32xi32, #tpu.memory_space<vmem>> -> memref<32xi32, #tpu.memory_space<vmem>>
    %dma_start3A_510 = arith.constant 0 : i32
    %dma_start3A_511 = arith.constant 0 : i32
    %dma_start3A_512 = tpu.memref_slice %arg3[%dma_start3A_510, %dma_start3A_511] : memref<16384x384xf32, #tpu.memory_space<hbm>> -> memref<16384x384xf32, #tpu.memory_space<hbm>>
    tpu.enqueue_indirect_dma source(%dma_start3A_512 : memref<16384x384xf32, #tpu.memory_space<hbm>>) target(%arg11 : memref<32x384xf32, #tpu.memory_space<vmem>>) offsets(%dma_start3A_509 : memref<32xi32, #tpu.memory_space<vmem>>) semaphore(%arg15 : memref<!tpu.dma_semaphore, #tpu.memory_space<semaphore_mem>>)
    %dma_wait3A_513 = arith.constant 16 : i32
    %dma_wait3A_514 = arith.constant 0 : i32
    %dma_wait3A_515 = tpu.memref_slice %arg7[%dma_wait3A_513, %dma_wait3A_514] : memref<32x32xi32, #tpu.memory_space<vmem>> -> memref<1x32xi32, #tpu.memory_space<vmem>>
    %dma_wait3A_516 = tpu.memref_squeeze %dma_wait3A_515 : memref<1x32xi32, #tpu.memory_space<vmem>> -> memref<32xi32, #tpu.memory_space<vmem>>
    %dma_wait3A_517 = arith.constant 0 : i32
    %dma_wait3A_518 = arith.constant 0 : i32
    %dma_wait3A_519 = tpu.memref_slice %arg3[%dma_wait3A_517, %dma_wait3A_518] : memref<16384x384xf32, #tpu.memory_space<hbm>> -> memref<16384x384xf32, #tpu.memory_space<hbm>>
    tpu.wait_indirect_dma semaphore(%arg12 : memref<!tpu.dma_semaphore, #tpu.memory_space<semaphore_mem>>) src(%dma_wait3A_519 : memref<16384x384xf32, #tpu.memory_space<hbm>>) dst(%arg8 : memref<32x384xf32, #tpu.memory_space<vmem>>)
    %add3A_520 = arith.constant 512 : i32
    %add3A_521 = arith.addi %mul3A_32, %add3A_520 : i32
    %dma_start3A_522 = arith.constant 0 : i32
    %dma_start3A_523 = tpu.memref_slice %arg4[%select_n3A, %add3A_521, %dma_start3A_522] : memref<16x2048x384xf32, #tpu.memory_space<hbm>> -> memref<1x32x384xf32, #tpu.memory_space<hbm>>
    %dma_start3A_524 = tpu.memref_squeeze %dma_start3A_523 : memref<1x32x384xf32, #tpu.memory_space<hbm>> -> memref<32x384xf32, #tpu.memory_space<hbm>>
    %dma_start3A_525 = arith.constant 0 : i32
    %dma_start3A_526 = tpu.memref_slice %arg4[%select_n3A, %add3A_521, %dma_start3A_525] : memref<16x2048x384xf32, #tpu.memory_space<hbm>> -> memref<1x32x384xf32, #tpu.memory_space<hbm>>
    %dma_start3A_527 = tpu.memref_squeeze %dma_start3A_526 : memref<1x32x384xf32, #tpu.memory_space<hbm>> -> memref<32x384xf32, #tpu.memory_space<hbm>>
    tpu.enqueue_dma source(%arg8 : memref<32x384xf32, #tpu.memory_space<vmem>>) target(%dma_start3A_527 : memref<32x384xf32, #tpu.memory_space<hbm>>) target_semaphore(%arg16 : memref<!tpu.dma_semaphore, #tpu.memory_space<semaphore_mem>>)
    %dma_wait3A_528 = arith.constant 0 : i32
    %dma_wait3A_529 = tpu.memref_slice %arg4[%select_n3A, %add3A_521, %dma_wait3A_528] : memref<16x2048x384xf32, #tpu.memory_space<hbm>> -> memref<1x32x384xf32, #tpu.memory_space<hbm>>
    %dma_wait3A_530 = tpu.memref_squeeze %dma_wait3A_529 : memref<1x32x384xf32, #tpu.memory_space<hbm>> -> memref<32x384xf32, #tpu.memory_space<hbm>>
    %dma_wait3A_531 = arith.constant 0 : i32
    %dma_wait3A_532 = tpu.memref_slice %arg4[%select_n3A, %add3A_521, %dma_wait3A_531] : memref<16x2048x384xf32, #tpu.memory_space<hbm>> -> memref<1x32x384xf32, #tpu.memory_space<hbm>>
    %dma_wait3A_533 = tpu.memref_squeeze %dma_wait3A_532 : memref<1x32x384xf32, #tpu.memory_space<hbm>> -> memref<32x384xf32, #tpu.memory_space<hbm>>
    tpu.wait_dma2 semaphore(%arg16 : memref<!tpu.dma_semaphore, #tpu.memory_space<semaphore_mem>>) src(%arg8 : memref<32x384xf32, #tpu.memory_space<vmem>>) dst(%dma_wait3A_533 : memref<32x384xf32, #tpu.memory_space<hbm>>)
    %dma_start3A_534 = arith.constant 20 : i32
    %dma_start3A_535 = arith.constant 0 : i32
    %dma_start3A_536 = tpu.memref_slice %arg7[%dma_start3A_534, %dma_start3A_535] : memref<32x32xi32, #tpu.memory_space<vmem>> -> memref<1x32xi32, #tpu.memory_space<vmem>>
    %dma_start3A_537 = tpu.memref_squeeze %dma_start3A_536 : memref<1x32xi32, #tpu.memory_space<vmem>> -> memref<32xi32, #tpu.memory_space<vmem>>
    %dma_start3A_538 = arith.constant 0 : i32
    %dma_start3A_539 = arith.constant 0 : i32
    %dma_start3A_540 = tpu.memref_slice %arg3[%dma_start3A_538, %dma_start3A_539] : memref<16384x384xf32, #tpu.memory_space<hbm>> -> memref<16384x384xf32, #tpu.memory_space<hbm>>
    tpu.enqueue_indirect_dma source(%dma_start3A_540 : memref<16384x384xf32, #tpu.memory_space<hbm>>) target(%arg8 : memref<32x384xf32, #tpu.memory_space<vmem>>) offsets(%dma_start3A_537 : memref<32xi32, #tpu.memory_space<vmem>>) semaphore(%arg12 : memref<!tpu.dma_semaphore, #tpu.memory_space<semaphore_mem>>)
    %dma_wait3A_541 = arith.constant 17 : i32
    %dma_wait3A_542 = arith.constant 0 : i32
    %dma_wait3A_543 = tpu.memref_slice %arg7[%dma_wait3A_541, %dma_wait3A_542] : memref<32x32xi32, #tpu.memory_space<vmem>> -> memref<1x32xi32, #tpu.memory_space<vmem>>
    %dma_wait3A_544 = tpu.memref_squeeze %dma_wait3A_543 : memref<1x32xi32, #tpu.memory_space<vmem>> -> memref<32xi32, #tpu.memory_space<vmem>>
    %dma_wait3A_545 = arith.constant 0 : i32
    %dma_wait3A_546 = arith.constant 0 : i32
    %dma_wait3A_547 = tpu.memref_slice %arg3[%dma_wait3A_545, %dma_wait3A_546] : memref<16384x384xf32, #tpu.memory_space<hbm>> -> memref<16384x384xf32, #tpu.memory_space<hbm>>
    tpu.wait_indirect_dma semaphore(%arg13 : memref<!tpu.dma_semaphore, #tpu.memory_space<semaphore_mem>>) src(%dma_wait3A_547 : memref<16384x384xf32, #tpu.memory_space<hbm>>) dst(%arg9 : memref<32x384xf32, #tpu.memory_space<vmem>>)
    %add3A_548 = arith.constant 544 : i32
    %add3A_549 = arith.addi %mul3A_32, %add3A_548 : i32
    %dma_start3A_550 = arith.constant 0 : i32
    %dma_start3A_551 = tpu.memref_slice %arg4[%select_n3A, %add3A_549, %dma_start3A_550] : memref<16x2048x384xf32, #tpu.memory_space<hbm>> -> memref<1x32x384xf32, #tpu.memory_space<hbm>>
    %dma_start3A_552 = tpu.memref_squeeze %dma_start3A_551 : memref<1x32x384xf32, #tpu.memory_space<hbm>> -> memref<32x384xf32, #tpu.memory_space<hbm>>
    %dma_start3A_553 = arith.constant 0 : i32
    %dma_start3A_554 = tpu.memref_slice %arg4[%select_n3A, %add3A_549, %dma_start3A_553] : memref<16x2048x384xf32, #tpu.memory_space<hbm>> -> memref<1x32x384xf32, #tpu.memory_space<hbm>>
    %dma_start3A_555 = tpu.memref_squeeze %dma_start3A_554 : memref<1x32x384xf32, #tpu.memory_space<hbm>> -> memref<32x384xf32, #tpu.memory_space<hbm>>
    tpu.enqueue_dma source(%arg9 : memref<32x384xf32, #tpu.memory_space<vmem>>) target(%dma_start3A_555 : memref<32x384xf32, #tpu.memory_space<hbm>>) target_semaphore(%arg17 : memref<!tpu.dma_semaphore, #tpu.memory_space<semaphore_mem>>)
    %dma_wait3A_556 = arith.constant 0 : i32
    %dma_wait3A_557 = tpu.memref_slice %arg4[%select_n3A, %add3A_549, %dma_wait3A_556] : memref<16x2048x384xf32, #tpu.memory_space<hbm>> -> memref<1x32x384xf32, #tpu.memory_space<hbm>>
    %dma_wait3A_558 = tpu.memref_squeeze %dma_wait3A_557 : memref<1x32x384xf32, #tpu.memory_space<hbm>> -> memref<32x384xf32, #tpu.memory_space<hbm>>
    %dma_wait3A_559 = arith.constant 0 : i32
    %dma_wait3A_560 = tpu.memref_slice %arg4[%select_n3A, %add3A_549, %dma_wait3A_559] : memref<16x2048x384xf32, #tpu.memory_space<hbm>> -> memref<1x32x384xf32, #tpu.memory_space<hbm>>
    %dma_wait3A_561 = tpu.memref_squeeze %dma_wait3A_560 : memref<1x32x384xf32, #tpu.memory_space<hbm>> -> memref<32x384xf32, #tpu.memory_space<hbm>>
    tpu.wait_dma2 semaphore(%arg17 : memref<!tpu.dma_semaphore, #tpu.memory_space<semaphore_mem>>) src(%arg9 : memref<32x384xf32, #tpu.memory_space<vmem>>) dst(%dma_wait3A_561 : memref<32x384xf32, #tpu.memory_space<hbm>>)
    %dma_start3A_562 = arith.constant 21 : i32
    %dma_start3A_563 = arith.constant 0 : i32
    %dma_start3A_564 = tpu.memref_slice %arg7[%dma_start3A_562, %dma_start3A_563] : memref<32x32xi32, #tpu.memory_space<vmem>> -> memref<1x32xi32, #tpu.memory_space<vmem>>
    %dma_start3A_565 = tpu.memref_squeeze %dma_start3A_564 : memref<1x32xi32, #tpu.memory_space<vmem>> -> memref<32xi32, #tpu.memory_space<vmem>>
    %dma_start3A_566 = arith.constant 0 : i32
    %dma_start3A_567 = arith.constant 0 : i32
    %dma_start3A_568 = tpu.memref_slice %arg3[%dma_start3A_566, %dma_start3A_567] : memref<16384x384xf32, #tpu.memory_space<hbm>> -> memref<16384x384xf32, #tpu.memory_space<hbm>>
    tpu.enqueue_indirect_dma source(%dma_start3A_568 : memref<16384x384xf32, #tpu.memory_space<hbm>>) target(%arg9 : memref<32x384xf32, #tpu.memory_space<vmem>>) offsets(%dma_start3A_565 : memref<32xi32, #tpu.memory_space<vmem>>) semaphore(%arg13 : memref<!tpu.dma_semaphore, #tpu.memory_space<semaphore_mem>>)
    %dma_wait3A_569 = arith.constant 18 : i32
    %dma_wait3A_570 = arith.constant 0 : i32
    %dma_wait3A_571 = tpu.memref_slice %arg7[%dma_wait3A_569, %dma_wait3A_570] : memref<32x32xi32, #tpu.memory_space<vmem>> -> memref<1x32xi32, #tpu.memory_space<vmem>>
    %dma_wait3A_572 = tpu.memref_squeeze %dma_wait3A_571 : memref<1x32xi32, #tpu.memory_space<vmem>> -> memref<32xi32, #tpu.memory_space<vmem>>
    %dma_wait3A_573 = arith.constant 0 : i32
    %dma_wait3A_574 = arith.constant 0 : i32
    %dma_wait3A_575 = tpu.memref_slice %arg3[%dma_wait3A_573, %dma_wait3A_574] : memref<16384x384xf32, #tpu.memory_space<hbm>> -> memref<16384x384xf32, #tpu.memory_space<hbm>>
    tpu.wait_indirect_dma semaphore(%arg14 : memref<!tpu.dma_semaphore, #tpu.memory_space<semaphore_mem>>) src(%dma_wait3A_575 : memref<16384x384xf32, #tpu.memory_space<hbm>>) dst(%arg10 : memref<32x384xf32, #tpu.memory_space<vmem>>)
    %add3A_576 = arith.constant 576 : i32
    %add3A_577 = arith.addi %mul3A_32, %add3A_576 : i32
    %dma_start3A_578 = arith.constant 0 : i32
    %dma_start3A_579 = tpu.memref_slice %arg4[%select_n3A, %add3A_577, %dma_start3A_578] : memref<16x2048x384xf32, #tpu.memory_space<hbm>> -> memref<1x32x384xf32, #tpu.memory_space<hbm>>
    %dma_start3A_580 = tpu.memref_squeeze %dma_start3A_579 : memref<1x32x384xf32, #tpu.memory_space<hbm>> -> memref<32x384xf32, #tpu.memory_space<hbm>>
    %dma_start3A_581 = arith.constant 0 : i32
    %dma_start3A_582 = tpu.memref_slice %arg4[%select_n3A, %add3A_577, %dma_start3A_581] : memref<16x2048x384xf32, #tpu.memory_space<hbm>> -> memref<1x32x384xf32, #tpu.memory_space<hbm>>
    %dma_start3A_583 = tpu.memref_squeeze %dma_start3A_582 : memref<1x32x384xf32, #tpu.memory_space<hbm>> -> memref<32x384xf32, #tpu.memory_space<hbm>>
    tpu.enqueue_dma source(%arg10 : memref<32x384xf32, #tpu.memory_space<vmem>>) target(%dma_start3A_583 : memref<32x384xf32, #tpu.memory_space<hbm>>) target_semaphore(%arg18 : memref<!tpu.dma_semaphore, #tpu.memory_space<semaphore_mem>>)
    %dma_wait3A_584 = arith.constant 0 : i32
    %dma_wait3A_585 = tpu.memref_slice %arg4[%select_n3A, %add3A_577, %dma_wait3A_584] : memref<16x2048x384xf32, #tpu.memory_space<hbm>> -> memref<1x32x384xf32, #tpu.memory_space<hbm>>
    %dma_wait3A_586 = tpu.memref_squeeze %dma_wait3A_585 : memref<1x32x384xf32, #tpu.memory_space<hbm>> -> memref<32x384xf32, #tpu.memory_space<hbm>>
    %dma_wait3A_587 = arith.constant 0 : i32
    %dma_wait3A_588 = tpu.memref_slice %arg4[%select_n3A, %add3A_577, %dma_wait3A_587] : memref<16x2048x384xf32, #tpu.memory_space<hbm>> -> memref<1x32x384xf32, #tpu.memory_space<hbm>>
    %dma_wait3A_589 = tpu.memref_squeeze %dma_wait3A_588 : memref<1x32x384xf32, #tpu.memory_space<hbm>> -> memref<32x384xf32, #tpu.memory_space<hbm>>
    tpu.wait_dma2 semaphore(%arg18 : memref<!tpu.dma_semaphore, #tpu.memory_space<semaphore_mem>>) src(%arg10 : memref<32x384xf32, #tpu.memory_space<vmem>>) dst(%dma_wait3A_589 : memref<32x384xf32, #tpu.memory_space<hbm>>)
    %dma_start3A_590 = arith.constant 22 : i32
    %dma_start3A_591 = arith.constant 0 : i32
    %dma_start3A_592 = tpu.memref_slice %arg7[%dma_start3A_590, %dma_start3A_591] : memref<32x32xi32, #tpu.memory_space<vmem>> -> memref<1x32xi32, #tpu.memory_space<vmem>>
    %dma_start3A_593 = tpu.memref_squeeze %dma_start3A_592 : memref<1x32xi32, #tpu.memory_space<vmem>> -> memref<32xi32, #tpu.memory_space<vmem>>
    %dma_start3A_594 = arith.constant 0 : i32
    %dma_start3A_595 = arith.constant 0 : i32
    %dma_start3A_596 = tpu.memref_slice %arg3[%dma_start3A_594, %dma_start3A_595] : memref<16384x384xf32, #tpu.memory_space<hbm>> -> memref<16384x384xf32, #tpu.memory_space<hbm>>
    tpu.enqueue_indirect_dma source(%dma_start3A_596 : memref<16384x384xf32, #tpu.memory_space<hbm>>) target(%arg10 : memref<32x384xf32, #tpu.memory_space<vmem>>) offsets(%dma_start3A_593 : memref<32xi32, #tpu.memory_space<vmem>>) semaphore(%arg14 : memref<!tpu.dma_semaphore, #tpu.memory_space<semaphore_mem>>)
    %dma_wait3A_597 = arith.constant 19 : i32
    %dma_wait3A_598 = arith.constant 0 : i32
    %dma_wait3A_599 = tpu.memref_slice %arg7[%dma_wait3A_597, %dma_wait3A_598] : memref<32x32xi32, #tpu.memory_space<vmem>> -> memref<1x32xi32, #tpu.memory_space<vmem>>
    %dma_wait3A_600 = tpu.memref_squeeze %dma_wait3A_599 : memref<1x32xi32, #tpu.memory_space<vmem>> -> memref<32xi32, #tpu.memory_space<vmem>>
    %dma_wait3A_601 = arith.constant 0 : i32
    %dma_wait3A_602 = arith.constant 0 : i32
    %dma_wait3A_603 = tpu.memref_slice %arg3[%dma_wait3A_601, %dma_wait3A_602] : memref<16384x384xf32, #tpu.memory_space<hbm>> -> memref<16384x384xf32, #tpu.memory_space<hbm>>
    tpu.wait_indirect_dma semaphore(%arg15 : memref<!tpu.dma_semaphore, #tpu.memory_space<semaphore_mem>>) src(%dma_wait3A_603 : memref<16384x384xf32, #tpu.memory_space<hbm>>) dst(%arg11 : memref<32x384xf32, #tpu.memory_space<vmem>>)
    %add3A_604 = arith.constant 608 : i32
    %add3A_605 = arith.addi %mul3A_32, %add3A_604 : i32
    %dma_start3A_606 = arith.constant 0 : i32
    %dma_start3A_607 = tpu.memref_slice %arg4[%select_n3A, %add3A_605, %dma_start3A_606] : memref<16x2048x384xf32, #tpu.memory_space<hbm>> -> memref<1x32x384xf32, #tpu.memory_space<hbm>>
    %dma_start3A_608 = tpu.memref_squeeze %dma_start3A_607 : memref<1x32x384xf32, #tpu.memory_space<hbm>> -> memref<32x384xf32, #tpu.memory_space<hbm>>
    %dma_start3A_609 = arith.constant 0 : i32
    %dma_start3A_610 = tpu.memref_slice %arg4[%select_n3A, %add3A_605, %dma_start3A_609] : memref<16x2048x384xf32, #tpu.memory_space<hbm>> -> memref<1x32x384xf32, #tpu.memory_space<hbm>>
    %dma_start3A_611 = tpu.memref_squeeze %dma_start3A_610 : memref<1x32x384xf32, #tpu.memory_space<hbm>> -> memref<32x384xf32, #tpu.memory_space<hbm>>
    tpu.enqueue_dma source(%arg11 : memref<32x384xf32, #tpu.memory_space<vmem>>) target(%dma_start3A_611 : memref<32x384xf32, #tpu.memory_space<hbm>>) target_semaphore(%arg19 : memref<!tpu.dma_semaphore, #tpu.memory_space<semaphore_mem>>)
    %dma_wait3A_612 = arith.constant 0 : i32
    %dma_wait3A_613 = tpu.memref_slice %arg4[%select_n3A, %add3A_605, %dma_wait3A_612] : memref<16x2048x384xf32, #tpu.memory_space<hbm>> -> memref<1x32x384xf32, #tpu.memory_space<hbm>>
    %dma_wait3A_614 = tpu.memref_squeeze %dma_wait3A_613 : memref<1x32x384xf32, #tpu.memory_space<hbm>> -> memref<32x384xf32, #tpu.memory_space<hbm>>
    %dma_wait3A_615 = arith.constant 0 : i32
    %dma_wait3A_616 = tpu.memref_slice %arg4[%select_n3A, %add3A_605, %dma_wait3A_615] : memref<16x2048x384xf32, #tpu.memory_space<hbm>> -> memref<1x32x384xf32, #tpu.memory_space<hbm>>
    %dma_wait3A_617 = tpu.memref_squeeze %dma_wait3A_616 : memref<1x32x384xf32, #tpu.memory_space<hbm>> -> memref<32x384xf32, #tpu.memory_space<hbm>>
    tpu.wait_dma2 semaphore(%arg19 : memref<!tpu.dma_semaphore, #tpu.memory_space<semaphore_mem>>) src(%arg11 : memref<32x384xf32, #tpu.memory_space<vmem>>) dst(%dma_wait3A_617 : memref<32x384xf32, #tpu.memory_space<hbm>>)
    %dma_start3A_618 = arith.constant 23 : i32
    %dma_start3A_619 = arith.constant 0 : i32
    %dma_start3A_620 = tpu.memref_slice %arg7[%dma_start3A_618, %dma_start3A_619] : memref<32x32xi32, #tpu.memory_space<vmem>> -> memref<1x32xi32, #tpu.memory_space<vmem>>
    %dma_start3A_621 = tpu.memref_squeeze %dma_start3A_620 : memref<1x32xi32, #tpu.memory_space<vmem>> -> memref<32xi32, #tpu.memory_space<vmem>>
    %dma_start3A_622 = arith.constant 0 : i32
    %dma_start3A_623 = arith.constant 0 : i32
    %dma_start3A_624 = tpu.memref_slice %arg3[%dma_start3A_622, %dma_start3A_623] : memref<16384x384xf32, #tpu.memory_space<hbm>> -> memref<16384x384xf32, #tpu.memory_space<hbm>>
    tpu.enqueue_indirect_dma source(%dma_start3A_624 : memref<16384x384xf32, #tpu.memory_space<hbm>>) target(%arg11 : memref<32x384xf32, #tpu.memory_space<vmem>>) offsets(%dma_start3A_621 : memref<32xi32, #tpu.memory_space<vmem>>) semaphore(%arg15 : memref<!tpu.dma_semaphore, #tpu.memory_space<semaphore_mem>>)
    %dma_wait3A_625 = arith.constant 20 : i32
    %dma_wait3A_626 = arith.constant 0 : i32
    %dma_wait3A_627 = tpu.memref_slice %arg7[%dma_wait3A_625, %dma_wait3A_626] : memref<32x32xi32, #tpu.memory_space<vmem>> -> memref<1x32xi32, #tpu.memory_space<vmem>>
    %dma_wait3A_628 = tpu.memref_squeeze %dma_wait3A_627 : memref<1x32xi32, #tpu.memory_space<vmem>> -> memref<32xi32, #tpu.memory_space<vmem>>
    %dma_wait3A_629 = arith.constant 0 : i32
    %dma_wait3A_630 = arith.constant 0 : i32
    %dma_wait3A_631 = tpu.memref_slice %arg3[%dma_wait3A_629, %dma_wait3A_630] : memref<16384x384xf32, #tpu.memory_space<hbm>> -> memref<16384x384xf32, #tpu.memory_space<hbm>>
    tpu.wait_indirect_dma semaphore(%arg12 : memref<!tpu.dma_semaphore, #tpu.memory_space<semaphore_mem>>) src(%dma_wait3A_631 : memref<16384x384xf32, #tpu.memory_space<hbm>>) dst(%arg8 : memref<32x384xf32, #tpu.memory_space<vmem>>)
    %add3A_632 = arith.constant 640 : i32
    %add3A_633 = arith.addi %mul3A_32, %add3A_632 : i32
    %dma_start3A_634 = arith.constant 0 : i32
    %dma_start3A_635 = tpu.memref_slice %arg4[%select_n3A, %add3A_633, %dma_start3A_634] : memref<16x2048x384xf32, #tpu.memory_space<hbm>> -> memref<1x32x384xf32, #tpu.memory_space<hbm>>
    %dma_start3A_636 = tpu.memref_squeeze %dma_start3A_635 : memref<1x32x384xf32, #tpu.memory_space<hbm>> -> memref<32x384xf32, #tpu.memory_space<hbm>>
    %dma_start3A_637 = arith.constant 0 : i32
    %dma_start3A_638 = tpu.memref_slice %arg4[%select_n3A, %add3A_633, %dma_start3A_637] : memref<16x2048x384xf32, #tpu.memory_space<hbm>> -> memref<1x32x384xf32, #tpu.memory_space<hbm>>
    %dma_start3A_639 = tpu.memref_squeeze %dma_start3A_638 : memref<1x32x384xf32, #tpu.memory_space<hbm>> -> memref<32x384xf32, #tpu.memory_space<hbm>>
    tpu.enqueue_dma source(%arg8 : memref<32x384xf32, #tpu.memory_space<vmem>>) target(%dma_start3A_639 : memref<32x384xf32, #tpu.memory_space<hbm>>) target_semaphore(%arg16 : memref<!tpu.dma_semaphore, #tpu.memory_space<semaphore_mem>>)
    %dma_wait3A_640 = arith.constant 0 : i32
    %dma_wait3A_641 = tpu.memref_slice %arg4[%select_n3A, %add3A_633, %dma_wait3A_640] : memref<16x2048x384xf32, #tpu.memory_space<hbm>> -> memref<1x32x384xf32, #tpu.memory_space<hbm>>
    %dma_wait3A_642 = tpu.memref_squeeze %dma_wait3A_641 : memref<1x32x384xf32, #tpu.memory_space<hbm>> -> memref<32x384xf32, #tpu.memory_space<hbm>>
    %dma_wait3A_643 = arith.constant 0 : i32
    %dma_wait3A_644 = tpu.memref_slice %arg4[%select_n3A, %add3A_633, %dma_wait3A_643] : memref<16x2048x384xf32, #tpu.memory_space<hbm>> -> memref<1x32x384xf32, #tpu.memory_space<hbm>>
    %dma_wait3A_645 = tpu.memref_squeeze %dma_wait3A_644 : memref<1x32x384xf32, #tpu.memory_space<hbm>> -> memref<32x384xf32, #tpu.memory_space<hbm>>
    tpu.wait_dma2 semaphore(%arg16 : memref<!tpu.dma_semaphore, #tpu.memory_space<semaphore_mem>>) src(%arg8 : memref<32x384xf32, #tpu.memory_space<vmem>>) dst(%dma_wait3A_645 : memref<32x384xf32, #tpu.memory_space<hbm>>)
    %dma_start3A_646 = arith.constant 24 : i32
    %dma_start3A_647 = arith.constant 0 : i32
    %dma_start3A_648 = tpu.memref_slice %arg7[%dma_start3A_646, %dma_start3A_647] : memref<32x32xi32, #tpu.memory_space<vmem>> -> memref<1x32xi32, #tpu.memory_space<vmem>>
    %dma_start3A_649 = tpu.memref_squeeze %dma_start3A_648 : memref<1x32xi32, #tpu.memory_space<vmem>> -> memref<32xi32, #tpu.memory_space<vmem>>
    %dma_start3A_650 = arith.constant 0 : i32
    %dma_start3A_651 = arith.constant 0 : i32
    %dma_start3A_652 = tpu.memref_slice %arg3[%dma_start3A_650, %dma_start3A_651] : memref<16384x384xf32, #tpu.memory_space<hbm>> -> memref<16384x384xf32, #tpu.memory_space<hbm>>
    tpu.enqueue_indirect_dma source(%dma_start3A_652 : memref<16384x384xf32, #tpu.memory_space<hbm>>) target(%arg8 : memref<32x384xf32, #tpu.memory_space<vmem>>) offsets(%dma_start3A_649 : memref<32xi32, #tpu.memory_space<vmem>>) semaphore(%arg12 : memref<!tpu.dma_semaphore, #tpu.memory_space<semaphore_mem>>)
    %dma_wait3A_653 = arith.constant 21 : i32
    %dma_wait3A_654 = arith.constant 0 : i32
    %dma_wait3A_655 = tpu.memref_slice %arg7[%dma_wait3A_653, %dma_wait3A_654] : memref<32x32xi32, #tpu.memory_space<vmem>> -> memref<1x32xi32, #tpu.memory_space<vmem>>
    %dma_wait3A_656 = tpu.memref_squeeze %dma_wait3A_655 : memref<1x32xi32, #tpu.memory_space<vmem>> -> memref<32xi32, #tpu.memory_space<vmem>>
    %dma_wait3A_657 = arith.constant 0 : i32
    %dma_wait3A_658 = arith.constant 0 : i32
    %dma_wait3A_659 = tpu.memref_slice %arg3[%dma_wait3A_657, %dma_wait3A_658] : memref<16384x384xf32, #tpu.memory_space<hbm>> -> memref<16384x384xf32, #tpu.memory_space<hbm>>
    tpu.wait_indirect_dma semaphore(%arg13 : memref<!tpu.dma_semaphore, #tpu.memory_space<semaphore_mem>>) src(%dma_wait3A_659 : memref<16384x384xf32, #tpu.memory_space<hbm>>) dst(%arg9 : memref<32x384xf32, #tpu.memory_space<vmem>>)
    %add3A_660 = arith.constant 672 : i32
    %add3A_661 = arith.addi %mul3A_32, %add3A_660 : i32
    %dma_start3A_662 = arith.constant 0 : i32
    %dma_start3A_663 = tpu.memref_slice %arg4[%select_n3A, %add3A_661, %dma_start3A_662] : memref<16x2048x384xf32, #tpu.memory_space<hbm>> -> memref<1x32x384xf32, #tpu.memory_space<hbm>>
    %dma_start3A_664 = tpu.memref_squeeze %dma_start3A_663 : memref<1x32x384xf32, #tpu.memory_space<hbm>> -> memref<32x384xf32, #tpu.memory_space<hbm>>
    %dma_start3A_665 = arith.constant 0 : i32
    %dma_start3A_666 = tpu.memref_slice %arg4[%select_n3A, %add3A_661, %dma_start3A_665] : memref<16x2048x384xf32, #tpu.memory_space<hbm>> -> memref<1x32x384xf32, #tpu.memory_space<hbm>>
    %dma_start3A_667 = tpu.memref_squeeze %dma_start3A_666 : memref<1x32x384xf32, #tpu.memory_space<hbm>> -> memref<32x384xf32, #tpu.memory_space<hbm>>
    tpu.enqueue_dma source(%arg9 : memref<32x384xf32, #tpu.memory_space<vmem>>) target(%dma_start3A_667 : memref<32x384xf32, #tpu.memory_space<hbm>>) target_semaphore(%arg17 : memref<!tpu.dma_semaphore, #tpu.memory_space<semaphore_mem>>)
    %dma_wait3A_668 = arith.constant 0 : i32
    %dma_wait3A_669 = tpu.memref_slice %arg4[%select_n3A, %add3A_661, %dma_wait3A_668] : memref<16x2048x384xf32, #tpu.memory_space<hbm>> -> memref<1x32x384xf32, #tpu.memory_space<hbm>>
    %dma_wait3A_670 = tpu.memref_squeeze %dma_wait3A_669 : memref<1x32x384xf32, #tpu.memory_space<hbm>> -> memref<32x384xf32, #tpu.memory_space<hbm>>
    %dma_wait3A_671 = arith.constant 0 : i32
    %dma_wait3A_672 = tpu.memref_slice %arg4[%select_n3A, %add3A_661, %dma_wait3A_671] : memref<16x2048x384xf32, #tpu.memory_space<hbm>> -> memref<1x32x384xf32, #tpu.memory_space<hbm>>
    %dma_wait3A_673 = tpu.memref_squeeze %dma_wait3A_672 : memref<1x32x384xf32, #tpu.memory_space<hbm>> -> memref<32x384xf32, #tpu.memory_space<hbm>>
    tpu.wait_dma2 semaphore(%arg17 : memref<!tpu.dma_semaphore, #tpu.memory_space<semaphore_mem>>) src(%arg9 : memref<32x384xf32, #tpu.memory_space<vmem>>) dst(%dma_wait3A_673 : memref<32x384xf32, #tpu.memory_space<hbm>>)
    %dma_start3A_674 = arith.constant 25 : i32
    %dma_start3A_675 = arith.constant 0 : i32
    %dma_start3A_676 = tpu.memref_slice %arg7[%dma_start3A_674, %dma_start3A_675] : memref<32x32xi32, #tpu.memory_space<vmem>> -> memref<1x32xi32, #tpu.memory_space<vmem>>
    %dma_start3A_677 = tpu.memref_squeeze %dma_start3A_676 : memref<1x32xi32, #tpu.memory_space<vmem>> -> memref<32xi32, #tpu.memory_space<vmem>>
    %dma_start3A_678 = arith.constant 0 : i32
    %dma_start3A_679 = arith.constant 0 : i32
    %dma_start3A_680 = tpu.memref_slice %arg3[%dma_start3A_678, %dma_start3A_679] : memref<16384x384xf32, #tpu.memory_space<hbm>> -> memref<16384x384xf32, #tpu.memory_space<hbm>>
    tpu.enqueue_indirect_dma source(%dma_start3A_680 : memref<16384x384xf32, #tpu.memory_space<hbm>>) target(%arg9 : memref<32x384xf32, #tpu.memory_space<vmem>>) offsets(%dma_start3A_677 : memref<32xi32, #tpu.memory_space<vmem>>) semaphore(%arg13 : memref<!tpu.dma_semaphore, #tpu.memory_space<semaphore_mem>>)
    %dma_wait3A_681 = arith.constant 22 : i32
    %dma_wait3A_682 = arith.constant 0 : i32
    %dma_wait3A_683 = tpu.memref_slice %arg7[%dma_wait3A_681, %dma_wait3A_682] : memref<32x32xi32, #tpu.memory_space<vmem>> -> memref<1x32xi32, #tpu.memory_space<vmem>>
    %dma_wait3A_684 = tpu.memref_squeeze %dma_wait3A_683 : memref<1x32xi32, #tpu.memory_space<vmem>> -> memref<32xi32, #tpu.memory_space<vmem>>
    %dma_wait3A_685 = arith.constant 0 : i32
    %dma_wait3A_686 = arith.constant 0 : i32
    %dma_wait3A_687 = tpu.memref_slice %arg3[%dma_wait3A_685, %dma_wait3A_686] : memref<16384x384xf32, #tpu.memory_space<hbm>> -> memref<16384x384xf32, #tpu.memory_space<hbm>>
    tpu.wait_indirect_dma semaphore(%arg14 : memref<!tpu.dma_semaphore, #tpu.memory_space<semaphore_mem>>) src(%dma_wait3A_687 : memref<16384x384xf32, #tpu.memory_space<hbm>>) dst(%arg10 : memref<32x384xf32, #tpu.memory_space<vmem>>)
    %add3A_688 = arith.constant 704 : i32
    %add3A_689 = arith.addi %mul3A_32, %add3A_688 : i32
    %dma_start3A_690 = arith.constant 0 : i32
    %dma_start3A_691 = tpu.memref_slice %arg4[%select_n3A, %add3A_689, %dma_start3A_690] : memref<16x2048x384xf32, #tpu.memory_space<hbm>> -> memref<1x32x384xf32, #tpu.memory_space<hbm>>
    %dma_start3A_692 = tpu.memref_squeeze %dma_start3A_691 : memref<1x32x384xf32, #tpu.memory_space<hbm>> -> memref<32x384xf32, #tpu.memory_space<hbm>>
    %dma_start3A_693 = arith.constant 0 : i32
    %dma_start3A_694 = tpu.memref_slice %arg4[%select_n3A, %add3A_689, %dma_start3A_693] : memref<16x2048x384xf32, #tpu.memory_space<hbm>> -> memref<1x32x384xf32, #tpu.memory_space<hbm>>
    %dma_start3A_695 = tpu.memref_squeeze %dma_start3A_694 : memref<1x32x384xf32, #tpu.memory_space<hbm>> -> memref<32x384xf32, #tpu.memory_space<hbm>>
    tpu.enqueue_dma source(%arg10 : memref<32x384xf32, #tpu.memory_space<vmem>>) target(%dma_start3A_695 : memref<32x384xf32, #tpu.memory_space<hbm>>) target_semaphore(%arg18 : memref<!tpu.dma_semaphore, #tpu.memory_space<semaphore_mem>>)
    %dma_wait3A_696 = arith.constant 0 : i32
    %dma_wait3A_697 = tpu.memref_slice %arg4[%select_n3A, %add3A_689, %dma_wait3A_696] : memref<16x2048x384xf32, #tpu.memory_space<hbm>> -> memref<1x32x384xf32, #tpu.memory_space<hbm>>
    %dma_wait3A_698 = tpu.memref_squeeze %dma_wait3A_697 : memref<1x32x384xf32, #tpu.memory_space<hbm>> -> memref<32x384xf32, #tpu.memory_space<hbm>>
    %dma_wait3A_699 = arith.constant 0 : i32
    %dma_wait3A_700 = tpu.memref_slice %arg4[%select_n3A, %add3A_689, %dma_wait3A_699] : memref<16x2048x384xf32, #tpu.memory_space<hbm>> -> memref<1x32x384xf32, #tpu.memory_space<hbm>>
    %dma_wait3A_701 = tpu.memref_squeeze %dma_wait3A_700 : memref<1x32x384xf32, #tpu.memory_space<hbm>> -> memref<32x384xf32, #tpu.memory_space<hbm>>
    tpu.wait_dma2 semaphore(%arg18 : memref<!tpu.dma_semaphore, #tpu.memory_space<semaphore_mem>>) src(%arg10 : memref<32x384xf32, #tpu.memory_space<vmem>>) dst(%dma_wait3A_701 : memref<32x384xf32, #tpu.memory_space<hbm>>)
    %dma_start3A_702 = arith.constant 26 : i32
    %dma_start3A_703 = arith.constant 0 : i32
    %dma_start3A_704 = tpu.memref_slice %arg7[%dma_start3A_702, %dma_start3A_703] : memref<32x32xi32, #tpu.memory_space<vmem>> -> memref<1x32xi32, #tpu.memory_space<vmem>>
    %dma_start3A_705 = tpu.memref_squeeze %dma_start3A_704 : memref<1x32xi32, #tpu.memory_space<vmem>> -> memref<32xi32, #tpu.memory_space<vmem>>
    %dma_start3A_706 = arith.constant 0 : i32
    %dma_start3A_707 = arith.constant 0 : i32
    %dma_start3A_708 = tpu.memref_slice %arg3[%dma_start3A_706, %dma_start3A_707] : memref<16384x384xf32, #tpu.memory_space<hbm>> -> memref<16384x384xf32, #tpu.memory_space<hbm>>
    tpu.enqueue_indirect_dma source(%dma_start3A_708 : memref<16384x384xf32, #tpu.memory_space<hbm>>) target(%arg10 : memref<32x384xf32, #tpu.memory_space<vmem>>) offsets(%dma_start3A_705 : memref<32xi32, #tpu.memory_space<vmem>>) semaphore(%arg14 : memref<!tpu.dma_semaphore, #tpu.memory_space<semaphore_mem>>)
    %dma_wait3A_709 = arith.constant 23 : i32
    %dma_wait3A_710 = arith.constant 0 : i32
    %dma_wait3A_711 = tpu.memref_slice %arg7[%dma_wait3A_709, %dma_wait3A_710] : memref<32x32xi32, #tpu.memory_space<vmem>> -> memref<1x32xi32, #tpu.memory_space<vmem>>
    %dma_wait3A_712 = tpu.memref_squeeze %dma_wait3A_711 : memref<1x32xi32, #tpu.memory_space<vmem>> -> memref<32xi32, #tpu.memory_space<vmem>>
    %dma_wait3A_713 = arith.constant 0 : i32
    %dma_wait3A_714 = arith.constant 0 : i32
    %dma_wait3A_715 = tpu.memref_slice %arg3[%dma_wait3A_713, %dma_wait3A_714] : memref<16384x384xf32, #tpu.memory_space<hbm>> -> memref<16384x384xf32, #tpu.memory_space<hbm>>
    tpu.wait_indirect_dma semaphore(%arg15 : memref<!tpu.dma_semaphore, #tpu.memory_space<semaphore_mem>>) src(%dma_wait3A_715 : memref<16384x384xf32, #tpu.memory_space<hbm>>) dst(%arg11 : memref<32x384xf32, #tpu.memory_space<vmem>>)
    %add3A_716 = arith.constant 736 : i32
    %add3A_717 = arith.addi %mul3A_32, %add3A_716 : i32
    %dma_start3A_718 = arith.constant 0 : i32
    %dma_start3A_719 = tpu.memref_slice %arg4[%select_n3A, %add3A_717, %dma_start3A_718] : memref<16x2048x384xf32, #tpu.memory_space<hbm>> -> memref<1x32x384xf32, #tpu.memory_space<hbm>>
    %dma_start3A_720 = tpu.memref_squeeze %dma_start3A_719 : memref<1x32x384xf32, #tpu.memory_space<hbm>> -> memref<32x384xf32, #tpu.memory_space<hbm>>
    %dma_start3A_721 = arith.constant 0 : i32
    %dma_start3A_722 = tpu.memref_slice %arg4[%select_n3A, %add3A_717, %dma_start3A_721] : memref<16x2048x384xf32, #tpu.memory_space<hbm>> -> memref<1x32x384xf32, #tpu.memory_space<hbm>>
    %dma_start3A_723 = tpu.memref_squeeze %dma_start3A_722 : memref<1x32x384xf32, #tpu.memory_space<hbm>> -> memref<32x384xf32, #tpu.memory_space<hbm>>
    tpu.enqueue_dma source(%arg11 : memref<32x384xf32, #tpu.memory_space<vmem>>) target(%dma_start3A_723 : memref<32x384xf32, #tpu.memory_space<hbm>>) target_semaphore(%arg19 : memref<!tpu.dma_semaphore, #tpu.memory_space<semaphore_mem>>)
    %dma_wait3A_724 = arith.constant 0 : i32
    %dma_wait3A_725 = tpu.memref_slice %arg4[%select_n3A, %add3A_717, %dma_wait3A_724] : memref<16x2048x384xf32, #tpu.memory_space<hbm>> -> memref<1x32x384xf32, #tpu.memory_space<hbm>>
    %dma_wait3A_726 = tpu.memref_squeeze %dma_wait3A_725 : memref<1x32x384xf32, #tpu.memory_space<hbm>> -> memref<32x384xf32, #tpu.memory_space<hbm>>
    %dma_wait3A_727 = arith.constant 0 : i32
    %dma_wait3A_728 = tpu.memref_slice %arg4[%select_n3A, %add3A_717, %dma_wait3A_727] : memref<16x2048x384xf32, #tpu.memory_space<hbm>> -> memref<1x32x384xf32, #tpu.memory_space<hbm>>
    %dma_wait3A_729 = tpu.memref_squeeze %dma_wait3A_728 : memref<1x32x384xf32, #tpu.memory_space<hbm>> -> memref<32x384xf32, #tpu.memory_space<hbm>>
    tpu.wait_dma2 semaphore(%arg19 : memref<!tpu.dma_semaphore, #tpu.memory_space<semaphore_mem>>) src(%arg11 : memref<32x384xf32, #tpu.memory_space<vmem>>) dst(%dma_wait3A_729 : memref<32x384xf32, #tpu.memory_space<hbm>>)
    %dma_start3A_730 = arith.constant 27 : i32
    %dma_start3A_731 = arith.constant 0 : i32
    %dma_start3A_732 = tpu.memref_slice %arg7[%dma_start3A_730, %dma_start3A_731] : memref<32x32xi32, #tpu.memory_space<vmem>> -> memref<1x32xi32, #tpu.memory_space<vmem>>
    %dma_start3A_733 = tpu.memref_squeeze %dma_start3A_732 : memref<1x32xi32, #tpu.memory_space<vmem>> -> memref<32xi32, #tpu.memory_space<vmem>>
    %dma_start3A_734 = arith.constant 0 : i32
    %dma_start3A_735 = arith.constant 0 : i32
    %dma_start3A_736 = tpu.memref_slice %arg3[%dma_start3A_734, %dma_start3A_735] : memref<16384x384xf32, #tpu.memory_space<hbm>> -> memref<16384x384xf32, #tpu.memory_space<hbm>>
    tpu.enqueue_indirect_dma source(%dma_start3A_736 : memref<16384x384xf32, #tpu.memory_space<hbm>>) target(%arg11 : memref<32x384xf32, #tpu.memory_space<vmem>>) offsets(%dma_start3A_733 : memref<32xi32, #tpu.memory_space<vmem>>) semaphore(%arg15 : memref<!tpu.dma_semaphore, #tpu.memory_space<semaphore_mem>>)
    %dma_wait3A_737 = arith.constant 24 : i32
    %dma_wait3A_738 = arith.constant 0 : i32
    %dma_wait3A_739 = tpu.memref_slice %arg7[%dma_wait3A_737, %dma_wait3A_738] : memref<32x32xi32, #tpu.memory_space<vmem>> -> memref<1x32xi32, #tpu.memory_space<vmem>>
    %dma_wait3A_740 = tpu.memref_squeeze %dma_wait3A_739 : memref<1x32xi32, #tpu.memory_space<vmem>> -> memref<32xi32, #tpu.memory_space<vmem>>
    %dma_wait3A_741 = arith.constant 0 : i32
    %dma_wait3A_742 = arith.constant 0 : i32
    %dma_wait3A_743 = tpu.memref_slice %arg3[%dma_wait3A_741, %dma_wait3A_742] : memref<16384x384xf32, #tpu.memory_space<hbm>> -> memref<16384x384xf32, #tpu.memory_space<hbm>>
    tpu.wait_indirect_dma semaphore(%arg12 : memref<!tpu.dma_semaphore, #tpu.memory_space<semaphore_mem>>) src(%dma_wait3A_743 : memref<16384x384xf32, #tpu.memory_space<hbm>>) dst(%arg8 : memref<32x384xf32, #tpu.memory_space<vmem>>)
    %add3A_744 = arith.constant 768 : i32
    %add3A_745 = arith.addi %mul3A_32, %add3A_744 : i32
    %dma_start3A_746 = arith.constant 0 : i32
    %dma_start3A_747 = tpu.memref_slice %arg4[%select_n3A, %add3A_745, %dma_start3A_746] : memref<16x2048x384xf32, #tpu.memory_space<hbm>> -> memref<1x32x384xf32, #tpu.memory_space<hbm>>
    %dma_start3A_748 = tpu.memref_squeeze %dma_start3A_747 : memref<1x32x384xf32, #tpu.memory_space<hbm>> -> memref<32x384xf32, #tpu.memory_space<hbm>>
    %dma_start3A_749 = arith.constant 0 : i32
    %dma_start3A_750 = tpu.memref_slice %arg4[%select_n3A, %add3A_745, %dma_start3A_749] : memref<16x2048x384xf32, #tpu.memory_space<hbm>> -> memref<1x32x384xf32, #tpu.memory_space<hbm>>
    %dma_start3A_751 = tpu.memref_squeeze %dma_start3A_750 : memref<1x32x384xf32, #tpu.memory_space<hbm>> -> memref<32x384xf32, #tpu.memory_space<hbm>>
    tpu.enqueue_dma source(%arg8 : memref<32x384xf32, #tpu.memory_space<vmem>>) target(%dma_start3A_751 : memref<32x384xf32, #tpu.memory_space<hbm>>) target_semaphore(%arg16 : memref<!tpu.dma_semaphore, #tpu.memory_space<semaphore_mem>>)
    %dma_wait3A_752 = arith.constant 0 : i32
    %dma_wait3A_753 = tpu.memref_slice %arg4[%select_n3A, %add3A_745, %dma_wait3A_752] : memref<16x2048x384xf32, #tpu.memory_space<hbm>> -> memref<1x32x384xf32, #tpu.memory_space<hbm>>
    %dma_wait3A_754 = tpu.memref_squeeze %dma_wait3A_753 : memref<1x32x384xf32, #tpu.memory_space<hbm>> -> memref<32x384xf32, #tpu.memory_space<hbm>>
    %dma_wait3A_755 = arith.constant 0 : i32
    %dma_wait3A_756 = tpu.memref_slice %arg4[%select_n3A, %add3A_745, %dma_wait3A_755] : memref<16x2048x384xf32, #tpu.memory_space<hbm>> -> memref<1x32x384xf32, #tpu.memory_space<hbm>>
    %dma_wait3A_757 = tpu.memref_squeeze %dma_wait3A_756 : memref<1x32x384xf32, #tpu.memory_space<hbm>> -> memref<32x384xf32, #tpu.memory_space<hbm>>
    tpu.wait_dma2 semaphore(%arg16 : memref<!tpu.dma_semaphore, #tpu.memory_space<semaphore_mem>>) src(%arg8 : memref<32x384xf32, #tpu.memory_space<vmem>>) dst(%dma_wait3A_757 : memref<32x384xf32, #tpu.memory_space<hbm>>)
    %dma_start3A_758 = arith.constant 28 : i32
    %dma_start3A_759 = arith.constant 0 : i32
    %dma_start3A_760 = tpu.memref_slice %arg7[%dma_start3A_758, %dma_start3A_759] : memref<32x32xi32, #tpu.memory_space<vmem>> -> memref<1x32xi32, #tpu.memory_space<vmem>>
    %dma_start3A_761 = tpu.memref_squeeze %dma_start3A_760 : memref<1x32xi32, #tpu.memory_space<vmem>> -> memref<32xi32, #tpu.memory_space<vmem>>
    %dma_start3A_762 = arith.constant 0 : i32
    %dma_start3A_763 = arith.constant 0 : i32
    %dma_start3A_764 = tpu.memref_slice %arg3[%dma_start3A_762, %dma_start3A_763] : memref<16384x384xf32, #tpu.memory_space<hbm>> -> memref<16384x384xf32, #tpu.memory_space<hbm>>
    tpu.enqueue_indirect_dma source(%dma_start3A_764 : memref<16384x384xf32, #tpu.memory_space<hbm>>) target(%arg8 : memref<32x384xf32, #tpu.memory_space<vmem>>) offsets(%dma_start3A_761 : memref<32xi32, #tpu.memory_space<vmem>>) semaphore(%arg12 : memref<!tpu.dma_semaphore, #tpu.memory_space<semaphore_mem>>)
    %dma_wait3A_765 = arith.constant 25 : i32
    %dma_wait3A_766 = arith.constant 0 : i32
    %dma_wait3A_767 = tpu.memref_slice %arg7[%dma_wait3A_765, %dma_wait3A_766] : memref<32x32xi32, #tpu.memory_space<vmem>> -> memref<1x32xi32, #tpu.memory_space<vmem>>
    %dma_wait3A_768 = tpu.memref_squeeze %dma_wait3A_767 : memref<1x32xi32, #tpu.memory_space<vmem>> -> memref<32xi32, #tpu.memory_space<vmem>>
    %dma_wait3A_769 = arith.constant 0 : i32
    %dma_wait3A_770 = arith.constant 0 : i32
    %dma_wait3A_771 = tpu.memref_slice %arg3[%dma_wait3A_769, %dma_wait3A_770] : memref<16384x384xf32, #tpu.memory_space<hbm>> -> memref<16384x384xf32, #tpu.memory_space<hbm>>
    tpu.wait_indirect_dma semaphore(%arg13 : memref<!tpu.dma_semaphore, #tpu.memory_space<semaphore_mem>>) src(%dma_wait3A_771 : memref<16384x384xf32, #tpu.memory_space<hbm>>) dst(%arg9 : memref<32x384xf32, #tpu.memory_space<vmem>>)
    %add3A_772 = arith.constant 800 : i32
    %add3A_773 = arith.addi %mul3A_32, %add3A_772 : i32
    %dma_start3A_774 = arith.constant 0 : i32
    %dma_start3A_775 = tpu.memref_slice %arg4[%select_n3A, %add3A_773, %dma_start3A_774] : memref<16x2048x384xf32, #tpu.memory_space<hbm>> -> memref<1x32x384xf32, #tpu.memory_space<hbm>>
    %dma_start3A_776 = tpu.memref_squeeze %dma_start3A_775 : memref<1x32x384xf32, #tpu.memory_space<hbm>> -> memref<32x384xf32, #tpu.memory_space<hbm>>
    %dma_start3A_777 = arith.constant 0 : i32
    %dma_start3A_778 = tpu.memref_slice %arg4[%select_n3A, %add3A_773, %dma_start3A_777] : memref<16x2048x384xf32, #tpu.memory_space<hbm>> -> memref<1x32x384xf32, #tpu.memory_space<hbm>>
    %dma_start3A_779 = tpu.memref_squeeze %dma_start3A_778 : memref<1x32x384xf32, #tpu.memory_space<hbm>> -> memref<32x384xf32, #tpu.memory_space<hbm>>
    tpu.enqueue_dma source(%arg9 : memref<32x384xf32, #tpu.memory_space<vmem>>) target(%dma_start3A_779 : memref<32x384xf32, #tpu.memory_space<hbm>>) target_semaphore(%arg17 : memref<!tpu.dma_semaphore, #tpu.memory_space<semaphore_mem>>)
    %dma_wait3A_780 = arith.constant 0 : i32
    %dma_wait3A_781 = tpu.memref_slice %arg4[%select_n3A, %add3A_773, %dma_wait3A_780] : memref<16x2048x384xf32, #tpu.memory_space<hbm>> -> memref<1x32x384xf32, #tpu.memory_space<hbm>>
    %dma_wait3A_782 = tpu.memref_squeeze %dma_wait3A_781 : memref<1x32x384xf32, #tpu.memory_space<hbm>> -> memref<32x384xf32, #tpu.memory_space<hbm>>
    %dma_wait3A_783 = arith.constant 0 : i32
    %dma_wait3A_784 = tpu.memref_slice %arg4[%select_n3A, %add3A_773, %dma_wait3A_783] : memref<16x2048x384xf32, #tpu.memory_space<hbm>> -> memref<1x32x384xf32, #tpu.memory_space<hbm>>
    %dma_wait3A_785 = tpu.memref_squeeze %dma_wait3A_784 : memref<1x32x384xf32, #tpu.memory_space<hbm>> -> memref<32x384xf32, #tpu.memory_space<hbm>>
    tpu.wait_dma2 semaphore(%arg17 : memref<!tpu.dma_semaphore, #tpu.memory_space<semaphore_mem>>) src(%arg9 : memref<32x384xf32, #tpu.memory_space<vmem>>) dst(%dma_wait3A_785 : memref<32x384xf32, #tpu.memory_space<hbm>>)
    %dma_start3A_786 = arith.constant 29 : i32
    %dma_start3A_787 = arith.constant 0 : i32
    %dma_start3A_788 = tpu.memref_slice %arg7[%dma_start3A_786, %dma_start3A_787] : memref<32x32xi32, #tpu.memory_space<vmem>> -> memref<1x32xi32, #tpu.memory_space<vmem>>
    %dma_start3A_789 = tpu.memref_squeeze %dma_start3A_788 : memref<1x32xi32, #tpu.memory_space<vmem>> -> memref<32xi32, #tpu.memory_space<vmem>>
    %dma_start3A_790 = arith.constant 0 : i32
    %dma_start3A_791 = arith.constant 0 : i32
    %dma_start3A_792 = tpu.memref_slice %arg3[%dma_start3A_790, %dma_start3A_791] : memref<16384x384xf32, #tpu.memory_space<hbm>> -> memref<16384x384xf32, #tpu.memory_space<hbm>>
    tpu.enqueue_indirect_dma source(%dma_start3A_792 : memref<16384x384xf32, #tpu.memory_space<hbm>>) target(%arg9 : memref<32x384xf32, #tpu.memory_space<vmem>>) offsets(%dma_start3A_789 : memref<32xi32, #tpu.memory_space<vmem>>) semaphore(%arg13 : memref<!tpu.dma_semaphore, #tpu.memory_space<semaphore_mem>>)
    %dma_wait3A_793 = arith.constant 26 : i32
    %dma_wait3A_794 = arith.constant 0 : i32
    %dma_wait3A_795 = tpu.memref_slice %arg7[%dma_wait3A_793, %dma_wait3A_794] : memref<32x32xi32, #tpu.memory_space<vmem>> -> memref<1x32xi32, #tpu.memory_space<vmem>>
    %dma_wait3A_796 = tpu.memref_squeeze %dma_wait3A_795 : memref<1x32xi32, #tpu.memory_space<vmem>> -> memref<32xi32, #tpu.memory_space<vmem>>
    %dma_wait3A_797 = arith.constant 0 : i32
    %dma_wait3A_798 = arith.constant 0 : i32
    %dma_wait3A_799 = tpu.memref_slice %arg3[%dma_wait3A_797, %dma_wait3A_798] : memref<16384x384xf32, #tpu.memory_space<hbm>> -> memref<16384x384xf32, #tpu.memory_space<hbm>>
    tpu.wait_indirect_dma semaphore(%arg14 : memref<!tpu.dma_semaphore, #tpu.memory_space<semaphore_mem>>) src(%dma_wait3A_799 : memref<16384x384xf32, #tpu.memory_space<hbm>>) dst(%arg10 : memref<32x384xf32, #tpu.memory_space<vmem>>)
    %add3A_800 = arith.constant 832 : i32
    %add3A_801 = arith.addi %mul3A_32, %add3A_800 : i32
    %dma_start3A_802 = arith.constant 0 : i32
    %dma_start3A_803 = tpu.memref_slice %arg4[%select_n3A, %add3A_801, %dma_start3A_802] : memref<16x2048x384xf32, #tpu.memory_space<hbm>> -> memref<1x32x384xf32, #tpu.memory_space<hbm>>
    %dma_start3A_804 = tpu.memref_squeeze %dma_start3A_803 : memref<1x32x384xf32, #tpu.memory_space<hbm>> -> memref<32x384xf32, #tpu.memory_space<hbm>>
    %dma_start3A_805 = arith.constant 0 : i32
    %dma_start3A_806 = tpu.memref_slice %arg4[%select_n3A, %add3A_801, %dma_start3A_805] : memref<16x2048x384xf32, #tpu.memory_space<hbm>> -> memref<1x32x384xf32, #tpu.memory_space<hbm>>
    %dma_start3A_807 = tpu.memref_squeeze %dma_start3A_806 : memref<1x32x384xf32, #tpu.memory_space<hbm>> -> memref<32x384xf32, #tpu.memory_space<hbm>>
    tpu.enqueue_dma source(%arg10 : memref<32x384xf32, #tpu.memory_space<vmem>>) target(%dma_start3A_807 : memref<32x384xf32, #tpu.memory_space<hbm>>) target_semaphore(%arg18 : memref<!tpu.dma_semaphore, #tpu.memory_space<semaphore_mem>>)
    %dma_wait3A_808 = arith.constant 0 : i32
    %dma_wait3A_809 = tpu.memref_slice %arg4[%select_n3A, %add3A_801, %dma_wait3A_808] : memref<16x2048x384xf32, #tpu.memory_space<hbm>> -> memref<1x32x384xf32, #tpu.memory_space<hbm>>
    %dma_wait3A_810 = tpu.memref_squeeze %dma_wait3A_809 : memref<1x32x384xf32, #tpu.memory_space<hbm>> -> memref<32x384xf32, #tpu.memory_space<hbm>>
    %dma_wait3A_811 = arith.constant 0 : i32
    %dma_wait3A_812 = tpu.memref_slice %arg4[%select_n3A, %add3A_801, %dma_wait3A_811] : memref<16x2048x384xf32, #tpu.memory_space<hbm>> -> memref<1x32x384xf32, #tpu.memory_space<hbm>>
    %dma_wait3A_813 = tpu.memref_squeeze %dma_wait3A_812 : memref<1x32x384xf32, #tpu.memory_space<hbm>> -> memref<32x384xf32, #tpu.memory_space<hbm>>
    tpu.wait_dma2 semaphore(%arg18 : memref<!tpu.dma_semaphore, #tpu.memory_space<semaphore_mem>>) src(%arg10 : memref<32x384xf32, #tpu.memory_space<vmem>>) dst(%dma_wait3A_813 : memref<32x384xf32, #tpu.memory_space<hbm>>)
    %dma_start3A_814 = arith.constant 30 : i32
    %dma_start3A_815 = arith.constant 0 : i32
    %dma_start3A_816 = tpu.memref_slice %arg7[%dma_start3A_814, %dma_start3A_815] : memref<32x32xi32, #tpu.memory_space<vmem>> -> memref<1x32xi32, #tpu.memory_space<vmem>>
    %dma_start3A_817 = tpu.memref_squeeze %dma_start3A_816 : memref<1x32xi32, #tpu.memory_space<vmem>> -> memref<32xi32, #tpu.memory_space<vmem>>
    %dma_start3A_818 = arith.constant 0 : i32
    %dma_start3A_819 = arith.constant 0 : i32
    %dma_start3A_820 = tpu.memref_slice %arg3[%dma_start3A_818, %dma_start3A_819] : memref<16384x384xf32, #tpu.memory_space<hbm>> -> memref<16384x384xf32, #tpu.memory_space<hbm>>
    tpu.enqueue_indirect_dma source(%dma_start3A_820 : memref<16384x384xf32, #tpu.memory_space<hbm>>) target(%arg10 : memref<32x384xf32, #tpu.memory_space<vmem>>) offsets(%dma_start3A_817 : memref<32xi32, #tpu.memory_space<vmem>>) semaphore(%arg14 : memref<!tpu.dma_semaphore, #tpu.memory_space<semaphore_mem>>)
    %dma_wait3A_821 = arith.constant 27 : i32
    %dma_wait3A_822 = arith.constant 0 : i32
    %dma_wait3A_823 = tpu.memref_slice %arg7[%dma_wait3A_821, %dma_wait3A_822] : memref<32x32xi32, #tpu.memory_space<vmem>> -> memref<1x32xi32, #tpu.memory_space<vmem>>
    %dma_wait3A_824 = tpu.memref_squeeze %dma_wait3A_823 : memref<1x32xi32, #tpu.memory_space<vmem>> -> memref<32xi32, #tpu.memory_space<vmem>>
    %dma_wait3A_825 = arith.constant 0 : i32
    %dma_wait3A_826 = arith.constant 0 : i32
    %dma_wait3A_827 = tpu.memref_slice %arg3[%dma_wait3A_825, %dma_wait3A_826] : memref<16384x384xf32, #tpu.memory_space<hbm>> -> memref<16384x384xf32, #tpu.memory_space<hbm>>
    tpu.wait_indirect_dma semaphore(%arg15 : memref<!tpu.dma_semaphore, #tpu.memory_space<semaphore_mem>>) src(%dma_wait3A_827 : memref<16384x384xf32, #tpu.memory_space<hbm>>) dst(%arg11 : memref<32x384xf32, #tpu.memory_space<vmem>>)
    %add3A_828 = arith.constant 864 : i32
    %add3A_829 = arith.addi %mul3A_32, %add3A_828 : i32
    %dma_start3A_830 = arith.constant 0 : i32
    %dma_start3A_831 = tpu.memref_slice %arg4[%select_n3A, %add3A_829, %dma_start3A_830] : memref<16x2048x384xf32, #tpu.memory_space<hbm>> -> memref<1x32x384xf32, #tpu.memory_space<hbm>>
    %dma_start3A_832 = tpu.memref_squeeze %dma_start3A_831 : memref<1x32x384xf32, #tpu.memory_space<hbm>> -> memref<32x384xf32, #tpu.memory_space<hbm>>
    %dma_start3A_833 = arith.constant 0 : i32
    %dma_start3A_834 = tpu.memref_slice %arg4[%select_n3A, %add3A_829, %dma_start3A_833] : memref<16x2048x384xf32, #tpu.memory_space<hbm>> -> memref<1x32x384xf32, #tpu.memory_space<hbm>>
    %dma_start3A_835 = tpu.memref_squeeze %dma_start3A_834 : memref<1x32x384xf32, #tpu.memory_space<hbm>> -> memref<32x384xf32, #tpu.memory_space<hbm>>
    tpu.enqueue_dma source(%arg11 : memref<32x384xf32, #tpu.memory_space<vmem>>) target(%dma_start3A_835 : memref<32x384xf32, #tpu.memory_space<hbm>>) target_semaphore(%arg19 : memref<!tpu.dma_semaphore, #tpu.memory_space<semaphore_mem>>)
    %dma_wait3A_836 = arith.constant 0 : i32
    %dma_wait3A_837 = tpu.memref_slice %arg4[%select_n3A, %add3A_829, %dma_wait3A_836] : memref<16x2048x384xf32, #tpu.memory_space<hbm>> -> memref<1x32x384xf32, #tpu.memory_space<hbm>>
    %dma_wait3A_838 = tpu.memref_squeeze %dma_wait3A_837 : memref<1x32x384xf32, #tpu.memory_space<hbm>> -> memref<32x384xf32, #tpu.memory_space<hbm>>
    %dma_wait3A_839 = arith.constant 0 : i32
    %dma_wait3A_840 = tpu.memref_slice %arg4[%select_n3A, %add3A_829, %dma_wait3A_839] : memref<16x2048x384xf32, #tpu.memory_space<hbm>> -> memref<1x32x384xf32, #tpu.memory_space<hbm>>
    %dma_wait3A_841 = tpu.memref_squeeze %dma_wait3A_840 : memref<1x32x384xf32, #tpu.memory_space<hbm>> -> memref<32x384xf32, #tpu.memory_space<hbm>>
    tpu.wait_dma2 semaphore(%arg19 : memref<!tpu.dma_semaphore, #tpu.memory_space<semaphore_mem>>) src(%arg11 : memref<32x384xf32, #tpu.memory_space<vmem>>) dst(%dma_wait3A_841 : memref<32x384xf32, #tpu.memory_space<hbm>>)
    %dma_start3A_842 = arith.constant 31 : i32
    %dma_start3A_843 = arith.constant 0 : i32
    %dma_start3A_844 = tpu.memref_slice %arg7[%dma_start3A_842, %dma_start3A_843] : memref<32x32xi32, #tpu.memory_space<vmem>> -> memref<1x32xi32, #tpu.memory_space<vmem>>
    %dma_start3A_845 = tpu.memref_squeeze %dma_start3A_844 : memref<1x32xi32, #tpu.memory_space<vmem>> -> memref<32xi32, #tpu.memory_space<vmem>>
    %dma_start3A_846 = arith.constant 0 : i32
    %dma_start3A_847 = arith.constant 0 : i32
    %dma_start3A_848 = tpu.memref_slice %arg3[%dma_start3A_846, %dma_start3A_847] : memref<16384x384xf32, #tpu.memory_space<hbm>> -> memref<16384x384xf32, #tpu.memory_space<hbm>>
    tpu.enqueue_indirect_dma source(%dma_start3A_848 : memref<16384x384xf32, #tpu.memory_space<hbm>>) target(%arg11 : memref<32x384xf32, #tpu.memory_space<vmem>>) offsets(%dma_start3A_845 : memref<32xi32, #tpu.memory_space<vmem>>) semaphore(%arg15 : memref<!tpu.dma_semaphore, #tpu.memory_space<semaphore_mem>>)
    %dma_wait3A_849 = arith.constant 28 : i32
    %dma_wait3A_850 = arith.constant 0 : i32
    %dma_wait3A_851 = tpu.memref_slice %arg7[%dma_wait3A_849, %dma_wait3A_850] : memref<32x32xi32, #tpu.memory_space<vmem>> -> memref<1x32xi32, #tpu.memory_space<vmem>>
    %dma_wait3A_852 = tpu.memref_squeeze %dma_wait3A_851 : memref<1x32xi32, #tpu.memory_space<vmem>> -> memref<32xi32, #tpu.memory_space<vmem>>
    %dma_wait3A_853 = arith.constant 0 : i32
    %dma_wait3A_854 = arith.constant 0 : i32
    %dma_wait3A_855 = tpu.memref_slice %arg3[%dma_wait3A_853, %dma_wait3A_854] : memref<16384x384xf32, #tpu.memory_space<hbm>> -> memref<16384x384xf32, #tpu.memory_space<hbm>>
    tpu.wait_indirect_dma semaphore(%arg12 : memref<!tpu.dma_semaphore, #tpu.memory_space<semaphore_mem>>) src(%dma_wait3A_855 : memref<16384x384xf32, #tpu.memory_space<hbm>>) dst(%arg8 : memref<32x384xf32, #tpu.memory_space<vmem>>)
    %add3A_856 = arith.constant 896 : i32
    %add3A_857 = arith.addi %mul3A_32, %add3A_856 : i32
    %dma_start3A_858 = arith.constant 0 : i32
    %dma_start3A_859 = tpu.memref_slice %arg4[%select_n3A, %add3A_857, %dma_start3A_858] : memref<16x2048x384xf32, #tpu.memory_space<hbm>> -> memref<1x32x384xf32, #tpu.memory_space<hbm>>
    %dma_start3A_860 = tpu.memref_squeeze %dma_start3A_859 : memref<1x32x384xf32, #tpu.memory_space<hbm>> -> memref<32x384xf32, #tpu.memory_space<hbm>>
    %dma_start3A_861 = arith.constant 0 : i32
    %dma_start3A_862 = tpu.memref_slice %arg4[%select_n3A, %add3A_857, %dma_start3A_861] : memref<16x2048x384xf32, #tpu.memory_space<hbm>> -> memref<1x32x384xf32, #tpu.memory_space<hbm>>
    %dma_start3A_863 = tpu.memref_squeeze %dma_start3A_862 : memref<1x32x384xf32, #tpu.memory_space<hbm>> -> memref<32x384xf32, #tpu.memory_space<hbm>>
    tpu.enqueue_dma source(%arg8 : memref<32x384xf32, #tpu.memory_space<vmem>>) target(%dma_start3A_863 : memref<32x384xf32, #tpu.memory_space<hbm>>) target_semaphore(%arg16 : memref<!tpu.dma_semaphore, #tpu.memory_space<semaphore_mem>>)
    %dma_wait3A_864 = arith.constant 29 : i32
    %dma_wait3A_865 = arith.constant 0 : i32
    %dma_wait3A_866 = tpu.memref_slice %arg7[%dma_wait3A_864, %dma_wait3A_865] : memref<32x32xi32, #tpu.memory_space<vmem>> -> memref<1x32xi32, #tpu.memory_space<vmem>>
    %dma_wait3A_867 = tpu.memref_squeeze %dma_wait3A_866 : memref<1x32xi32, #tpu.memory_space<vmem>> -> memref<32xi32, #tpu.memory_space<vmem>>
    %dma_wait3A_868 = arith.constant 0 : i32
    %dma_wait3A_869 = arith.constant 0 : i32
    %dma_wait3A_870 = tpu.memref_slice %arg3[%dma_wait3A_868, %dma_wait3A_869] : memref<16384x384xf32, #tpu.memory_space<hbm>> -> memref<16384x384xf32, #tpu.memory_space<hbm>>
    tpu.wait_indirect_dma semaphore(%arg13 : memref<!tpu.dma_semaphore, #tpu.memory_space<semaphore_mem>>) src(%dma_wait3A_870 : memref<16384x384xf32, #tpu.memory_space<hbm>>) dst(%arg9 : memref<32x384xf32, #tpu.memory_space<vmem>>)
    %add3A_871 = arith.constant 928 : i32
    %add3A_872 = arith.addi %mul3A_32, %add3A_871 : i32
    %dma_start3A_873 = arith.constant 0 : i32
    %dma_start3A_874 = tpu.memref_slice %arg4[%select_n3A, %add3A_872, %dma_start3A_873] : memref<16x2048x384xf32, #tpu.memory_space<hbm>> -> memref<1x32x384xf32, #tpu.memory_space<hbm>>
    %dma_start3A_875 = tpu.memref_squeeze %dma_start3A_874 : memref<1x32x384xf32, #tpu.memory_space<hbm>> -> memref<32x384xf32, #tpu.memory_space<hbm>>
    %dma_start3A_876 = arith.constant 0 : i32
    %dma_start3A_877 = tpu.memref_slice %arg4[%select_n3A, %add3A_872, %dma_start3A_876] : memref<16x2048x384xf32, #tpu.memory_space<hbm>> -> memref<1x32x384xf32, #tpu.memory_space<hbm>>
    %dma_start3A_878 = tpu.memref_squeeze %dma_start3A_877 : memref<1x32x384xf32, #tpu.memory_space<hbm>> -> memref<32x384xf32, #tpu.memory_space<hbm>>
    tpu.enqueue_dma source(%arg9 : memref<32x384xf32, #tpu.memory_space<vmem>>) target(%dma_start3A_878 : memref<32x384xf32, #tpu.memory_space<hbm>>) target_semaphore(%arg17 : memref<!tpu.dma_semaphore, #tpu.memory_space<semaphore_mem>>)
    %dma_wait3A_879 = arith.constant 30 : i32
    %dma_wait3A_880 = arith.constant 0 : i32
    %dma_wait3A_881 = tpu.memref_slice %arg7[%dma_wait3A_879, %dma_wait3A_880] : memref<32x32xi32, #tpu.memory_space<vmem>> -> memref<1x32xi32, #tpu.memory_space<vmem>>
    %dma_wait3A_882 = tpu.memref_squeeze %dma_wait3A_881 : memref<1x32xi32, #tpu.memory_space<vmem>> -> memref<32xi32, #tpu.memory_space<vmem>>
    %dma_wait3A_883 = arith.constant 0 : i32
    %dma_wait3A_884 = arith.constant 0 : i32
    %dma_wait3A_885 = tpu.memref_slice %arg3[%dma_wait3A_883, %dma_wait3A_884] : memref<16384x384xf32, #tpu.memory_space<hbm>> -> memref<16384x384xf32, #tpu.memory_space<hbm>>
    tpu.wait_indirect_dma semaphore(%arg14 : memref<!tpu.dma_semaphore, #tpu.memory_space<semaphore_mem>>) src(%dma_wait3A_885 : memref<16384x384xf32, #tpu.memory_space<hbm>>) dst(%arg10 : memref<32x384xf32, #tpu.memory_space<vmem>>)
    %add3A_886 = arith.constant 960 : i32
    %add3A_887 = arith.addi %mul3A_32, %add3A_886 : i32
    %dma_start3A_888 = arith.constant 0 : i32
    %dma_start3A_889 = tpu.memref_slice %arg4[%select_n3A, %add3A_887, %dma_start3A_888] : memref<16x2048x384xf32, #tpu.memory_space<hbm>> -> memref<1x32x384xf32, #tpu.memory_space<hbm>>
    %dma_start3A_890 = tpu.memref_squeeze %dma_start3A_889 : memref<1x32x384xf32, #tpu.memory_space<hbm>> -> memref<32x384xf32, #tpu.memory_space<hbm>>
    %dma_start3A_891 = arith.constant 0 : i32
    %dma_start3A_892 = tpu.memref_slice %arg4[%select_n3A, %add3A_887, %dma_start3A_891] : memref<16x2048x384xf32, #tpu.memory_space<hbm>> -> memref<1x32x384xf32, #tpu.memory_space<hbm>>
    %dma_start3A_893 = tpu.memref_squeeze %dma_start3A_892 : memref<1x32x384xf32, #tpu.memory_space<hbm>> -> memref<32x384xf32, #tpu.memory_space<hbm>>
    tpu.enqueue_dma source(%arg10 : memref<32x384xf32, #tpu.memory_space<vmem>>) target(%dma_start3A_893 : memref<32x384xf32, #tpu.memory_space<hbm>>) target_semaphore(%arg18 : memref<!tpu.dma_semaphore, #tpu.memory_space<semaphore_mem>>)
    %dma_wait3A_894 = arith.constant 31 : i32
    %dma_wait3A_895 = arith.constant 0 : i32
    %dma_wait3A_896 = tpu.memref_slice %arg7[%dma_wait3A_894, %dma_wait3A_895] : memref<32x32xi32, #tpu.memory_space<vmem>> -> memref<1x32xi32, #tpu.memory_space<vmem>>
    %dma_wait3A_897 = tpu.memref_squeeze %dma_wait3A_896 : memref<1x32xi32, #tpu.memory_space<vmem>> -> memref<32xi32, #tpu.memory_space<vmem>>
    %dma_wait3A_898 = arith.constant 0 : i32
    %dma_wait3A_899 = arith.constant 0 : i32
    %dma_wait3A_900 = tpu.memref_slice %arg3[%dma_wait3A_898, %dma_wait3A_899] : memref<16384x384xf32, #tpu.memory_space<hbm>> -> memref<16384x384xf32, #tpu.memory_space<hbm>>
    tpu.wait_indirect_dma semaphore(%arg15 : memref<!tpu.dma_semaphore, #tpu.memory_space<semaphore_mem>>) src(%dma_wait3A_900 : memref<16384x384xf32, #tpu.memory_space<hbm>>) dst(%arg11 : memref<32x384xf32, #tpu.memory_space<vmem>>)
    %add3A_901 = arith.constant 992 : i32
    %add3A_902 = arith.addi %mul3A_32, %add3A_901 : i32
    %dma_start3A_903 = arith.constant 0 : i32
    %dma_start3A_904 = tpu.memref_slice %arg4[%select_n3A, %add3A_902, %dma_start3A_903] : memref<16x2048x384xf32, #tpu.memory_space<hbm>> -> memref<1x32x384xf32, #tpu.memory_space<hbm>>
    %dma_start3A_905 = tpu.memref_squeeze %dma_start3A_904 : memref<1x32x384xf32, #tpu.memory_space<hbm>> -> memref<32x384xf32, #tpu.memory_space<hbm>>
    %dma_start3A_906 = arith.constant 0 : i32
    %dma_start3A_907 = tpu.memref_slice %arg4[%select_n3A, %add3A_902, %dma_start3A_906] : memref<16x2048x384xf32, #tpu.memory_space<hbm>> -> memref<1x32x384xf32, #tpu.memory_space<hbm>>
    %dma_start3A_908 = tpu.memref_squeeze %dma_start3A_907 : memref<1x32x384xf32, #tpu.memory_space<hbm>> -> memref<32x384xf32, #tpu.memory_space<hbm>>
    tpu.enqueue_dma source(%arg11 : memref<32x384xf32, #tpu.memory_space<vmem>>) target(%dma_start3A_908 : memref<32x384xf32, #tpu.memory_space<hbm>>) target_semaphore(%arg19 : memref<!tpu.dma_semaphore, #tpu.memory_space<semaphore_mem>>)
    %dma_wait3A_909 = arith.constant 0 : i32
    %dma_wait3A_910 = tpu.memref_slice %arg4[%select_n3A, %add3A_857, %dma_wait3A_909] : memref<16x2048x384xf32, #tpu.memory_space<hbm>> -> memref<1x32x384xf32, #tpu.memory_space<hbm>>
    %dma_wait3A_911 = tpu.memref_squeeze %dma_wait3A_910 : memref<1x32x384xf32, #tpu.memory_space<hbm>> -> memref<32x384xf32, #tpu.memory_space<hbm>>
    %dma_wait3A_912 = arith.constant 0 : i32
    %dma_wait3A_913 = tpu.memref_slice %arg4[%select_n3A, %add3A_857, %dma_wait3A_912] : memref<16x2048x384xf32, #tpu.memory_space<hbm>> -> memref<1x32x384xf32, #tpu.memory_space<hbm>>
    %dma_wait3A_914 = tpu.memref_squeeze %dma_wait3A_913 : memref<1x32x384xf32, #tpu.memory_space<hbm>> -> memref<32x384xf32, #tpu.memory_space<hbm>>
    tpu.wait_dma2 semaphore(%arg16 : memref<!tpu.dma_semaphore, #tpu.memory_space<semaphore_mem>>) src(%arg8 : memref<32x384xf32, #tpu.memory_space<vmem>>) dst(%dma_wait3A_914 : memref<32x384xf32, #tpu.memory_space<hbm>>)
    %dma_wait3A_915 = arith.constant 0 : i32
    %dma_wait3A_916 = tpu.memref_slice %arg4[%select_n3A, %add3A_872, %dma_wait3A_915] : memref<16x2048x384xf32, #tpu.memory_space<hbm>> -> memref<1x32x384xf32, #tpu.memory_space<hbm>>
    %dma_wait3A_917 = tpu.memref_squeeze %dma_wait3A_916 : memref<1x32x384xf32, #tpu.memory_space<hbm>> -> memref<32x384xf32, #tpu.memory_space<hbm>>
    %dma_wait3A_918 = arith.constant 0 : i32
    %dma_wait3A_919 = tpu.memref_slice %arg4[%select_n3A, %add3A_872, %dma_wait3A_918] : memref<16x2048x384xf32, #tpu.memory_space<hbm>> -> memref<1x32x384xf32, #tpu.memory_space<hbm>>
    %dma_wait3A_920 = tpu.memref_squeeze %dma_wait3A_919 : memref<1x32x384xf32, #tpu.memory_space<hbm>> -> memref<32x384xf32, #tpu.memory_space<hbm>>
    tpu.wait_dma2 semaphore(%arg17 : memref<!tpu.dma_semaphore, #tpu.memory_space<semaphore_mem>>) src(%arg9 : memref<32x384xf32, #tpu.memory_space<vmem>>) dst(%dma_wait3A_920 : memref<32x384xf32, #tpu.memory_space<hbm>>)
    %dma_wait3A_921 = arith.constant 0 : i32
    %dma_wait3A_922 = tpu.memref_slice %arg4[%select_n3A, %add3A_887, %dma_wait3A_921] : memref<16x2048x384xf32, #tpu.memory_space<hbm>> -> memref<1x32x384xf32, #tpu.memory_space<hbm>>
    %dma_wait3A_923 = tpu.memref_squeeze %dma_wait3A_922 : memref<1x32x384xf32, #tpu.memory_space<hbm>> -> memref<32x384xf32, #tpu.memory_space<hbm>>
    %dma_wait3A_924 = arith.constant 0 : i32
    %dma_wait3A_925 = tpu.memref_slice %arg4[%select_n3A, %add3A_887, %dma_wait3A_924] : memref<16x2048x384xf32, #tpu.memory_space<hbm>> -> memref<1x32x384xf32, #tpu.memory_space<hbm>>
    %dma_wait3A_926 = tpu.memref_squeeze %dma_wait3A_925 : memref<1x32x384xf32, #tpu.memory_space<hbm>> -> memref<32x384xf32, #tpu.memory_space<hbm>>
    tpu.wait_dma2 semaphore(%arg18 : memref<!tpu.dma_semaphore, #tpu.memory_space<semaphore_mem>>) src(%arg10 : memref<32x384xf32, #tpu.memory_space<vmem>>) dst(%dma_wait3A_926 : memref<32x384xf32, #tpu.memory_space<hbm>>)
    %dma_wait3A_927 = arith.constant 0 : i32
    %dma_wait3A_928 = tpu.memref_slice %arg4[%select_n3A, %add3A_902, %dma_wait3A_927] : memref<16x2048x384xf32, #tpu.memory_space<hbm>> -> memref<1x32x384xf32, #tpu.memory_space<hbm>>
    %dma_wait3A_929 = tpu.memref_squeeze %dma_wait3A_928 : memref<1x32x384xf32, #tpu.memory_space<hbm>> -> memref<32x384xf32, #tpu.memory_space<hbm>>
    %dma_wait3A_930 = arith.constant 0 : i32
    %dma_wait3A_931 = tpu.memref_slice %arg4[%select_n3A, %add3A_902, %dma_wait3A_930] : memref<16x2048x384xf32, #tpu.memory_space<hbm>> -> memref<1x32x384xf32, #tpu.memory_space<hbm>>
    %dma_wait3A_932 = tpu.memref_squeeze %dma_wait3A_931 : memref<1x32x384xf32, #tpu.memory_space<hbm>> -> memref<32x384xf32, #tpu.memory_space<hbm>>
    tpu.wait_dma2 semaphore(%arg19 : memref<!tpu.dma_semaphore, #tpu.memory_space<semaphore_mem>>) src(%arg11 : memref<32x384xf32, #tpu.memory_space<vmem>>) dst(%dma_wait3A_932 : memref<32x384xf32, #tpu.memory_space<hbm>>)
    return
  }
}

</mosaic_0001>

<sc_bundles>
// kernel: kernel.3.cloned.1.call-start
scs
__scs_entry_jumppad:
0x0: {  	(pc) =	sbr.rel $0x88, $3  }
0x1: {  	(tag) =	ssettag $0x0;
	lr =	simm.s32 $0x1  }
0x2: {  	[smem:$0x3F9F] =	sst lr;
	_ =	strace $0xD0000000  }
0x3: {  	_ = 	snop  }
0x4: {  	_ = 	snop  }
0x5: {  	_ = 	snop  }
0x6: {  	_ = 	snop  }
0x7: {  	_ = 	snop  }
__scs_overlays_trampoline_lowered:
0x8: {  	[smem:$0x3FAE] =	sst s0  }
0x9: {  	[smem:$0x3FAF] =	sst s1  }
0xa: {  	[smem:$0x3FB0] =	sst s2  }
0xb: {  	[smem:$0x3FB1] =	sst s3  }
0xc: {  	[smem:$0x3FB2] =	sst s4  }
0xd: {  	[smem:$0x3FB3] =	sst s5  }
0xe: {  	[smem:$0x3FB4] =	sst s6  }
0xf: {  	[smem:$0x3FB5] =	sst s7  }
0x10: {  	[smem:$0x3FB6] =	sst s8  }
0x11: {  	[smem:$0x3FB7] =	sst s9;
	s0 =	simm.s32 @!p0 $0x0  }
0x12: {  	s1 =	sld [smem:$0x3F9D];
	s0 =	simm.s32 @p0 $0x1  }
0x13: {  	[smem:$0x3FB8] =	sst s0;
	s0 =	simm.s32 @!p1 $0x0  }
0x14: {  	s2 =	sld [smem:$0x3F9C];
	s0 =	simm.s32 @p1 $0x1  }
0x15: {  	[smem:$0x3FB9] =	sst s0;
	s0 =	simm.s32 @!p2 $0x0  }
0x16: {  	s3 =	sld [smem:$0x3FDB];
	s0 =	simm.s32 @p2 $0x1  }
0x17: {  	s4 =	simm.s32 $0x1BF5;
	[smem:$0x3FBB] =	sst s0  }
0x18: {  	s0 =	sld [smem:$0x3F9E];
	_ =	swait.ge [sflag:s4], $0x0  }
0x19: {  	s7 =	sld [smem:$0x3F9F]  }
0x1a: {  	s8 =	sadd.s32 $0xFFFFE003, lr  }
0x1b: {  	s9 =	sadd.s32 $0xFFFFFEF7, lr;
	s5 =	simm.s32 $0xFFFFFFFF;
	p2 =	slt.u32 s8, $0xFFFFF086  }
0x1c: {  	p1 =	slt.u32 s9, $0xF7A;
	s5 =	simm.s32 @!p2 $0x0  }
0x1d: {  	s5 =	simm.s32 @p1 $0x1;
	p0 =	seq.s32 s7, s2  }
0x1e: {  	s7 =	smul.u32 @!p0 $0xF7A, s2;
	p2 =	seq.s32 @!p0 s5, $0x0  }
0x1f: {  	s9 =	smul.u32 $0xF7A, s1;
	s8 =	simm.s32 @!p0 $0x1BF5;
	p2 =	por !p2, p0  }
0x20: {  	[sflag:s8] =	ssyncset.s32 @!p0 $0xFFFFF086;
	s6 =	sadd.s32 @!p0 s3, s7;
	s7 =	simm.s32 @!p0 $0x108  }
0x21: {  	s3 =	sadd.s32 s3, s9;
	s6 =	sadd.s32 @!p0 $0x88, s6;
	s7 =	simm.s32 @p2 $0x1082  }
0x22: {  	[simem:s7], [sflag:s8] =	dma.local @!p0 [hbm:s6], $0xF7A  }
0x23: {  	s9 =	sor.u32 $0xD0000000, s2;
	s6 =	simm.s32 $0x108;
	_ =	swait.ge @!p0 [sflag:s8], $0x0  }
0x24: {  	s3 =	sadd.s32 $0x88, s3;
	s6 =	simm.s32 @!p1 $0x1082;
	[sflag:s4] =	ssyncset.s32 $0xFFFFF086  }
0x25: {  	[simem:s6], [sflag:s4] =	dma.local [hbm:s3], $0xF7A  }
0x26: {  	[smem:$0x3F9F] =	sst s1;
	(tag) =	ssettag s2;
	_ =	strace s9  }
0x27: {  	s1 =	sld [smem:$0x3FAF]  }
0x28: {  	s2 =	sld [smem:$0x3FB0]  }
0x29: {  	s4 =	sld [smem:$0x3FB2]  }
0x2a: {  	p0 =	seq.s32 s5, $0x0;
	s5 =	sld [smem:$0x3FB3]  }
0x2b: {  	s6 =	sld [smem:$0x3FB4]  }
0x2c: {  	s7 =	sld [smem:$0x3FB5]  }
0x2d: {  	s3 =	simm.s32 $0x108;
	s8 =	sld [smem:$0x3FB6]  }
0x2e: {  	s3 =	simm.s32 @!p0 $0x1082;
	s9 =	sld [smem:$0x3FB7]  }
0x2f: {  	lr =	sadd.s32 s0, s3;
	s0 =	sld [smem:$0x3FAE]  }
0x30: {  	s3 =	sld [smem:$0x3FB1]  }
0x31: {  	[smem:$0x3FBA] =	sst s10  }
0x32: {  	s10 =	sld [smem:$0x3FB8];
	_ =	sdelay $0x3  }
0x33: {  	p0 =	seq.s32 s10, $0x1;
	s10 =	sld [smem:$0x3FBA];
	_ =	sdelay $0x3  }
0x34: {  	[smem:$0x3FBA] =	sst s10  }
0x35: {  	s10 =	sld [smem:$0x3FB9];
	_ =	sdelay $0x3  }
0x36: {  	p1 =	seq.s32 s10, $0x1;
	s10 =	sld [smem:$0x3FBA];
	_ =	sdelay $0x3  }
0x37: {  	[smem:$0x3FBA] =	sst s10  }
0x38: {  	s10 =	sld [smem:$0x3FBB]  }
0x39: {  	_ = 	snop;
	(pc) =	sbr.ind lr, $3  }
0x3a: {  	_ = 	snop  }
0x3b: {  	_ = 	snop  }
0x3c: {  	p2 =	seq.s32 s10, $0x1;
	s10 =	sld [smem:$0x3FBA]  }
0x3d: {  	_ =	shalt  }
0x3e: {  	_ =	shalt  }
0x3f: {  	_ =	shalt  }
0x40: {  	_ =	shalt  }
0x41: {  	_ =	shalt  }
0x42: {  	_ =	shalt  }
0x43: {  	_ =	shalt  }
0x44: {  	_ =	shalt  }
0x45: {  	_ =	shalt  }
0x46: {  	_ =	shalt  }
0x47: {  	_ =	shalt  }
0x48: {  	_ =	shalt  }
0x49: {  	_ =	shalt  }
0x4a: {  	_ =	shalt  }
0x4b: {  	_ =	shalt  }
0x4c: {  	_ =	shalt  }
0x4d: {  	_ =	shalt  }
0x4e: {  	_ =	shalt  }
0x4f: {  	_ =	shalt  }
0x50: {  	_ =	shalt  }
0x51: {  	_ =	shalt  }
0x52: {  	_ =	shalt  }
0x53: {  	_ =	shalt  }
0x54: {  	_ =	shalt  }
0x55: {  	_ =	shalt  }
0x56: {  	_ =	shalt  }
0x57: {  	_ =	shalt  }
0x58: {  	_ =	shalt  }
0x59: {  	_ =	shalt  }
0x5a: {  	_ =	shalt  }
0x5b: {  	_ =	shalt  }
0x5c: {  	_ =	shalt  }
0x5d: {  	_ =	shalt  }
0x5e: {  	_ =	shalt  }
0x5f: {  	_ =	shalt  }
0x60: {  	_ =	shalt  }
0x61: {  	_ =	shalt  }
0x62: {  	_ =	shalt  }
0x63: {  	_ =	shalt  }
0x64: {  	_ =	shalt  }
0x65: {  	_ =	shalt  }
0x66: {  	_ =	shalt  }
0x67: {  	_ =	shalt  }
0x68: {  	_ =	shalt  }
0x69: {  	_ =	shalt  }
0x6a: {  	_ =	shalt  }
0x6b: {  	_ =	shalt  }
0x6c: {  	_ =	shalt  }
0x6d: {  	_ =	shalt  }
0x6e: {  	_ =	shalt  }
0x6f: {  	_ =	shalt  }
0x70: {  	_ =	shalt  }
0x71: {  	_ =	shalt  }
0x72: {  	_ =	shalt  }
0x73: {  	_ =	shalt  }
0x74: {  	_ =	shalt  }
0x75: {  	_ =	shalt  }
0x76: {  	_ =	shalt  }
0x77: {  	_ =	shalt  }
0x78: {  	_ =	shalt  }
0x79: {  	_ =	shalt  }
0x7a: {  	_ =	shalt  }
0x7b: {  	_ =	shalt  }
0x7c: {  	_ =	shalt  }
0x7d: {  	_ =	shalt  }
0x7e: {  	_ =	shalt  }
0x7f: {  	_ =	shalt  }
0x80: {  	_ =	shalt  }
0x81: {  	_ =	shalt  }
0x82: {  	_ =	shalt  }
0x83: {  	_ =	shalt  }
0x84: {  	_ =	shalt  }
0x85: {  	_ =	shalt  }
0x86: {  	_ =	shalt  }
0x87: {  	_ =	shalt  }
.Lfunc_end0:
.L_simem_size_0:
called_computation_lowered:
.L_overlay_start_0:
0x88: {  	s2 =	sld [smem:$0x3FD9]  }
0x89: {  	s3 =	sld [smem:$0x3FFE];
	_ =	sdelay $0x1  }
0x8a: {  	s1 =	srdreg.scid  }
0x8b: {  	s0 =	sand.u32 $0x1, s1  }
0x8c: {  	s18 =	sshll.u32 s0, $0xA;
	s2 =	sadd.s32 s3, s2  }
0x8d: {  	s2 =	sadd.s32 s2, s18  }
0x8e: {  	[smem:$0x3FC6] =	sst s2  }
0x8f: {  	_ = 	snop  }
0x90: {  	s2 =	sld [smem:$0x3FC9]  }
0x91: {  	s19 =	sld [smem:$0x3FC8]  }
0x92: {  	s4 =	sld [smem:$0x3FD0];
	(tm) =	ssettm $0x1  }
0x93: {  	s5 =	sld [smem:$0x3FFB];
	_ =	sdelay $0x3  }
0x94: {  	_ =	strace s5  }
0x95: {  	s5 =	sld [smem:$0x3FFC];
	_ =	sdelay $0x3  }
0x96: {  	_ =	strace s5  }
0x97: {  	s5 =	sld [smem:$0x3FFD];
	_ =	sdelay $0x3  }
0x98: {  	_ =	strace s5  }
0x99: {  	_ =	strace $0x8FFFFFFF  }
0x9a: {  	s20 =	sld [smem:$0x3FDB];
	_ =	sdelay $0x1  }
0x9b: {  	s6 =	simm.s32 $_scs_section_size  }
0x9c: {  	s7 =	simm.s32 $_size__tile_overlayer_lowered;
	s8 =	simm.s32 $_tile_overlayer_lowered  }
0x9d: {  	s23 =	simm.s32 $0x1BFF;
	s22 =	sshll.u32 s8, $0x1;
	s5 =	sadd.s32 s6, s20  }
0x9e: {  	s9 =	simm.s32 $0x0;
	s21 =	sshll.u32 s7, $0x1;
	s7 =	sadd.s32 s22, s5  }
0x9f: {  	[timem:s9], [sflag:s23] =	dma.local [hbm:s7], s21  }
0xa0: {  	_ =	swait.ge [sflag:s23], s21  }
0xa1: {  	s6 =	ssub.s32 $0x0, s21;
	[sflag:s23] =	ssyncset.done $0x0  }
0xa2: {  	[sflag:s23] =	ssyncadd.s32 s6;
	_ =	sdelay $0x1  }
0xa3: {  	s24 =	simm.s32 $0x1B8B  }
0xa4: {  	_ =	swait.ge [sflag:s24], $0x1  }
0xa5: {  	[sflag:s24] =	ssyncset.done $0x0  }
0xa6: {  	s25 =	simm.s32 $0x1B8E;
	[sflag:s24] =	ssyncadd.s32 $0xFFFFFFFF  }
0xa7: {  	s26 =	simm.s32 $execute0_lowered;
	[smem:$0x3FD2] =	sst s25  }
0xa8: {  	s6 =	sshll.u32 s26, $0x1;
	_ =	strace $0x80000046;
	[dreg:$0x1] =	wrdreg $0xFFFFFFFF  }
0xa9: {  	s28 =	simm.s32 $_size_execute0_lowered;
	s5 =	sadd.s32 s5, s6;
	[dreg:$0x0] =	wrdreg $0x0  }
0xaa: {  	s6 =	sshll.u32 s28, $0x1;
	[dreg:$0x2] =	wrdreg s5  }
0xab: {  	[dreg:$0x3] =	wrdreg s6  }
0xac: {  	[dreg:$0x4] =	wrdreg $0xC0  }
0xad: {  	_ =	task [dreg:s9], $0x5FFFF  }
0xae: {  	[dreg:$0x1] =	wrdreg $0xFFFFFFFF  }
0xaf: {  	[dreg:$0x0] =	wrdreg $0x60  }
0xb0: {  	[dreg:$0x2] =	wrdreg s19  }
0xb1: {  	[dreg:$0x3] =	wrdreg s2  }
0xb2: {  	[dreg:$0x4] =	wrdreg s4  }
0xb3: {  	[dreg:$0x5] =	wrdreg $0x9  }
0xb4: {  	_ =	task.clear_ibuf [dreg:s9], $0x6FFFF;
	_ =	strace $0x90000046  }
0xb5: {  	s29 =	simm.s32 $0x9;
	_ =	strace $0x80000048  }
0xb6: {  	_ =	swait.ge [sflag:s29], $0x1  }
0xb7: {  	[sflag:s29] =	ssyncadd.s32 $0xFFFFFFFF  }
0xb8: {  	_ =	strace $0x90000048  }
0xb9: {  	_ =	sfence  }
0xba: {  	s30 =	sld [smem:$0x0];
	_ =	sdelay $0x2  }
0xbb: {  	s31 =	sshll.u32 s1, $0xD;
	s1 =	sshrl.u32 s1, $0x2  }
0xbc: {  	s3 =	sand.u32 $0x4000, s31;
	s1 =	sadd.s32 s1, s30  }
0xbd: {  	s0 =	sor.u32 s3, s0;
	s1 =	sshll.u32 s1, $0x11  }
0xbe: {  	s0 =	sor.u32 s1, s0  }
0xbf: {  	s0 =	sadd.s32 $0x8F2B, s0  }
0xc0: {  	[sflag:s0] =	ssyncadd.remote.s32 $0x1  }
0xc1: {  	_ =	sfence.sel $0xFFFF  }
0xc2: {  	[dreg:$0x0] =	wrdreg $0xFFFFFFFF;
	(pc) =	sbr.abs _section_cstart, $3  }
0xc3: {  	[dreg:$0x1] =	wrdreg $0xFFFFFFFF  }
0xc4: {  	_ =	task.clear_ibuf [dreg:s9], $0x2FFFF;
	_ =	strace $0x9FFFFFFF  }
0xc5: {  	(tm) =	ssettm $0x7FFFFFFF  }
tec
execute0_lowered:
.L_overlay_start_1:
0x0: {  	(tag) =	ssettag $0x1  }
0x1: {  	s0 =	srdreg.scid  }
0x2: {  	s1 =	stileid.u32;
	s3 =	sand.u32 $0x1, s0  }
0x3: {  	s0 =	sor.u32 s3, s1  }
0x4: {  	p1 =	seq.s32 s3, $0x1;
	p0 =	seq.s32 s0, $0x0  }
0x5: {  	p0 =	por !p0, !p1  }
0x6: {  	s0 =	simm.s32 $0x1;
	p0 =	por !p0, !p0  }
0x7: {  	s5 =	rddreg [dreg:$0x0];
	s0 =	simm.s32 @!p0 $0x0  }
0x8: {  	s6 =	ssub.s32 $0x2, s3;
	s7 =	smul.u32 $0x60000, s3;
	s0 =	ssub.s32 s1, s0  }
0x9: {  	s2 =	rddreg [dreg:$0x2];
	s8 =	sshrl.u32 s6, $0x1;
	s4 =	smul.u32 $0xC0000, s0  }
0xa: {  	s9 =	sshll.u32 s3, $0xB;
	s3 =	ssub.s32 s6, s8;
	s10 =	sshll.u32 s0, $0xC  }
0xb: {  	s1 =	simm.s32 $0x0;
	s23 =	sor.u32 s9, s10;
	s4 =	sadd.s32 s7, s4  }
0xc: {  	[smem:$0x7FF] =	sst s1;
	s6 =	sshrl.u32 s23, $0x3;
	s7 =	sshrl.u32 s4, $0x3  }
0xd: {  	s24 =	sadd.s32 $0x21000, s4;
	s9 =	sadd.s32 s5, s6;
	s26 =	sadd.s32 $0x24000, s4  }
0xe: {  	s29 =	sadd.s32 $0x27000, s4;
	s30 =	sadd.s32 $0x2A000, s4;
	s8 =	sadd.s32 $0x2D000, s4  }
0xf: {  	s11 =	sadd.s32 $0x30000, s4;
	s12 =	sadd.s32 $0x33000, s4;
	s15 =	sadd.s32 $0x36000, s4  }
0x10: {  	s16 =	sadd.s32 $0x39000, s4;
	s17 =	sadd.s32 $0x3C000, s4;
	s20 =	sadd.s32 $0x3F000, s4  }
0x11: {  	s21 =	sadd.s32 $0x42000, s4;
	s22 =	sadd.s32 $0x45000, s4;
	s10 =	sadd.s32 s2, s7  }
0x12: {  	s25 =	sshrl.u32 s24, $0x3;
	s6 =	sshrl.u32 s29, $0x3;
	s7 =	sshrl.u32 s30, $0x3  }
0x13: {  	s14 =	sshrl.u32 s12, $0x3;
	s19 =	sshrl.u32 s17, $0x3;
	s24 =	sshrl.u32 s22, $0x3  }
0x14: {  	s29 =	sadd.s32 $0x4E000, s4;
	s5 =	sadd.s32 s2, s25;
	s6 =	sadd.s32 s2, s6  }
0x15: {  	s25 =	sadd.s32 $0x48000, s4;
	[dreg:$0x6] =	wrdreg s5;
	s5 =	sshrl.u32 s26, $0x3  }
0x16: {  	[dreg:$0x8] =	wrdreg s6;
	s6 =	sshrl.u32 s11, $0x3;
	s5 =	sadd.s32 s2, s5  }
0x17: {  	s26 =	sadd.s32 $0x4B000, s4;
	[dreg:$0x7] =	wrdreg s5;
	s5 =	sadd.s32 s2, s7  }
0x18: {  	s13 =	sadd.s32 s2, s6;
	[dreg:$0x9] =	wrdreg s5;
	s5 =	sshrl.u32 s8, $0x3  }
0x19: {  	s11 =	sadd.s32 $0x57000, s4;
	[dreg:$0xb] =	wrdreg s13;
	s5 =	sadd.s32 s2, s5  }
0x1a: {  	s6 =	sshrl.u32 s16, $0x3;
	[dreg:$0xa] =	wrdreg s5;
	s5 =	sadd.s32 s2, s14  }
0x1b: {  	s18 =	sadd.s32 s2, s6;
	[dreg:$0xc] =	wrdreg s5;
	s5 =	sshrl.u32 s15, $0x3  }
0x1c: {  	s6 =	sshrl.u32 s21, $0x3;
	[dreg:$0xe] =	wrdreg s18;
	s5 =	sadd.s32 s2, s5  }
0x1d: {  	s7 =	sadd.s32 $0x51000, s4;
	[dreg:$0xd] =	wrdreg s5;
	s5 =	sadd.s32 s2, s19  }
0x1e: {  	s23 =	sadd.s32 s2, s6;
	[dreg:$0xf] =	wrdreg s5;
	s5 =	sshrl.u32 s20, $0x3  }
0x1f: {  	s13 =	sshrl.u32 s11, $0x3;
	[dreg:$0x11] =	wrdreg s23;
	s5 =	sadd.s32 s2, s5  }
0x20: {  	s6 =	sshrl.u32 s26, $0x3;
	[dreg:$0x10] =	wrdreg s5;
	s5 =	sadd.s32 s2, s24  }
0x21: {  	s30 =	sadd.s32 s2, s6;
	[dreg:$0x12] =	wrdreg s5;
	s5 =	sshrl.u32 s25, $0x3  }
0x22: {  	s6 =	sshrl.u32 s29, $0x3;
	[dreg:$0x14] =	wrdreg s30;
	s5 =	sadd.s32 s2, s5  }
0x23: {  	s8 =	sadd.s32 $0x54000, s4;
	[dreg:$0x13] =	wrdreg s5;
	s5 =	sadd.s32 s2, s6  }
0x24: {  	s14 =	sadd.s32 $0x5A000, s4;
	[dreg:$0x15] =	wrdreg s5;
	s5 =	sshrl.u32 s7, $0x3  }
0x25: {  	s4 =	sadd.s32 $0x5D000, s4;
	s24 =	rddreg [dreg:$0x1];
	s5 =	sadd.s32 s2, s5  }
0x26: {  	s6 =	sshrl.u32 s8, $0x3;
	[dreg:$0x16] =	wrdreg s5;
	s5 =	sadd.s32 s2, s13  }
0x27: {  	s12 =	sadd.s32 s2, s6;
	[dreg:$0x18] =	wrdreg s5;
	s5 =	sshrl.u32 s14, $0x3  }
0x28: {  	s4 =	sshrl.u32 s4, $0x3;
	[dreg:$0x17] =	wrdreg s12;
	s5 =	sadd.s32 s2, s5  }
0x29: {  	s2 =	sadd.s32 s2, s4;
	[dreg:$0x19] =	wrdreg s5  }
0x2a: {  	s16 =	smax.u32 s3, $0x1;
	[dreg:$0x1a] =	wrdreg s2  }
0x2b: {  	_ =	strace $0x80000047;
	[dreg:$0x1b] =	wrdreg s16  }
0x2c: {  	s17 =	sadd.s32 $0x10, s9;
	[dreg:$0x4] =	wrdreg s9  }
0x2d: {  	s18 =	sadd.s32 $0x600, s10;
	[dreg:$0x1c] =	wrdreg s17  }
0x2e: {  	s19 =	sadd.s32 $0xC00, s10;
	[dreg:$0x1d] =	wrdreg s18  }
0x2f: {  	s20 =	sadd.s32 $0x1200, s10;
	[dreg:$0x1e] =	wrdreg s19  }
0x30: {  	s21 =	sadd.s32 $0x1800, s10;
	[dreg:$0x1f] =	wrdreg s20  }
0x31: {  	s22 =	sadd.s32 $0x1E00, s10;
	[smem:$0x7F7] =	sst s21  }
0x32: {  	s28 =	simm.s32 $0x8;
	s23 =	sadd.s32 $0x2400, s10;
	[smem:$0x7F8] =	sst s22  }
0x33: {  	s3 =	simm.s32 $0x1;
	s25 =	sadd.s32 $0x2A00, s10;
	[smem:$0x7F9] =	sst s23  }
0x34: {  	s11 =	simm.s32 $0x7800;
	s26 =	sadd.s32 $0x3000, s10;
	[smem:$0x7FA] =	sst s25  }
0x35: {  	s29 =	sadd.s32 $0x3600, s10;
	s30 =	sadd.s32 $0x3C00, s10;
	[smem:$0x7FB] =	sst s26  }
0x36: {  	s15 =	sshll.u32 s0, $0xA;
	s31 =	sadd.s32 $0x100, s24;
	[smem:$0x7FC] =	sst s29  }
0x37: {  	v3 =	vlaneseq.u32;
	vm0 =	vmmov $0xffff;
	s12 =	simm.s32 $0x6;
	s13 =	simm.s32 $0x3;
	[dreg:$0x5] =	wrdreg s10  }
0x38: {  	vm1 =	vmmov $0xff;
	v2 =	vshrl.u32 v3, $0x3;
	v1 =	vand.u32 $0x7, v3;
	s2 =	simm.s32 $0x0;
	[smem:$0x7FD] =	sst s30;
	s20 =	simm.s32 $0x5  }
0x39: {  	v3 =	vor.u32 $0x8, v3;
	v2 =	vmul.u32 $0x8, v2;
	v0 =	vmov s15;
	s21 =	simm.s32 $0x2;
	s25 =	simm.s32 $0x7;
	s26 =	simm.s32 $0x4  }
.LBB2_1:
0x3a: {  	[smem:$0x7F6] =	sst s2  }
0x3b: {  	s4 =	rddreg [dreg:$0x4]  }
0x3c: {  	s5 =	simm.s32 $0x80;
	s6 =	simm.s32 $0x100;
	s7 =	simm.s32 $0x9  }
0x3d: {  	[tilespmem:s1], [sflag:$0x9] =	stream.strided.gather [hbm4b:s4+s5], $0x400, s6, s5, $0x38;
	[tilespmem:$0xD800] =	vst v63  }
0x3e: {  	_ =	swait.ge [sflag:s7], $0x400  }
0x3f: {  	[sflag:s7] =	ssyncset.done $0x0  }
0x40: {  	s23 =	simm.s32 $0x400;
	s22 =	rddreg [dreg:$0x1c];
	[sflag:s7] =	ssyncadd.s32 $0xFFFFFC00  }
0x41: {  	[tilespmem:s23], [sflag:$0x9] =	stream.strided.gather [hbm4b:s22+s5], $0x400, s6, s5, $0x38;
	[tilespmem:$0xD800] =	vst v63  }
0x42: {  	_ =	swait.ge [sflag:s7], $0x400  }
0x43: {  	[sflag:s7] =	ssyncset.done $0x0  }
0x44: {  	s23 =	simm.s32 $0x20;
	[sflag:s7] =	ssyncadd.s32 $0xFFFFFC00  }
0x45: {  	s29 =	simm.s32 $0x420;
	v4 =	vld [tilespmem:s23+$0x10]  }
0x46: {  	v5 =	vld [tilespmem:s29+$0x10]  }
0x47: {  	v6 =	vld [tilespmem:s29+$0xFFFFFFE0]  }
0x48: {  	v7 =	vld [tilespmem:s23+$0xFFFFFFF0]  }
0x49: {  	v8 =	vld [tilespmem:s29+$0xFFFFFFF0]  }
0x4a: {  	v9 =	vld [tilespmem:s23+$0x0]  }
0x4b: {  	v10 =	vld [tilespmem:s29+$0x0]  }
0x4c: {  	s30 =	simm.s32 $0x60;
	v11 =	vld [tilespmem:s23+$0xFFFFFFE0]  }
0x4d: {  	v12 =	vld [tilespmem:s30+$0x10];
	_ =	sdelay $0x1  }
0x4e: {  	v5 =	vmax.f32 v5, $-9.990000120e-01  }
0x4f: {  	s23 =	simm.s32 $0x460;
	v4 =	vmax.f32 v4, $-9.990000120e-01;
	v6 =	vmax.f32 v6, $-9.990000120e-01;
	v7 =	vmax.f32 v7, $-9.990000120e-01  }
0x50: {  	v13 =	vld [tilespmem:s23+$0x10];
	v8 =	vmax.f32 v8, $-9.990000120e-01;
	v9 =	vmax.f32 v9, $-9.990000120e-01;
	v10 =	vmax.f32 v10, $-9.990000120e-01  }
0x51: {  	v11 =	vmax.f32 v11, $-9.990000120e-01;
	v12 =	vmax.f32 v12, $-9.990000120e-01;
	v5 =	vmin.f32 v5, $9.990000120e-01  }
0x52: {  	v4 =	vmin.f32 v4, $9.990000120e-01;
	v6 =	vmin.f32 v6, $9.990000120e-01;
	v7 =	vmin.f32 v7, $9.990000120e-01  }
0x53: {  	v8 =	vmin.f32 v8, $9.990000120e-01;
	v9 =	vmin.f32 v9, $9.990000120e-01;
	v11 =	vmin.f32 v11, $9.990000120e-01  }
0x54: {  	v10 =	vmin.f32 v10, $9.990000120e-01;
	v5 =	vsub.f32 $1.000000000e+00, v5;
	v4 =	vadd.f32 $1.000000000e+00, v4  }
0x55: {  	v13 =	vmax.f32 v13, $-9.990000120e-01;
	v6 =	vsub.f32 $1.000000000e+00, v6;
	v11 =	vadd.f32 $1.000000000e+00, v11  }
0x56: {  	v12 =	vmin.f32 v12, $9.990000120e-01;
	v8 =	vsub.f32 $1.000000000e+00, v8;
	v7 =	vadd.f32 $1.000000000e+00, v7  }
0x57: {  	v10 =	vsub.f32 $1.000000000e+00, v10;
	v9 =	vadd.f32 $1.000000000e+00, v9;
	v5 =	vmul.f32 $1.600000000e+01, v5  }
0x58: {  	v13 =	vmin.f32 v13, $9.990000120e-01;
	v4 =	vmul.f32 $1.600000000e+01, v4;
	v6 =	vmul.f32 $1.600000000e+01, v6  }
0x59: {  	v12 =	vadd.f32 $1.000000000e+00, v12;
	v11 =	vmul.f32 $1.600000000e+01, v11;
	v8 =	vmul.f32 $1.600000000e+01, v8  }
0x5a: {  	v13 =	vsub.f32 $1.000000000e+00, v13;
	v7 =	vmul.f32 $1.600000000e+01, v7;
	v10 =	vmul.f32 $1.600000000e+01, v10  }
0x5b: {  	v9 =	vmul.f32 $1.600000000e+01, v9;
	v12 =	vmul.f32 $1.600000000e+01, v12  }
0x5c: {  	v13 =	vmul.f32 $1.600000000e+01, v13;
	v5 =	vtrunc.f32 v5  }
0x5d: {  	v4 =	vtrunc.f32 v4;
	v6 =	vtrunc.f32 v6  }
0x5e: {  	v11 =	vtrunc.f32 v11;
	v8 =	vtrunc.f32 v8  }
0x5f: {  	v7 =	vtrunc.f32 v7;
	v10 =	vtrunc.f32 v10  }
0x60: {  	v14 =	vld [tilespmem:s23+$0xFFFFFFE0];
	v12 =	vtrunc.f32 v12;
	v5 =	vcvt.f32.s32 v5  }
0x61: {  	v4 =	vcvt.f32.s32 v4;
	v13 =	vtrunc.f32 v13  }
0x62: {  	v18 =	vld [tilespmem:s30+$0xFFFFFFE0];
	v12 =	vcvt.f32.s32 v12;
	v8 =	vcvt.f32.s32 v8  }
0x63: {  	v19 =	vcvt.f32.s32 v7;
	v7 =	vcvt.f32.s32 v10  }
0x64: {  	v16 =	vld [tilespmem:s23+$0xFFFFFFF0];
	v13 =	vcvt.f32.s32 v13;
	v5 =	vshll.u32 v5, $0x5;
	v4 =	vadd.s32 v4, v0  }
0x65: {  	v15 =	vld [tilespmem:s30+$0xFFFFFFF0];
	v10 =	vmax.f32 v14, $-9.990000120e-01;
	v12 =	vadd.s32 v12, v0;
	v17 =	vadd.s32 v5, v4  }
0x66: {  	v5 =	vtrunc.f32 v9;
	v4 =	vcvt.f32.s32 v6;
	v9 =	vld [tilespmem:s30+$0x0];
	v6 =	vshll.u32 v13, $0x5  }
0x67: {  	v14 =	vmax.f32 v18, $-9.990000120e-01;
	v10 =	vmin.f32 v10, $9.990000120e-01;
	v20 =	vadd.s32 v6, v12;
	v12 =	vld [tilespmem:s23+$0x0]  }
0x68: {  	v11 =	vcvt.f32.s32 v11;
	v14 =	vmin.f32 v14, $9.990000120e-01;
	v10 =	vsub.f32 $1.000000000e+00, v10  }
0x69: {  	v14 =	vadd.f32 $1.000000000e+00, v14;
	v8 =	vshll.u32 v8, $0x5;
	v13 =	vmax.f32 v16, $-9.990000120e-01  }
0x6a: {  	v6 =	vcvt.f32.s32 v5;
	v5 =	vadd.s32 v11, v0;
	v11 =	vmax.f32 v15, $-9.990000120e-01  }
0x6b: {  	v13 =	vmin.f32 v13, $9.990000120e-01;
	v10 =	vmul.f32 $1.600000000e+01, v10;
	v11 =	vmin.f32 v11, $9.990000120e-01  }
0x6c: {  	v13 =	vsub.f32 $1.000000000e+00, v13;
	v9 =	vmax.f32 v9, $-9.990000120e-01;
	v12 =	vmax.f32 v12, $-9.990000120e-01  }
0x6d: {  	v15 =	vadd.f32 $1.000000000e+00, v11;
	v9 =	vmin.f32 v9, $9.990000120e-01;
	v12 =	vmin.f32 v12, $9.990000120e-01  }
0x6e: {  	s5 =	simm.s32 $0x880;
	v11 =	vmul.f32 $1.600000000e+01, v14;
	v9 =	vadd.f32 $1.000000000e+00, v9;
	v16 =	vsub.f32 $1.000000000e+00, v12  }
0x6f: {  	s4 =	simm.s32 $0x980;
	[tilespmem:s5+$0x10] =	vst v17;
	v4 =	vshll.u32 v4, $0x5;
	v12 =	vmul.f32 $1.600000000e+01, v13;
	v13 =	vmul.f32 $1.600000000e+01, v15  }
0x70: {  	s6 =	simm.s32 $0x4;
	s7 =	simm.s32 $0xA0;
	[tilespmem:s4+$0x10] =	vst v20;
	v15 =	vmul.f32 $1.600000000e+01, v9;
	v9 =	vadd.s32 v19, v0;
	v14 =	vmul.f32 $1.600000000e+01, v16  }
.LBB2_2:
0x71: {  	v16 =	vld [tilespmem:s7+$0x10];
	v10 =	vtrunc.f32 v10;
	v11 =	vtrunc.f32 v11;
	s23 =	sadd.s32 $0x40, s23;
	v7 =	vshll.u32 v7, $0x5  }
0x72: {  	s6 =	sadd.s32 $0x4, s6;
	v12 =	vtrunc.f32 v12;
	v13 =	vtrunc.f32 v13;
	v6 =	vadd.s32 v6, v0;
	v17 =	vld [tilespmem:s23+$0x10]  }
0x73: {  	v4 =	vadd.s32 v4, v5;
	p0 =	slt.u32 s6, $0x3C;
	v14 =	vtrunc.f32 v14;
	v15 =	vtrunc.f32 v15;
	v18 =	vld [tilespmem:s23+$0xFFFFFFE0]  }
0x74: {  	v5 =	vcvt.f32.s32 v10;
	v10 =	vcvt.f32.s32 v11;
	v19 =	vld [tilespmem:s7+$0xFFFFFFF0];
	[tilespmem:s5+$0xFFFFFF80] =	vst v4;
	v4 =	vadd.s32 v8, v9  }
0x75: {  	v20 =	vcvt.f32.s32 v13;
	v11 =	vadd.s32 v7, v6;
	v9 =	vcvt.f32.s32 v12;
	v8 =	vld [tilespmem:s23+$0xFFFFFFF0];
	[tilespmem:s5+$0xFFFFFF90] =	vst v4  }
0x76: {  	v7 =	vcvt.f32.s32 v14;
	v6 =	vcvt.f32.s32 v15;
	v4 =	vshll.u32 v5, $0x5;
	v12 =	vld [tilespmem:s7+$0x0];
	[tilespmem:s5+$0x0] =	vst v11;
	s5 =	smov.u32 s4  }
0x77: {  	v5 =	vadd.s32 v10, v0;
	v13 =	vmax.f32 v16, $-9.990000120e-01;
	v11 =	vld [tilespmem:s23+$0x0];
	v14 =	vmax.f32 v17, $-9.990000120e-01  }
0x78: {  	v13 =	vmin.f32 v13, $9.990000120e-01;
	v10 =	vld [tilespmem:s7+$0xFFFFFFE0];
	v15 =	vmax.f32 v18, $-9.990000120e-01;
	v14 =	vmin.f32 v14, $9.990000120e-01  }
0x79: {  	v13 =	vadd.f32 $1.000000000e+00, v13;
	v16 =	vmax.f32 v19, $-9.990000120e-01;
	v14 =	vsub.f32 $1.000000000e+00, v14  }
0x7a: {  	v15 =	vmin.f32 v15, $9.990000120e-01;
	v16 =	vmin.f32 v16, $9.990000120e-01;
	v8 =	vmax.f32 v8, $-9.990000120e-01  }
0x7b: {  	v13 =	vmul.f32 $1.600000000e+01, v13;
	v12 =	vmax.f32 v12, $-9.990000120e-01;
	v14 =	vmul.f32 $1.600000000e+01, v14  }
0x7c: {  	v8 =	vmin.f32 v8, $9.990000120e-01;
	v12 =	vmin.f32 v12, $9.990000120e-01;
	v11 =	vmax.f32 v11, $-9.990000120e-01  }
0x7d: {  	v13 =	vtrunc.f32 v13;
	v10 =	vmax.f32 v10, $-9.990000120e-01;
	v14 =	vtrunc.f32 v14  }
0x7e: {  	v13 =	vcvt.f32.s32 v13;
	v10 =	vmin.f32 v10, $9.990000120e-01;
	v14 =	vcvt.f32.s32 v14  }
0x7f: {  	v15 =	vsub.f32 $1.000000000e+00, v15;
	v17 =	vadd.f32 $1.000000000e+00, v10;
	v10 =	vmin.f32 v11, $9.990000120e-01  }
.Ltmp0:
0x80: {  	v8 =	vsub.f32 $1.000000000e+00, v8;
	v13 =	vadd.s32 v13, v0;
	v11 =	vshll.u32 v14, $0x5;
	(pc) =	sbr.rel @p0 .LBB2_2-.Ltmp0, $4  }
0x81: {  	s4 =	sadd.s32 $0x100, s4;
	v14 =	vadd.f32 $1.000000000e+00, v16;
	v16 =	vsub.f32 $1.000000000e+00, v10;
	v13 =	vadd.s32 v11, v13  }
0x82: {  	v10 =	vmul.f32 $1.600000000e+01, v15;
	v15 =	vadd.f32 $1.000000000e+00, v12;
	v11 =	vmul.f32 $1.600000000e+01, v17;
	[tilespmem:s4+$0x10] =	vst v13  }
0x83: {  	v12 =	vmul.f32 $1.600000000e+01, v8;
	v8 =	vshll.u32 v9, $0x5;
	v13 =	vmul.f32 $1.600000000e+01, v14  }
0x84: {  	s7 =	sadd.s32 $0x40, s7;
	v9 =	vadd.s32 v20, v0;
	v14 =	vmul.f32 $1.600000000e+01, v16;
	v15 =	vmul.f32 $1.600000000e+01, v15  }
0x85: {  	v10 =	vtrunc.f32 v10  }
0x86: {  	v11 =	vtrunc.f32 v11;
	v7 =	vshll.u32 v7, $0x5;
	v12 =	vtrunc.f32 v12  }
0x87: {  	v13 =	vtrunc.f32 v13;
	v6 =	vadd.s32 v6, v0;
	v14 =	vtrunc.f32 v14  }
0x88: {  	v4 =	vadd.s32 v4, v5;
	v15 =	vtrunc.f32 v15;
	v5 =	vcvt.f32.s32 v10  }
0x89: {  	v8 =	vadd.s32 v8, v9;
	v59 =	vcvt.f32.s32 v11;
	v60 =	vcvt.f32.s32 v12  }
0x8a: {  	[tilespmem:s5+$0xFFFFFF80] =	vst v4;
	v4 =	vcvt.f32.s32 v13;
	v6 =	vadd.s32 v7, v6;
	v61 =	vcvt.f32.s32 v14  }
0x8b: {  	[tilespmem:s5+$0xFFFFFF90] =	vst v8;
	v62 =	vcvt.f32.s32 v15;
	v5 =	vshll.u32 v5, $0x5;
	v10 =	vadd.s32 v59, v0  }
0x8c: {  	[tilespmem:s5+$0x0] =	vst v6;
	v63 =	vshll.u32 v60, $0x5;
	v4 =	vadd.s32 v4, v0;
	v5 =	vadd.s32 v5, v10  }
0x8d: {  	v7 =	vshll.u32 v61, $0x5;
	v8 =	vadd.s32 v62, v0;
	v4 =	vadd.s32 v63, v4;
	[tilespmem:s4+$0xFFFFFF80] =	vst v5  }
0x8e: {  	[tilespmem:s4+$0xFFFFFF90] =	vst v4;
	v4 =	vadd.s32 v7, v8  }
0x8f: {  	[tilespmem:s4+$0x0] =	vst v4  }
0x90: {  	v4 =	vld [tilespmem:$0x800];
	_ =	sdelay $0x4  }
0x91: {  	v5 =	vshrl.u32 v4, $0x3  }
0x92: {  	v5 =	vmul.u32 $0x18, v5  }
0x93: {  	v4 =	vand.u32 $0x7, v4  }
0x94: {  	v4 =	vor.u32 v4, v5  }
0x95: {  	v5 =	vperm.xlane v4, v1;
	_ =	sdelay $0x1  }
0x96: {  	v5 =	vadd.s32 v2, v5;
	_ =	sdelay $0x1  }
0x97: {  	v4 =	vperm.xlane v4, v3;
	_ =	sdelay $0x1  }
0x98: {  	s6 =	simm.s32 $0x1800;
	v4 =	vadd.s32 v2, v4  }
0x99: {  	[tilespmem:s6], [sflag:$0x1] =	stream.indirect_vreg.gather [hbm4b:s24+s1], $0x80, v5, vm0, $0xb8;
	[tilespmem:$0xD800] =	vst v63  }
0x9a: {  	s0 =	simm.s32 $0x2000  }
0x9b: {  	[tilespmem:s0], [sflag:$0x1] =	stream.indirect_vreg.gather [hbm4b:s31+s1], $0x80, v5, vm1, $0xb8;
	[tilespmem:$0xD800] =	vst v63  }
0x9c: {  	s4 =	simm.s32 $0x2400  }
0x9d: {  	[tilespmem:s4], [sflag:$0x1] =	stream.indirect_vreg.gather [hbm4b:s24+s1], $0x80, v4, vm0, $0xb8;
	[tilespmem:$0xD800] =	vst v63  }
0x9e: {  	s5 =	simm.s32 $0x2C00  }
0x9f: {  	[tilespmem:s5], [sflag:$0x1] =	stream.indirect_vreg.gather [hbm4b:s31+s1], $0x80, v4, vm1, $0xb8;
	[tilespmem:$0xD800] =	vst v63  }
0xa0: {  	v4 =	vld [tilespmem:$0x810];
	_ =	sdelay $0x4  }
0xa1: {  	v5 =	vshrl.u32 v4, $0x3  }
0xa2: {  	v5 =	vmul.u32 $0x18, v5  }
0xa3: {  	v4 =	vand.u32 $0x7, v4  }
0xa4: {  	v4 =	vor.u32 v4, v5  }
0xa5: {  	v5 =	vperm.xlane v4, v1;
	_ =	sdelay $0x1  }
0xa6: {  	v5 =	vadd.s32 v2, v5;
	_ =	sdelay $0x1  }
0xa7: {  	v4 =	vperm.xlane v4, v3;
	_ =	sdelay $0x1  }
0xa8: {  	s7 =	simm.s32 $0x3000;
	v4 =	vadd.s32 v2, v4  }
0xa9: {  	[tilespmem:s7], [sflag:$0x1] =	stream.indirect_vreg.gather [hbm4b:s24+s1], $0x80, v5, vm0, $0xb8;
	[tilespmem:$0xD800] =	vst v63  }
0xaa: {  	s8 =	simm.s32 $0x3800  }
0xab: {  	[tilespmem:s8], [sflag:$0x1] =	stream.indirect_vreg.gather [hbm4b:s31+s1], $0x80, v5, vm1, $0xb8;
	[tilespmem:$0xD800] =	vst v63  }
0xac: {  	s9 =	simm.s32 $0x3C00  }
0xad: {  	[tilespmem:s9], [sflag:$0x1] =	stream.indirect_vreg.gather [hbm4b:s24+s1], $0x80, v4, vm0, $0xb8;
	[tilespmem:$0xD800] =	vst v63  }
0xae: {  	s10 =	simm.s32 $0x4400  }
0xaf: {  	[tilespmem:s10], [sflag:$0x1] =	stream.indirect_vreg.gather [hbm4b:s31+s1], $0x80, v4, vm1, $0xb8;
	[tilespmem:$0xD800] =	vst v63  }
0xb0: {  	v4 =	vld [tilespmem:$0x880];
	_ =	sdelay $0x4  }
0xb1: {  	v5 =	vshrl.u32 v4, $0x3  }
0xb2: {  	v5 =	vmul.u32 $0x18, v5  }
0xb3: {  	v4 =	vand.u32 $0x7, v4  }
0xb4: {  	v4 =	vor.u32 v4, v5  }
0xb5: {  	v5 =	vperm.xlane v4, v1;
	_ =	sdelay $0x1  }
0xb6: {  	v5 =	vadd.s32 v2, v5;
	_ =	sdelay $0x1  }
0xb7: {  	v4 =	vperm.xlane v4, v3;
	_ =	sdelay $0x1  }
0xb8: {  	s5 =	simm.s32 $0x4800;
	v4 =	vadd.s32 v2, v4  }
0xb9: {  	[tilespmem:s5], [sflag:$0x2] =	stream.indirect_vreg.gather [hbm4b:s24+s1], $0x80, v5, vm0, $0xb8;
	[tilespmem:$0xD800] =	vst v63  }
0xba: {  	s15 =	simm.s32 $0x5000  }
0xbb: {  	[tilespmem:s15], [sflag:$0x2] =	stream.indirect_vreg.gather [hbm4b:s31+s1], $0x80, v5, vm1, $0xb8;
	[tilespmem:$0xD800] =	vst v63  }
0xbc: {  	s16 =	simm.s32 $0x5400  }
0xbd: {  	[tilespmem:s16], [sflag:$0x2] =	stream.indirect_vreg.gather [hbm4b:s24+s1], $0x80, v4, vm0, $0xb8;
	[tilespmem:$0xD800] =	vst v63  }
0xbe: {  	s18 =	simm.s32 $0x5C00  }
0xbf: {  	[tilespmem:s18], [sflag:$0x2] =	stream.indirect_vreg.gather [hbm4b:s31+s1], $0x80, v4, vm1, $0xb8;
	[tilespmem:$0xD800] =	vst v63  }
0xc0: {  	v4 =	vld [tilespmem:$0x890];
	_ =	sdelay $0x4  }
0xc1: {  	v5 =	vshrl.u32 v4, $0x3  }
0xc2: {  	v5 =	vmul.u32 $0x18, v5  }
0xc3: {  	v4 =	vand.u32 $0x7, v4  }
0xc4: {  	v4 =	vor.u32 v4, v5  }
0xc5: {  	v5 =	vperm.xlane v4, v1;
	_ =	sdelay $0x1  }
0xc6: {  	v5 =	vadd.s32 v2, v5;
	_ =	sdelay $0x1  }
0xc7: {  	v4 =	vperm.xlane v4, v3;
	_ =	sdelay $0x1  }
0xc8: {  	s19 =	simm.s32 $0x6000;
	v4 =	vadd.s32 v2, v4  }
0xc9: {  	[tilespmem:s19], [sflag:$0x2] =	stream.indirect_vreg.gather [hbm4b:s24+s1], $0x80, v5, vm0, $0xb8;
	[tilespmem:$0xD800] =	vst v63  }
0xca: {  	s22 =	simm.s32 $0x6800  }
0xcb: {  	[tilespmem:s22], [sflag:$0x2] =	stream.indirect_vreg.gather [hbm4b:s31+s1], $0x80, v5, vm1, $0xb8;
	[tilespmem:$0xD800] =	vst v63  }
0xcc: {  	s23 =	simm.s32 $0x6C00  }
0xcd: {  	[tilespmem:s23], [sflag:$0x2] =	stream.indirect_vreg.gather [hbm4b:s24+s1], $0x80, v4, vm0, $0xb8;
	[tilespmem:$0xD800] =	vst v63  }
0xce: {  	s30 =	simm.s32 $0x7400  }
0xcf: {  	[tilespmem:s30], [sflag:$0x2] =	stream.indirect_vreg.gather [hbm4b:s31+s1], $0x80, v4, vm1, $0xb8;
	[tilespmem:$0xD800] =	vst v63  }
0xd0: {  	v4 =	vld [tilespmem:$0x900];
	_ =	sdelay $0x4  }
0xd1: {  	v5 =	vshrl.u32 v4, $0x3  }
0xd2: {  	v5 =	vmul.u32 $0x18, v5  }
0xd3: {  	v4 =	vand.u32 $0x7, v4  }
0xd4: {  	v4 =	vor.u32 v4, v5  }
0xd5: {  	v5 =	vperm.xlane v4, v1;
	_ =	sdelay $0x1  }
0xd6: {  	v5 =	vadd.s32 v2, v5;
	_ =	sdelay $0x1  }
0xd7: {  	v4 =	vperm.xlane v4, v3;
	_ =	sdelay $0x1  }
0xd8: {  	v4 =	vadd.s32 v2, v4  }
0xd9: {  	[tilespmem:s11], [sflag:$0x3] =	stream.indirect_vreg.gather [hbm4b:s24+s1], $0x80, v5, vm0, $0xb8;
	[tilespmem:$0xD800] =	vst v63  }
0xda: {  	s2 =	simm.s32 $0x8000  }
0xdb: {  	[tilespmem:s2], [sflag:$0x3] =	stream.indirect_vreg.gather [hbm4b:s31+s1], $0x80, v5, vm1, $0xb8;
	[tilespmem:$0xD800] =	vst v63  }
0xdc: {  	s0 =	simm.s32 $0x8400  }
0xdd: {  	[tilespmem:s0], [sflag:$0x3] =	stream.indirect_vreg.gather [hbm4b:s24+s1], $0x80, v4, vm0, $0xb8;
	[tilespmem:$0xD800] =	vst v63  }
0xde: {  	s4 =	simm.s32 $0x8C00  }
0xdf: {  	[tilespmem:s4], [sflag:$0x3] =	stream.indirect_vreg.gather [hbm4b:s31+s1], $0x80, v4, vm1, $0xb8;
	[tilespmem:$0xD800] =	vst v63  }
0xe0: {  	v4 =	vld [tilespmem:$0x910];
	_ =	sdelay $0x4  }
0xe1: {  	v5 =	vshrl.u32 v4, $0x3  }
0xe2: {  	v5 =	vmul.u32 $0x18, v5  }
0xe3: {  	v4 =	vand.u32 $0x7, v4  }
0xe4: {  	v4 =	vor.u32 v4, v5  }
0xe5: {  	v5 =	vperm.xlane v4, v1;
	_ =	sdelay $0x1  }
0xe6: {  	v5 =	vadd.s32 v2, v5;
	_ =	sdelay $0x1  }
0xe7: {  	v4 =	vperm.xlane v4, v3;
	_ =	sdelay $0x1  }
0xe8: {  	s7 =	simm.s32 $0x9000;
	v4 =	vadd.s32 v2, v4  }
0xe9: {  	[tilespmem:s7], [sflag:$0x3] =	stream.indirect_vreg.gather [hbm4b:s24+s1], $0x80, v5, vm0, $0xb8;
	[tilespmem:$0xD800] =	vst v63  }
0xea: {  	s16 =	simm.s32 $0x9800  }
0xeb: {  	[tilespmem:s16], [sflag:$0x3] =	stream.indirect_vreg.gather [hbm4b:s31+s1], $0x80, v5, vm1, $0xb8;
	[tilespmem:$0xD800] =	vst v63  }
0xec: {  	s18 =	simm.s32 $0x9C00  }
0xed: {  	[tilespmem:s18], [sflag:$0x3] =	stream.indirect_vreg.gather [hbm4b:s24+s1], $0x80, v4, vm0, $0xb8;
	[tilespmem:$0xD800] =	vst v63  }
0xee: {  	s22 =	simm.s32 $0xA400  }
0xef: {  	[tilespmem:s22], [sflag:$0x3] =	stream.indirect_vreg.gather [hbm4b:s31+s1], $0x80, v4, vm1, $0xb8;
	[tilespmem:$0xD800] =	vst v63  }
0xf0: {  	v4 =	vld [tilespmem:$0x980];
	_ =	sdelay $0x4  }
0xf1: {  	v5 =	vshrl.u32 v4, $0x3  }
0xf2: {  	v5 =	vmul.u32 $0x18, v5  }
0xf3: {  	v4 =	vand.u32 $0x7, v4  }
0xf4: {  	v4 =	vor.u32 v4, v5  }
0xf5: {  	v5 =	vperm.xlane v4, v1;
	_ =	sdelay $0x1  }
0xf6: {  	v5 =	vadd.s32 v2, v5;
	_ =	sdelay $0x1  }
0xf7: {  	v4 =	vperm.xlane v4, v3;
	_ =	sdelay $0x1  }
0xf8: {  	s0 =	simm.s32 $0xA800;
	v4 =	vadd.s32 v2, v4  }
0xf9: {  	[tilespmem:s0], [sflag:$0x4] =	stream.indirect_vreg.gather [hbm4b:s24+s1], $0x80, v5, vm0, $0xb8;
	[tilespmem:$0xD800] =	vst v63  }
0xfa: {  	s23 =	simm.s32 $0xB000  }
0xfb: {  	[tilespmem:s23], [sflag:$0x4] =	stream.indirect_vreg.gather [hbm4b:s31+s1], $0x80, v5, vm1, $0xb8;
	[tilespmem:$0xD800] =	vst v63  }
0xfc: {  	s30 =	simm.s32 $0xB400  }
0xfd: {  	[tilespmem:s30], [sflag:$0x4] =	stream.indirect_vreg.gather [hbm4b:s24+s1], $0x80, v4, vm0, $0xb8;
	[tilespmem:$0xD800] =	vst v63  }
0xfe: {  	s7 =	simm.s32 $0xBC00  }
0xff: {  	[tilespmem:s7], [sflag:$0x4] =	stream.indirect_vreg.gather [hbm4b:s31+s1], $0x80, v4, vm1, $0xb8;
	[tilespmem:$0xD800] =	vst v63  }
0x100: {  	v4 =	vld [tilespmem:$0x990];
	_ =	sdelay $0x4  }
0x101: {  	v5 =	vshrl.u32 v4, $0x3  }
0x102: {  	v5 =	vmul.u32 $0x18, v5  }
0x103: {  	v4 =	vand.u32 $0x7, v4  }
0x104: {  	v4 =	vor.u32 v4, v5  }
0x105: {  	v5 =	vperm.xlane v4, v1;
	_ =	sdelay $0x1  }
0x106: {  	v5 =	vadd.s32 v2, v5;
	_ =	sdelay $0x1  }
0x107: {  	v4 =	vperm.xlane v4, v3;
	_ =	sdelay $0x1  }
0x108: {  	s16 =	simm.s32 $0xC000;
	v4 =	vadd.s32 v2, v4  }
0x109: {  	[tilespmem:s16], [sflag:$0x4] =	stream.indirect_vreg.gather [hbm4b:s24+s1], $0x80, v5, vm0, $0xb8;
	[tilespmem:$0xD800] =	vst v63  }
0x10a: {  	s18 =	simm.s32 $0xC800  }
0x10b: {  	[tilespmem:s18], [sflag:$0x4] =	stream.indirect_vreg.gather [hbm4b:s31+s1], $0x80, v5, vm1, $0xb8;
	[tilespmem:$0xD800] =	vst v63  }
0x10c: {  	s22 =	simm.s32 $0xCC00  }
0x10d: {  	[tilespmem:s22], [sflag:$0x4] =	stream.indirect_vreg.gather [hbm4b:s24+s1], $0x80, v4, vm0, $0xb8;
	[tilespmem:$0xD800] =	vst v63  }
0x10e: {  	s23 =	simm.s32 $0xD400  }
0x10f: {  	[tilespmem:s23], [sflag:$0x4] =	stream.indirect_vreg.gather [hbm4b:s31+s1], $0x80, v4, vm1, $0xb8;
	[tilespmem:$0xD800] =	vst v63  }
0x110: {  	_ =	swait.ge [sflag:s3], $0x3000  }
0x111: {  	[sflag:s3] =	ssyncset.done $0x0  }
0x112: {  	s30 =	rddreg [dreg:$0x5];
	[sflag:s3] =	ssyncadd.s32 $0xFFFFD000  }
0x113: {  	[hbm4b:s30+s1] =	stream.linear.scatter [tilespmem:s6], [sflag:$0x5], $0x3000, $0x38;
	[tilespmem:$0xD800] =	vst v63  }
0x114: {  	_ =	swait.ge [sflag:s20], $0x3000  }
0x115: {  	[sflag:s20] =	ssyncset.done $0x0  }
0x116: {  	[sflag:s20] =	ssyncadd.s32 $0xFFFFD000  }
0x117: {  	v4 =	vld [tilespmem:$0xA00];
	_ =	sdelay $0x4  }
0x118: {  	v5 =	vshrl.u32 v4, $0x3  }
0x119: {  	v5 =	vmul.u32 $0x18, v5  }
0x11a: {  	v4 =	vand.u32 $0x7, v4  }
0x11b: {  	v4 =	vor.u32 v4, v5  }
0x11c: {  	v5 =	vperm.xlane v4, v1;
	_ =	sdelay $0x1  }
0x11d: {  	v5 =	vadd.s32 v2, v5;
	_ =	sdelay $0x1  }
0x11e: {  	v4 =	vperm.xlane v4, v3;
	_ =	sdelay $0x1  }
0x11f: {  	v4 =	vadd.s32 v2, v4  }
0x120: {  	[tilespmem:s6], [sflag:$0x1] =	stream.indirect_vreg.gather [hbm4b:s24+s1], $0x80, v5, vm0, $0xb8;
	[tilespmem:$0xD800] =	vst v63  }
0x121: {  	s14 =	simm.s32 $0x2000  }
0x122: {  	[tilespmem:s14], [sflag:$0x1] =	stream.indirect_vreg.gather [hbm4b:s31+s1], $0x80, v5, vm1, $0xb8;
	[tilespmem:$0xD800] =	vst v63  }
0x123: {  	s16 =	simm.s32 $0x2400  }
0x124: {  	[tilespmem:s16], [sflag:$0x1] =	stream.indirect_vreg.gather [hbm4b:s24+s1], $0x80, v4, vm0, $0xb8;
	[tilespmem:$0xD800] =	vst v63  }
0x125: {  	s17 =	simm.s32 $0x2C00  }
0x126: {  	[tilespmem:s17], [sflag:$0x1] =	stream.indirect_vreg.gather [hbm4b:s31+s1], $0x80, v4, vm1, $0xb8;
	[tilespmem:$0xD800] =	vst v63  }
0x127: {  	v4 =	vld [tilespmem:$0xA10];
	_ =	sdelay $0x4  }
0x128: {  	v5 =	vshrl.u32 v4, $0x3  }
0x129: {  	v5 =	vmul.u32 $0x18, v5  }
0x12a: {  	v4 =	vand.u32 $0x7, v4  }
0x12b: {  	v4 =	vor.u32 v4, v5  }
0x12c: {  	v5 =	vperm.xlane v4, v1;
	_ =	sdelay $0x1  }
0x12d: {  	v5 =	vadd.s32 v2, v5;
	_ =	sdelay $0x1  }
0x12e: {  	v4 =	vperm.xlane v4, v3;
	_ =	sdelay $0x1  }
0x12f: {  	s30 =	simm.s32 $0x3000;
	v4 =	vadd.s32 v2, v4  }
0x130: {  	[tilespmem:s30], [sflag:$0x1] =	stream.indirect_vreg.gather [hbm4b:s24+s1], $0x80, v5, vm0, $0xb8;
	[tilespmem:$0xD800] =	vst v63  }
0x131: {  	s17 =	simm.s32 $0x3800  }
0x132: {  	[tilespmem:s17], [sflag:$0x1] =	stream.indirect_vreg.gather [hbm4b:s31+s1], $0x80, v5, vm1, $0xb8;
	[tilespmem:$0xD800] =	vst v63  }
0x133: {  	s18 =	simm.s32 $0x3C00  }
0x134: {  	[tilespmem:s18], [sflag:$0x1] =	stream.indirect_vreg.gather [hbm4b:s24+s1], $0x80, v4, vm0, $0xb8;
	[tilespmem:$0xD800] =	vst v63  }
0x135: {  	s22 =	simm.s32 $0x4400  }
0x136: {  	[tilespmem:s22], [sflag:$0x1] =	stream.indirect_vreg.gather [hbm4b:s31+s1], $0x80, v4, vm1, $0xb8;
	[tilespmem:$0xD800] =	vst v63  }
0x137: {  	_ =	swait.ge [sflag:s21], $0x3000  }
0x138: {  	[sflag:s21] =	ssyncset.done $0x0  }
0x139: {  	s14 =	rddreg [dreg:$0x1d];
	[sflag:s21] =	ssyncadd.s32 $0xFFFFD000  }
0x13a: {  	[hbm4b:s14+s1] =	stream.linear.scatter [tilespmem:s5], [sflag:$0x6], $0x3000, $0x38;
	[tilespmem:$0xD800] =	vst v63  }
0x13b: {  	_ =	swait.ge [sflag:s12], $0x3000  }
0x13c: {  	[sflag:s12] =	ssyncset.done $0x0  }
0x13d: {  	[sflag:s12] =	ssyncadd.s32 $0xFFFFD000  }
0x13e: {  	v4 =	vld [tilespmem:$0xA80];
	_ =	sdelay $0x4  }
0x13f: {  	v5 =	vshrl.u32 v4, $0x3  }
0x140: {  	v5 =	vmul.u32 $0x18, v5  }
0x141: {  	v4 =	vand.u32 $0x7, v4  }
0x142: {  	v4 =	vor.u32 v4, v5  }
0x143: {  	v5 =	vperm.xlane v4, v1;
	_ =	sdelay $0x1  }
0x144: {  	v5 =	vadd.s32 v2, v5;
	_ =	sdelay $0x1  }
0x145: {  	v4 =	vperm.xlane v4, v3;
	_ =	sdelay $0x1  }
0x146: {  	v4 =	vadd.s32 v2, v4  }
0x147: {  	[tilespmem:s5], [sflag:$0x2] =	stream.indirect_vreg.gather [hbm4b:s24+s1], $0x80, v5, vm0, $0xb8;
	[tilespmem:$0xD800] =	vst v63  }
0x148: {  	s8 =	simm.s32 $0x5000  }
0x149: {  	[tilespmem:s8], [sflag:$0x2] =	stream.indirect_vreg.gather [hbm4b:s31+s1], $0x80, v5, vm1, $0xb8;
	[tilespmem:$0xD800] =	vst v63  }
0x14a: {  	s10 =	simm.s32 $0x5400  }
0x14b: {  	[tilespmem:s10], [sflag:$0x2] =	stream.indirect_vreg.gather [hbm4b:s24+s1], $0x80, v4, vm0, $0xb8;
	[tilespmem:$0xD800] =	vst v63  }
0x14c: {  	s29 =	simm.s32 $0x5C00  }
0x14d: {  	[tilespmem:s29], [sflag:$0x2] =	stream.indirect_vreg.gather [hbm4b:s31+s1], $0x80, v4, vm1, $0xb8;
	[tilespmem:$0xD800] =	vst v63  }
0x14e: {  	v4 =	vld [tilespmem:$0xA90];
	_ =	sdelay $0x4  }
0x14f: {  	v5 =	vshrl.u32 v4, $0x3  }
0x150: {  	v5 =	vmul.u32 $0x18, v5  }
0x151: {  	v4 =	vand.u32 $0x7, v4  }
0x152: {  	v4 =	vor.u32 v4, v5  }
0x153: {  	v5 =	vperm.xlane v4, v1;
	_ =	sdelay $0x1  }
0x154: {  	v5 =	vadd.s32 v2, v5;
	_ =	sdelay $0x1  }
0x155: {  	v4 =	vperm.xlane v4, v3;
	_ =	sdelay $0x1  }
0x156: {  	s15 =	simm.s32 $0x6000;
	v4 =	vadd.s32 v2, v4  }
0x157: {  	[tilespmem:s15], [sflag:$0x2] =	stream.indirect_vreg.gather [hbm4b:s24+s1], $0x80, v5, vm0, $0xb8;
	[tilespmem:$0xD800] =	vst v63  }
0x158: {  	s19 =	simm.s32 $0x6800  }
0x159: {  	[tilespmem:s19], [sflag:$0x2] =	stream.indirect_vreg.gather [hbm4b:s31+s1], $0x80, v5, vm1, $0xb8;
	[tilespmem:$0xD800] =	vst v63  }
0x15a: {  	s29 =	simm.s32 $0x6C00  }
0x15b: {  	[tilespmem:s29], [sflag:$0x2] =	stream.indirect_vreg.gather [hbm4b:s24+s1], $0x80, v4, vm0, $0xb8;
	[tilespmem:$0xD800] =	vst v63  }
0x15c: {  	s14 =	simm.s32 $0x7400  }
0x15d: {  	[tilespmem:s14], [sflag:$0x2] =	stream.indirect_vreg.gather [hbm4b:s31+s1], $0x80, v4, vm1, $0xb8;
	[tilespmem:$0xD800] =	vst v63  }
0x15e: {  	_ =	swait.ge [sflag:s13], $0x3000  }
0x15f: {  	[sflag:s13] =	ssyncset.done $0x0  }
0x160: {  	s19 =	rddreg [dreg:$0x1e];
	[sflag:s13] =	ssyncadd.s32 $0xFFFFD000  }
0x161: {  	[hbm4b:s19+s1] =	stream.linear.scatter [tilespmem:s11], [sflag:$0x7], $0x3000, $0x38;
	[tilespmem:$0xD800] =	vst v63  }
0x162: {  	_ =	swait.ge [sflag:s25], $0x3000  }
0x163: {  	[sflag:s25] =	ssyncset.done $0x0  }
0x164: {  	[sflag:s25] =	ssyncadd.s32 $0xFFFFD000  }
0x165: {  	v4 =	vld [tilespmem:$0xB00];
	_ =	sdelay $0x4  }
0x166: {  	v5 =	vshrl.u32 v4, $0x3  }
0x167: {  	v5 =	vmul.u32 $0x18, v5  }
0x168: {  	v4 =	vand.u32 $0x7, v4  }
0x169: {  	v4 =	vor.u32 v4, v5  }
0x16a: {  	v5 =	vperm.xlane v4, v1;
	_ =	sdelay $0x1  }
0x16b: {  	v5 =	vadd.s32 v2, v5;
	_ =	sdelay $0x1  }
0x16c: {  	v4 =	vperm.xlane v4, v3;
	_ =	sdelay $0x1  }
0x16d: {  	v4 =	vadd.s32 v2, v4  }
0x16e: {  	[tilespmem:s11], [sflag:$0x3] =	stream.indirect_vreg.gather [hbm4b:s24+s1], $0x80, v5, vm0, $0xb8;
	[tilespmem:$0xD800] =	vst v63  }
0x16f: {  	s19 =	simm.s32 $0x8000  }
0x170: {  	[tilespmem:s19], [sflag:$0x3] =	stream.indirect_vreg.gather [hbm4b:s31+s1], $0x80, v5, vm1, $0xb8;
	[tilespmem:$0xD800] =	vst v63  }
0x171: {  	s8 =	simm.s32 $0x8400  }
0x172: {  	[tilespmem:s8], [sflag:$0x3] =	stream.indirect_vreg.gather [hbm4b:s24+s1], $0x80, v4, vm0, $0xb8;
	[tilespmem:$0xD800] =	vst v63  }
0x173: {  	s9 =	simm.s32 $0x8C00  }
0x174: {  	[tilespmem:s9], [sflag:$0x3] =	stream.indirect_vreg.gather [hbm4b:s31+s1], $0x80, v4, vm1, $0xb8;
	[tilespmem:$0xD800] =	vst v63  }
0x175: {  	v4 =	vld [tilespmem:$0xB10];
	_ =	sdelay $0x4  }
0x176: {  	v5 =	vshrl.u32 v4, $0x3  }
0x177: {  	v5 =	vmul.u32 $0x18, v5  }
0x178: {  	v4 =	vand.u32 $0x7, v4  }
0x179: {  	v4 =	vor.u32 v4, v5  }
0x17a: {  	v5 =	vperm.xlane v4, v1;
	_ =	sdelay $0x1  }
0x17b: {  	v5 =	vadd.s32 v2, v5;
	_ =	sdelay $0x1  }
0x17c: {  	v4 =	vperm.xlane v4, v3;
	_ =	sdelay $0x1  }
0x17d: {  	s9 =	simm.s32 $0x9000;
	v4 =	vadd.s32 v2, v4  }
0x17e: {  	[tilespmem:s9], [sflag:$0x3] =	stream.indirect_vreg.gather [hbm4b:s24+s1], $0x80, v5, vm0, $0xb8;
	[tilespmem:$0xD800] =	vst v63  }
0x17f: {  	s10 =	simm.s32 $0x9800  }
0x180: {  	[tilespmem:s10], [sflag:$0x3] =	stream.indirect_vreg.gather [hbm4b:s31+s1], $0x80, v5, vm1, $0xb8;
	[tilespmem:$0xD800] =	vst v63  }
0x181: {  	s15 =	simm.s32 $0x9C00  }
0x182: {  	[tilespmem:s15], [sflag:$0x3] =	stream.indirect_vreg.gather [hbm4b:s24+s1], $0x80, v4, vm0, $0xb8;
	[tilespmem:$0xD800] =	vst v63  }
0x183: {  	s2 =	simm.s32 $0xA400  }
0x184: {  	[tilespmem:s2], [sflag:$0x3] =	stream.indirect_vreg.gather [hbm4b:s31+s1], $0x80, v4, vm1, $0xb8;
	[tilespmem:$0xD800] =	vst v63  }
0x185: {  	_ =	swait.ge [sflag:s26], $0x3000  }
0x186: {  	[sflag:s26] =	ssyncset.done $0x0  }
0x187: {  	s2 =	rddreg [dreg:$0x1f];
	[sflag:s26] =	ssyncadd.s32 $0xFFFFD000  }
0x188: {  	[hbm4b:s2+s1] =	stream.linear.scatter [tilespmem:s0], [sflag:$0x8], $0x3000, $0x38;
	[tilespmem:$0xD800] =	vst v63  }
0x189: {  	_ =	swait.ge [sflag:s28], $0x3000  }
0x18a: {  	[sflag:s28] =	ssyncset.done $0x0  }
0x18b: {  	[sflag:s28] =	ssyncadd.s32 $0xFFFFD000  }
0x18c: {  	v4 =	vld [tilespmem:$0xB80];
	_ =	sdelay $0x4  }
0x18d: {  	v5 =	vshrl.u32 v4, $0x3  }
0x18e: {  	v5 =	vmul.u32 $0x18, v5  }
0x18f: {  	v4 =	vand.u32 $0x7, v4  }
0x190: {  	v4 =	vor.u32 v4, v5  }
0x191: {  	v5 =	vperm.xlane v4, v1;
	_ =	sdelay $0x1  }
0x192: {  	v5 =	vadd.s32 v2, v5;
	_ =	sdelay $0x1  }
0x193: {  	v4 =	vperm.xlane v4, v3;
	_ =	sdelay $0x1  }
0x194: {  	v4 =	vadd.s32 v2, v4  }
0x195: {  	[tilespmem:s0], [sflag:$0x4] =	stream.indirect_vreg.gather [hbm4b:s24+s1], $0x80, v5, vm0, $0xb8;
	[tilespmem:$0xD800] =	vst v63  }
0x196: {  	s4 =	simm.s32 $0xB000  }
0x197: {  	[tilespmem:s4], [sflag:$0x4] =	stream.indirect_vreg.gather [hbm4b:s31+s1], $0x80, v5, vm1, $0xb8;
	[tilespmem:$0xD800] =	vst v63  }
0x198: {  	s4 =	simm.s32 $0xB400  }
0x199: {  	[tilespmem:s4], [sflag:$0x4] =	stream.indirect_vreg.gather [hbm4b:s24+s1], $0x80, v4, vm0, $0xb8;
	[tilespmem:$0xD800] =	vst v63  }
0x19a: {  	s7 =	simm.s32 $0xBC00  }
0x19b: {  	[tilespmem:s7], [sflag:$0x4] =	stream.indirect_vreg.gather [hbm4b:s31+s1], $0x80, v4, vm1, $0xb8;
	[tilespmem:$0xD800] =	vst v63  }
0x19c: {  	v4 =	vld [tilespmem:$0xB90];
	_ =	sdelay $0x4  }
0x19d: {  	v5 =	vshrl.u32 v4, $0x3  }
0x19e: {  	v5 =	vmul.u32 $0x18, v5  }
0x19f: {  	v4 =	vand.u32 $0x7, v4  }
0x1a0: {  	v4 =	vor.u32 v4, v5  }
0x1a1: {  	v5 =	vperm.xlane v4, v1;
	_ =	sdelay $0x1  }
0x1a2: {  	v5 =	vadd.s32 v2, v5;
	_ =	sdelay $0x1  }
0x1a3: {  	v4 =	vperm.xlane v4, v3;
	_ =	sdelay $0x1  }
0x1a4: {  	s7 =	simm.s32 $0xC000;
	v4 =	vadd.s32 v2, v4  }
0x1a5: {  	[tilespmem:s7], [sflag:$0x4] =	stream.indirect_vreg.gather [hbm4b:s24+s1], $0x80, v5, vm0, $0xb8;
	[tilespmem:$0xD800] =	vst v63  }
0x1a6: {  	s4 =	simm.s32 $0xC800  }
0x1a7: {  	[tilespmem:s4], [sflag:$0x4] =	stream.indirect_vreg.gather [hbm4b:s31+s1], $0x80, v5, vm1, $0xb8;
	[tilespmem:$0xD800] =	vst v63  }
0x1a8: {  	s4 =	simm.s32 $0xCC00  }
0x1a9: {  	[tilespmem:s4], [sflag:$0x4] =	stream.indirect_vreg.gather [hbm4b:s24+s1], $0x80, v4, vm0, $0xb8;
	[tilespmem:$0xD800] =	vst v63  }
0x1aa: {  	s23 =	simm.s32 $0xD400  }
0x1ab: {  	[tilespmem:s23], [sflag:$0x4] =	stream.indirect_vreg.gather [hbm4b:s31+s1], $0x80, v4, vm1, $0xb8;
	[tilespmem:$0xD800] =	vst v63  }
0x1ac: {  	_ =	swait.ge [sflag:s3], $0x3000  }
0x1ad: {  	s4 =	sld [smem:$0x7F7]  }
0x1ae: {  	[sflag:s3] =	ssyncset.done $0x0  }
0x1af: {  	[sflag:s3] =	ssyncadd.s32 $0xFFFFD000  }
0x1b0: {  	[hbm4b:s4+s1] =	stream.linear.scatter [tilespmem:s6], [sflag:$0x5], $0x3000, $0x38;
	[tilespmem:$0xD800] =	vst v63  }
0x1b1: {  	_ =	swait.ge [sflag:s20], $0x3000  }
0x1b2: {  	[sflag:s20] =	ssyncset.done $0x0  }
0x1b3: {  	[sflag:s20] =	ssyncadd.s32 $0xFFFFD000  }
0x1b4: {  	v4 =	vld [tilespmem:$0xC00];
	_ =	sdelay $0x4  }
0x1b5: {  	v5 =	vshrl.u32 v4, $0x3  }
0x1b6: {  	v5 =	vmul.u32 $0x18, v5  }
0x1b7: {  	v4 =	vand.u32 $0x7, v4  }
0x1b8: {  	v4 =	vor.u32 v4, v5  }
0x1b9: {  	v5 =	vperm.xlane v4, v1;
	_ =	sdelay $0x1  }
0x1ba: {  	v5 =	vadd.s32 v2, v5;
	_ =	sdelay $0x1  }
0x1bb: {  	v4 =	vperm.xlane v4, v3;
	_ =	sdelay $0x1  }
0x1bc: {  	v4 =	vadd.s32 v2, v4  }
0x1bd: {  	[tilespmem:s6], [sflag:$0x1] =	stream.indirect_vreg.gather [hbm4b:s24+s1], $0x80, v5, vm0, $0xb8;
	[tilespmem:$0xD800] =	vst v63  }
0x1be: {  	s4 =	simm.s32 $0x2000  }
0x1bf: {  	[tilespmem:s4], [sflag:$0x1] =	stream.indirect_vreg.gather [hbm4b:s31+s1], $0x80, v5, vm1, $0xb8;
	[tilespmem:$0xD800] =	vst v63  }
0x1c0: {  	_ = 	snop  }
0x1c1: {  	[tilespmem:s16], [sflag:$0x1] =	stream.indirect_vreg.gather [hbm4b:s24+s1], $0x80, v4, vm0, $0xb8;
	[tilespmem:$0xD800] =	vst v63  }
0x1c2: {  	s4 =	simm.s32 $0x2C00  }
0x1c3: {  	[tilespmem:s4], [sflag:$0x1] =	stream.indirect_vreg.gather [hbm4b:s31+s1], $0x80, v4, vm1, $0xb8;
	[tilespmem:$0xD800] =	vst v63  }
0x1c4: {  	v4 =	vld [tilespmem:$0xC10];
	_ =	sdelay $0x4  }
0x1c5: {  	v5 =	vshrl.u32 v4, $0x3  }
0x1c6: {  	v5 =	vmul.u32 $0x18, v5  }
0x1c7: {  	v4 =	vand.u32 $0x7, v4  }
0x1c8: {  	v4 =	vor.u32 v4, v5  }
0x1c9: {  	v5 =	vperm.xlane v4, v1;
	_ =	sdelay $0x1  }
0x1ca: {  	v5 =	vadd.s32 v2, v5;
	_ =	sdelay $0x1  }
0x1cb: {  	v4 =	vperm.xlane v4, v3;
	_ =	sdelay $0x1  }
0x1cc: {  	v4 =	vadd.s32 v2, v4  }
0x1cd: {  	[tilespmem:s30], [sflag:$0x1] =	stream.indirect_vreg.gather [hbm4b:s24+s1], $0x80, v5, vm0, $0xb8;
	[tilespmem:$0xD800] =	vst v63  }
0x1ce: {  	_ = 	snop  }
0x1cf: {  	[tilespmem:s17], [sflag:$0x1] =	stream.indirect_vreg.gather [hbm4b:s31+s1], $0x80, v5, vm1, $0xb8;
	[tilespmem:$0xD800] =	vst v63  }
0x1d0: {  	_ = 	snop  }
0x1d1: {  	[tilespmem:s18], [sflag:$0x1] =	stream.indirect_vreg.gather [hbm4b:s24+s1], $0x80, v4, vm0, $0xb8;
	[tilespmem:$0xD800] =	vst v63  }
0x1d2: {  	_ = 	snop  }
0x1d3: {  	[tilespmem:s22], [sflag:$0x1] =	stream.indirect_vreg.gather [hbm4b:s31+s1], $0x80, v4, vm1, $0xb8;
	[tilespmem:$0xD800] =	vst v63  }
0x1d4: {  	_ =	swait.ge [sflag:s21], $0x3000  }
0x1d5: {  	s18 =	sld [smem:$0x7F8]  }
0x1d6: {  	[sflag:s21] =	ssyncset.done $0x0  }
0x1d7: {  	[sflag:s21] =	ssyncadd.s32 $0xFFFFD000  }
0x1d8: {  	[hbm4b:s18+s1] =	stream.linear.scatter [tilespmem:s5], [sflag:$0x6], $0x3000, $0x38;
	[tilespmem:$0xD800] =	vst v63  }
0x1d9: {  	_ =	swait.ge [sflag:s12], $0x3000  }
0x1da: {  	[sflag:s12] =	ssyncset.done $0x0  }
0x1db: {  	[sflag:s12] =	ssyncadd.s32 $0xFFFFD000  }
0x1dc: {  	v4 =	vld [tilespmem:$0xC80];
	_ =	sdelay $0x4  }
0x1dd: {  	v5 =	vshrl.u32 v4, $0x3  }
0x1de: {  	v5 =	vmul.u32 $0x18, v5  }
0x1df: {  	v4 =	vand.u32 $0x7, v4  }
0x1e0: {  	v4 =	vor.u32 v4, v5  }
0x1e1: {  	v5 =	vperm.xlane v4, v1;
	_ =	sdelay $0x1  }
0x1e2: {  	v5 =	vadd.s32 v2, v5;
	_ =	sdelay $0x1  }
0x1e3: {  	v4 =	vperm.xlane v4, v3;
	_ =	sdelay $0x1  }
0x1e4: {  	v4 =	vadd.s32 v2, v4  }
0x1e5: {  	[tilespmem:s5], [sflag:$0x2] =	stream.indirect_vreg.gather [hbm4b:s24+s1], $0x80, v5, vm0, $0xb8;
	[tilespmem:$0xD800] =	vst v63  }
0x1e6: {  	s22 =	simm.s32 $0x5000  }
0x1e7: {  	[tilespmem:s22], [sflag:$0x2] =	stream.indirect_vreg.gather [hbm4b:s31+s1], $0x80, v5, vm1, $0xb8;
	[tilespmem:$0xD800] =	vst v63  }
0x1e8: {  	s18 =	simm.s32 $0x5400  }
0x1e9: {  	[tilespmem:s18], [sflag:$0x2] =	stream.indirect_vreg.gather [hbm4b:s24+s1], $0x80, v4, vm0, $0xb8;
	[tilespmem:$0xD800] =	vst v63  }
0x1ea: {  	s22 =	simm.s32 $0x5C00  }
0x1eb: {  	[tilespmem:s22], [sflag:$0x2] =	stream.indirect_vreg.gather [hbm4b:s31+s1], $0x80, v4, vm1, $0xb8;
	[tilespmem:$0xD800] =	vst v63  }
0x1ec: {  	v4 =	vld [tilespmem:$0xC90];
	_ =	sdelay $0x4  }
0x1ed: {  	v5 =	vshrl.u32 v4, $0x3  }
0x1ee: {  	v5 =	vmul.u32 $0x18, v5  }
0x1ef: {  	v4 =	vand.u32 $0x7, v4  }
0x1f0: {  	v4 =	vor.u32 v4, v5  }
0x1f1: {  	v5 =	vperm.xlane v4, v1;
	_ =	sdelay $0x1  }
0x1f2: {  	v5 =	vadd.s32 v2, v5;
	_ =	sdelay $0x1  }
0x1f3: {  	v4 =	vperm.xlane v4, v3;
	_ =	sdelay $0x1  }
0x1f4: {  	s18 =	simm.s32 $0x6000;
	v4 =	vadd.s32 v2, v4  }
0x1f5: {  	[tilespmem:s18], [sflag:$0x2] =	stream.indirect_vreg.gather [hbm4b:s24+s1], $0x80, v5, vm0, $0xb8;
	[tilespmem:$0xD800] =	vst v63  }
0x1f6: {  	s22 =	simm.s32 $0x6800  }
0x1f7: {  	[tilespmem:s22], [sflag:$0x2] =	stream.indirect_vreg.gather [hbm4b:s31+s1], $0x80, v5, vm1, $0xb8;
	[tilespmem:$0xD800] =	vst v63  }
0x1f8: {  	_ = 	snop  }
0x1f9: {  	[tilespmem:s29], [sflag:$0x2] =	stream.indirect_vreg.gather [hbm4b:s24+s1], $0x80, v4, vm0, $0xb8;
	[tilespmem:$0xD800] =	vst v63  }
0x1fa: {  	_ = 	snop  }
0x1fb: {  	[tilespmem:s14], [sflag:$0x2] =	stream.indirect_vreg.gather [hbm4b:s31+s1], $0x80, v4, vm1, $0xb8;
	[tilespmem:$0xD800] =	vst v63  }
0x1fc: {  	_ =	swait.ge [sflag:s13], $0x3000  }
0x1fd: {  	s18 =	sld [smem:$0x7F9]  }
0x1fe: {  	[sflag:s13] =	ssyncset.done $0x0  }
0x1ff: {  	[sflag:s13] =	ssyncadd.s32 $0xFFFFD000  }
0x200: {  	[hbm4b:s18+s1] =	stream.linear.scatter [tilespmem:s11], [sflag:$0x7], $0x3000, $0x38;
	[tilespmem:$0xD800] =	vst v63  }
0x201: {  	_ =	swait.ge [sflag:s25], $0x3000  }
0x202: {  	[sflag:s25] =	ssyncset.done $0x0  }
0x203: {  	[sflag:s25] =	ssyncadd.s32 $0xFFFFD000  }
0x204: {  	v4 =	vld [tilespmem:$0xD00];
	_ =	sdelay $0x4  }
0x205: {  	v5 =	vshrl.u32 v4, $0x3  }
0x206: {  	v5 =	vmul.u32 $0x18, v5  }
0x207: {  	v4 =	vand.u32 $0x7, v4  }
0x208: {  	v4 =	vor.u32 v4, v5  }
0x209: {  	v5 =	vperm.xlane v4, v1;
	_ =	sdelay $0x1  }
0x20a: {  	v5 =	vadd.s32 v2, v5;
	_ =	sdelay $0x1  }
0x20b: {  	v4 =	vperm.xlane v4, v3;
	_ =	sdelay $0x1  }
0x20c: {  	v4 =	vadd.s32 v2, v4  }
0x20d: {  	[tilespmem:s11], [sflag:$0x3] =	stream.indirect_vreg.gather [hbm4b:s24+s1], $0x80, v5, vm0, $0xb8;
	[tilespmem:$0xD800] =	vst v63  }
0x20e: {  	_ = 	snop  }
0x20f: {  	[tilespmem:s19], [sflag:$0x3] =	stream.indirect_vreg.gather [hbm4b:s31+s1], $0x80, v5, vm1, $0xb8;
	[tilespmem:$0xD800] =	vst v63  }
0x210: {  	_ = 	snop  }
0x211: {  	[tilespmem:s8], [sflag:$0x3] =	stream.indirect_vreg.gather [hbm4b:s24+s1], $0x80, v4, vm0, $0xb8;
	[tilespmem:$0xD800] =	vst v63  }
0x212: {  	s14 =	simm.s32 $0x8C00  }
0x213: {  	[tilespmem:s14], [sflag:$0x3] =	stream.indirect_vreg.gather [hbm4b:s31+s1], $0x80, v4, vm1, $0xb8;
	[tilespmem:$0xD800] =	vst v63  }
0x214: {  	v4 =	vld [tilespmem:$0xD10];
	_ =	sdelay $0x4  }
0x215: {  	v5 =	vshrl.u32 v4, $0x3  }
0x216: {  	v5 =	vmul.u32 $0x18, v5  }
0x217: {  	v4 =	vand.u32 $0x7, v4  }
0x218: {  	v4 =	vor.u32 v4, v5  }
0x219: {  	v5 =	vperm.xlane v4, v1;
	_ =	sdelay $0x1  }
0x21a: {  	v5 =	vadd.s32 v2, v5;
	_ =	sdelay $0x1  }
0x21b: {  	v4 =	vperm.xlane v4, v3;
	_ =	sdelay $0x1  }
0x21c: {  	v4 =	vadd.s32 v2, v4  }
0x21d: {  	[tilespmem:s9], [sflag:$0x3] =	stream.indirect_vreg.gather [hbm4b:s24+s1], $0x80, v5, vm0, $0xb8;
	[tilespmem:$0xD800] =	vst v63  }
0x21e: {  	_ = 	snop  }
0x21f: {  	[tilespmem:s10], [sflag:$0x3] =	stream.indirect_vreg.gather [hbm4b:s31+s1], $0x80, v5, vm1, $0xb8;
	[tilespmem:$0xD800] =	vst v63  }
0x220: {  	_ = 	snop  }
0x221: {  	[tilespmem:s15], [sflag:$0x3] =	stream.indirect_vreg.gather [hbm4b:s24+s1], $0x80, v4, vm0, $0xb8;
	[tilespmem:$0xD800] =	vst v63  }
0x222: {  	s15 =	simm.s32 $0xA400  }
0x223: {  	[tilespmem:s15], [sflag:$0x3] =	stream.indirect_vreg.gather [hbm4b:s31+s1], $0x80, v4, vm1, $0xb8;
	[tilespmem:$0xD800] =	vst v63  }
0x224: {  	_ =	swait.ge [sflag:s26], $0x3000  }
0x225: {  	s19 =	sld [smem:$0x7FA]  }
0x226: {  	[sflag:s26] =	ssyncset.done $0x0  }
0x227: {  	[sflag:s26] =	ssyncadd.s32 $0xFFFFD000  }
0x228: {  	[hbm4b:s19+s1] =	stream.linear.scatter [tilespmem:s0], [sflag:$0x8], $0x3000, $0x38;
	[tilespmem:$0xD800] =	vst v63  }
0x229: {  	_ =	swait.ge [sflag:s28], $0x3000  }
0x22a: {  	[sflag:s28] =	ssyncset.done $0x0  }
0x22b: {  	[sflag:s28] =	ssyncadd.s32 $0xFFFFD000  }
0x22c: {  	v4 =	vld [tilespmem:$0xD80];
	_ =	sdelay $0x4  }
0x22d: {  	v5 =	vshrl.u32 v4, $0x3  }
0x22e: {  	v5 =	vmul.u32 $0x18, v5  }
0x22f: {  	v4 =	vand.u32 $0x7, v4  }
0x230: {  	v4 =	vor.u32 v4, v5  }
0x231: {  	v5 =	vperm.xlane v4, v1;
	_ =	sdelay $0x1  }
0x232: {  	v5 =	vadd.s32 v2, v5;
	_ =	sdelay $0x1  }
0x233: {  	v4 =	vperm.xlane v4, v3;
	_ =	sdelay $0x1  }
0x234: {  	v4 =	vadd.s32 v2, v4  }
0x235: {  	[tilespmem:s0], [sflag:$0x4] =	stream.indirect_vreg.gather [hbm4b:s24+s1], $0x80, v5, vm0, $0xb8;
	[tilespmem:$0xD800] =	vst v63  }
0x236: {  	s2 =	simm.s32 $0xB000  }
0x237: {  	[tilespmem:s2], [sflag:$0x4] =	stream.indirect_vreg.gather [hbm4b:s31+s1], $0x80, v5, vm1, $0xb8;
	[tilespmem:$0xD800] =	vst v63  }
0x238: {  	s15 =	simm.s32 $0xB400  }
0x239: {  	[tilespmem:s15], [sflag:$0x4] =	stream.indirect_vreg.gather [hbm4b:s24+s1], $0x80, v4, vm0, $0xb8;
	[tilespmem:$0xD800] =	vst v63  }
0x23a: {  	s19 =	simm.s32 $0xBC00  }
0x23b: {  	[tilespmem:s19], [sflag:$0x4] =	stream.indirect_vreg.gather [hbm4b:s31+s1], $0x80, v4, vm1, $0xb8;
	[tilespmem:$0xD800] =	vst v63  }
0x23c: {  	v4 =	vld [tilespmem:$0xD90];
	_ =	sdelay $0x4  }
0x23d: {  	v5 =	vshrl.u32 v4, $0x3  }
0x23e: {  	v5 =	vmul.u32 $0x18, v5  }
0x23f: {  	v4 =	vand.u32 $0x7, v4  }
0x240: {  	v4 =	vor.u32 v4, v5  }
0x241: {  	v5 =	vperm.xlane v4, v1;
	_ =	sdelay $0x1  }
0x242: {  	v5 =	vadd.s32 v2, v5;
	_ =	sdelay $0x1  }
0x243: {  	v4 =	vperm.xlane v4, v3;
	_ =	sdelay $0x1  }
0x244: {  	s7 =	simm.s32 $0xC000;
	v4 =	vadd.s32 v2, v4  }
0x245: {  	[tilespmem:s7], [sflag:$0x4] =	stream.indirect_vreg.gather [hbm4b:s24+s1], $0x80, v5, vm0, $0xb8;
	[tilespmem:$0xD800] =	vst v63  }
0x246: {  	s19 =	simm.s32 $0xC800  }
0x247: {  	[tilespmem:s19], [sflag:$0x4] =	stream.indirect_vreg.gather [hbm4b:s31+s1], $0x80, v5, vm1, $0xb8;
	[tilespmem:$0xD800] =	vst v63  }
0x248: {  	s4 =	simm.s32 $0xCC00  }
0x249: {  	[tilespmem:s4], [sflag:$0x4] =	stream.indirect_vreg.gather [hbm4b:s24+s1], $0x80, v4, vm0, $0xb8;
	[tilespmem:$0xD800] =	vst v63  }
0x24a: {  	s23 =	simm.s32 $0xD400  }
0x24b: {  	[tilespmem:s23], [sflag:$0x4] =	stream.indirect_vreg.gather [hbm4b:s31+s1], $0x80, v4, vm1, $0xb8;
	[tilespmem:$0xD800] =	vst v63  }
0x24c: {  	_ =	swait.ge [sflag:s3], $0x3000  }
0x24d: {  	s4 =	sld [smem:$0x7FB]  }
0x24e: {  	[sflag:s3] =	ssyncset.done $0x0  }
0x24f: {  	[sflag:s3] =	ssyncadd.s32 $0xFFFFD000  }
0x250: {  	[hbm4b:s4+s1] =	stream.linear.scatter [tilespmem:s6], [sflag:$0x5], $0x3000, $0x38;
	[tilespmem:$0xD800] =	vst v63  }
0x251: {  	_ =	swait.ge [sflag:s20], $0x3000  }
0x252: {  	[sflag:s20] =	ssyncset.done $0x0  }
0x253: {  	[sflag:s20] =	ssyncadd.s32 $0xFFFFD000  }
0x254: {  	v4 =	vld [tilespmem:$0xE00];
	_ =	sdelay $0x4  }
0x255: {  	v5 =	vshrl.u32 v4, $0x3  }
0x256: {  	v5 =	vmul.u32 $0x18, v5  }
0x257: {  	v4 =	vand.u32 $0x7, v4  }
0x258: {  	v4 =	vor.u32 v4, v5  }
0x259: {  	v5 =	vperm.xlane v4, v1;
	_ =	sdelay $0x1  }
0x25a: {  	v5 =	vadd.s32 v2, v5;
	_ =	sdelay $0x1  }
0x25b: {  	v4 =	vperm.xlane v4, v3;
	_ =	sdelay $0x1  }
0x25c: {  	v4 =	vadd.s32 v2, v4  }
0x25d: {  	[tilespmem:s6], [sflag:$0x1] =	stream.indirect_vreg.gather [hbm4b:s24+s1], $0x80, v5, vm0, $0xb8;
	[tilespmem:$0xD800] =	vst v63  }
0x25e: {  	s4 =	simm.s32 $0x2000  }
0x25f: {  	[tilespmem:s4], [sflag:$0x1] =	stream.indirect_vreg.gather [hbm4b:s31+s1], $0x80, v5, vm1, $0xb8;
	[tilespmem:$0xD800] =	vst v63  }
0x260: {  	s16 =	simm.s32 $0x2400  }
0x261: {  	[tilespmem:s16], [sflag:$0x1] =	stream.indirect_vreg.gather [hbm4b:s24+s1], $0x80, v4, vm0, $0xb8;
	[tilespmem:$0xD800] =	vst v63  }
0x262: {  	s4 =	simm.s32 $0x2C00  }
0x263: {  	[tilespmem:s4], [sflag:$0x1] =	stream.indirect_vreg.gather [hbm4b:s31+s1], $0x80, v4, vm1, $0xb8;
	[tilespmem:$0xD800] =	vst v63  }
0x264: {  	v4 =	vld [tilespmem:$0xE10];
	_ =	sdelay $0x4  }
0x265: {  	v5 =	vshrl.u32 v4, $0x3  }
0x266: {  	v5 =	vmul.u32 $0x18, v5  }
0x267: {  	v4 =	vand.u32 $0x7, v4  }
0x268: {  	v4 =	vor.u32 v4, v5  }
0x269: {  	v5 =	vperm.xlane v4, v1;
	_ =	sdelay $0x1  }
0x26a: {  	v5 =	vadd.s32 v2, v5;
	_ =	sdelay $0x1  }
0x26b: {  	v4 =	vperm.xlane v4, v3;
	_ =	sdelay $0x1  }
0x26c: {  	s30 =	simm.s32 $0x3000;
	v4 =	vadd.s32 v2, v4  }
0x26d: {  	[tilespmem:s30], [sflag:$0x1] =	stream.indirect_vreg.gather [hbm4b:s24+s1], $0x80, v5, vm0, $0xb8;
	[tilespmem:$0xD800] =	vst v63  }
0x26e: {  	s17 =	simm.s32 $0x3800  }
0x26f: {  	[tilespmem:s17], [sflag:$0x1] =	stream.indirect_vreg.gather [hbm4b:s31+s1], $0x80, v5, vm1, $0xb8;
	[tilespmem:$0xD800] =	vst v63  }
0x270: {  	s4 =	simm.s32 $0x3C00  }
0x271: {  	[tilespmem:s4], [sflag:$0x1] =	stream.indirect_vreg.gather [hbm4b:s24+s1], $0x80, v4, vm0, $0xb8;
	[tilespmem:$0xD800] =	vst v63  }
0x272: {  	s4 =	simm.s32 $0x4400  }
0x273: {  	[tilespmem:s4], [sflag:$0x1] =	stream.indirect_vreg.gather [hbm4b:s31+s1], $0x80, v4, vm1, $0xb8;
	[tilespmem:$0xD800] =	vst v63  }
0x274: {  	_ =	swait.ge [sflag:s21], $0x3000  }
0x275: {  	s4 =	sld [smem:$0x7FC]  }
0x276: {  	[sflag:s21] =	ssyncset.done $0x0  }
0x277: {  	[sflag:s21] =	ssyncadd.s32 $0xFFFFD000  }
0x278: {  	[hbm4b:s4+s1] =	stream.linear.scatter [tilespmem:s5], [sflag:$0x6], $0x3000, $0x38;
	[tilespmem:$0xD800] =	vst v63  }
0x279: {  	_ =	swait.ge [sflag:s12], $0x3000  }
0x27a: {  	[sflag:s12] =	ssyncset.done $0x0  }
0x27b: {  	[sflag:s12] =	ssyncadd.s32 $0xFFFFD000  }
0x27c: {  	v4 =	vld [tilespmem:$0xE80];
	_ =	sdelay $0x4  }
0x27d: {  	v5 =	vshrl.u32 v4, $0x3  }
0x27e: {  	v5 =	vmul.u32 $0x18, v5  }
0x27f: {  	v4 =	vand.u32 $0x7, v4  }
0x280: {  	v4 =	vor.u32 v4, v5  }
0x281: {  	v5 =	vperm.xlane v4, v1;
	_ =	sdelay $0x1  }
0x282: {  	v5 =	vadd.s32 v2, v5;
	_ =	sdelay $0x1  }
0x283: {  	v4 =	vperm.xlane v4, v3;
	_ =	sdelay $0x1  }
0x284: {  	v4 =	vadd.s32 v2, v4  }
0x285: {  	[tilespmem:s5], [sflag:$0x2] =	stream.indirect_vreg.gather [hbm4b:s24+s1], $0x80, v5, vm0, $0xb8;
	[tilespmem:$0xD800] =	vst v63  }
0x286: {  	s4 =	simm.s32 $0x5000  }
0x287: {  	[tilespmem:s4], [sflag:$0x2] =	stream.indirect_vreg.gather [hbm4b:s31+s1], $0x80, v5, vm1, $0xb8;
	[tilespmem:$0xD800] =	vst v63  }
0x288: {  	s4 =	simm.s32 $0x5400  }
0x289: {  	[tilespmem:s4], [sflag:$0x2] =	stream.indirect_vreg.gather [hbm4b:s24+s1], $0x80, v4, vm0, $0xb8;
	[tilespmem:$0xD800] =	vst v63  }
0x28a: {  	s4 =	simm.s32 $0x5C00  }
0x28b: {  	[tilespmem:s4], [sflag:$0x2] =	stream.indirect_vreg.gather [hbm4b:s31+s1], $0x80, v4, vm1, $0xb8;
	[tilespmem:$0xD800] =	vst v63  }
0x28c: {  	v4 =	vld [tilespmem:$0xE90];
	_ =	sdelay $0x4  }
0x28d: {  	v5 =	vshrl.u32 v4, $0x3  }
0x28e: {  	v5 =	vmul.u32 $0x18, v5  }
0x28f: {  	v4 =	vand.u32 $0x7, v4  }
0x290: {  	v4 =	vor.u32 v4, v5  }
0x291: {  	v5 =	vperm.xlane v4, v1;
	_ =	sdelay $0x1  }
0x292: {  	v5 =	vadd.s32 v2, v5;
	_ =	sdelay $0x1  }
0x293: {  	v4 =	vperm.xlane v4, v3;
	_ =	sdelay $0x1  }
0x294: {  	s4 =	simm.s32 $0x6000;
	v4 =	vadd.s32 v2, v4  }
0x295: {  	[tilespmem:s4], [sflag:$0x2] =	stream.indirect_vreg.gather [hbm4b:s24+s1], $0x80, v5, vm0, $0xb8;
	[tilespmem:$0xD800] =	vst v63  }
0x296: {  	s4 =	simm.s32 $0x6800  }
0x297: {  	[tilespmem:s4], [sflag:$0x2] =	stream.indirect_vreg.gather [hbm4b:s31+s1], $0x80, v5, vm1, $0xb8;
	[tilespmem:$0xD800] =	vst v63  }
0x298: {  	s22 =	simm.s32 $0x6C00  }
0x299: {  	[tilespmem:s22], [sflag:$0x2] =	stream.indirect_vreg.gather [hbm4b:s24+s1], $0x80, v4, vm0, $0xb8;
	[tilespmem:$0xD800] =	vst v63  }
0x29a: {  	s29 =	simm.s32 $0x7400  }
0x29b: {  	[tilespmem:s29], [sflag:$0x2] =	stream.indirect_vreg.gather [hbm4b:s31+s1], $0x80, v4, vm1, $0xb8;
	[tilespmem:$0xD800] =	vst v63  }
0x29c: {  	_ =	swait.ge [sflag:s13], $0x3000  }
0x29d: {  	s4 =	sld [smem:$0x7FD]  }
0x29e: {  	[sflag:s13] =	ssyncset.done $0x0  }
0x29f: {  	[sflag:s13] =	ssyncadd.s32 $0xFFFFD000  }
0x2a0: {  	[hbm4b:s4+s1] =	stream.linear.scatter [tilespmem:s11], [sflag:$0x7], $0x3000, $0x38;
	[tilespmem:$0xD800] =	vst v63  }
0x2a1: {  	_ =	swait.ge [sflag:s25], $0x3000  }
0x2a2: {  	[sflag:s25] =	ssyncset.done $0x0  }
0x2a3: {  	[sflag:s25] =	ssyncadd.s32 $0xFFFFD000  }
0x2a4: {  	v4 =	vld [tilespmem:$0xF00];
	_ =	sdelay $0x4  }
0x2a5: {  	v5 =	vshrl.u32 v4, $0x3  }
0x2a6: {  	v5 =	vmul.u32 $0x18, v5  }
0x2a7: {  	v4 =	vand.u32 $0x7, v4  }
0x2a8: {  	v4 =	vor.u32 v4, v5  }
0x2a9: {  	v5 =	vperm.xlane v4, v1;
	_ =	sdelay $0x1  }
0x2aa: {  	v5 =	vadd.s32 v2, v5;
	_ =	sdelay $0x1  }
0x2ab: {  	v4 =	vperm.xlane v4, v3;
	_ =	sdelay $0x1  }
0x2ac: {  	v4 =	vadd.s32 v2, v4  }
0x2ad: {  	[tilespmem:s11], [sflag:$0x3] =	stream.indirect_vreg.gather [hbm4b:s24+s1], $0x80, v5, vm0, $0xb8;
	[tilespmem:$0xD800] =	vst v63  }
0x2ae: {  	s18 =	simm.s32 $0x8000  }
0x2af: {  	[tilespmem:s18], [sflag:$0x3] =	stream.indirect_vreg.gather [hbm4b:s31+s1], $0x80, v5, vm1, $0xb8;
	[tilespmem:$0xD800] =	vst v63  }
0x2b0: {  	s8 =	simm.s32 $0x8400  }
0x2b1: {  	[tilespmem:s8], [sflag:$0x3] =	stream.indirect_vreg.gather [hbm4b:s24+s1], $0x80, v4, vm0, $0xb8;
	[tilespmem:$0xD800] =	vst v63  }
0x2b2: {  	s4 =	simm.s32 $0x8C00  }
0x2b3: {  	[tilespmem:s4], [sflag:$0x3] =	stream.indirect_vreg.gather [hbm4b:s31+s1], $0x80, v4, vm1, $0xb8;
	[tilespmem:$0xD800] =	vst v63  }
0x2b4: {  	v4 =	vld [tilespmem:$0xF10];
	_ =	sdelay $0x4  }
0x2b5: {  	v5 =	vshrl.u32 v4, $0x3  }
0x2b6: {  	v5 =	vmul.u32 $0x18, v5  }
0x2b7: {  	v4 =	vand.u32 $0x7, v4  }
0x2b8: {  	v4 =	vor.u32 v4, v5  }
0x2b9: {  	v5 =	vperm.xlane v4, v1;
	_ =	sdelay $0x1  }
0x2ba: {  	v5 =	vadd.s32 v2, v5;
	_ =	sdelay $0x1  }
0x2bb: {  	v4 =	vperm.xlane v4, v3;
	_ =	sdelay $0x1  }
0x2bc: {  	s9 =	simm.s32 $0x9000;
	v4 =	vadd.s32 v2, v4  }
0x2bd: {  	[tilespmem:s9], [sflag:$0x3] =	stream.indirect_vreg.gather [hbm4b:s24+s1], $0x80, v5, vm0, $0xb8;
	[tilespmem:$0xD800] =	vst v63  }
0x2be: {  	s10 =	simm.s32 $0x9800  }
0x2bf: {  	[tilespmem:s10], [sflag:$0x3] =	stream.indirect_vreg.gather [hbm4b:s31+s1], $0x80, v5, vm1, $0xb8;
	[tilespmem:$0xD800] =	vst v63  }
0x2c0: {  	s14 =	simm.s32 $0x9C00  }
0x2c1: {  	[tilespmem:s14], [sflag:$0x3] =	stream.indirect_vreg.gather [hbm4b:s24+s1], $0x80, v4, vm0, $0xb8;
	[tilespmem:$0xD800] =	vst v63  }
0x2c2: {  	s4 =	simm.s32 $0xA400  }
0x2c3: {  	[tilespmem:s4], [sflag:$0x3] =	stream.indirect_vreg.gather [hbm4b:s31+s1], $0x80, v4, vm1, $0xb8;
	[tilespmem:$0xD800] =	vst v63  }
0x2c4: {  	_ =	swait.ge [sflag:s26], $0x3000  }
0x2c5: {  	[sflag:s26] =	ssyncset.done $0x0  }
0x2c6: {  	s4 =	rddreg [dreg:$0x6];
	[sflag:s26] =	ssyncadd.s32 $0xFFFFD000  }
0x2c7: {  	[hbm4b:s4+s1] =	stream.linear.scatter [tilespmem:s0], [sflag:$0x8], $0x3000, $0x38;
	[tilespmem:$0xD800] =	vst v63  }
0x2c8: {  	_ =	swait.ge [sflag:s28], $0x3000  }
0x2c9: {  	[sflag:s28] =	ssyncset.done $0x0  }
0x2ca: {  	[sflag:s28] =	ssyncadd.s32 $0xFFFFD000  }
0x2cb: {  	v4 =	vld [tilespmem:$0xF80];
	_ =	sdelay $0x4  }
0x2cc: {  	v5 =	vshrl.u32 v4, $0x3  }
0x2cd: {  	v5 =	vmul.u32 $0x18, v5  }
0x2ce: {  	v4 =	vand.u32 $0x7, v4  }
0x2cf: {  	v4 =	vor.u32 v4, v5  }
0x2d0: {  	v5 =	vperm.xlane v4, v1;
	_ =	sdelay $0x1  }
0x2d1: {  	v5 =	vadd.s32 v2, v5;
	_ =	sdelay $0x1  }
0x2d2: {  	v4 =	vperm.xlane v4, v3;
	_ =	sdelay $0x1  }
0x2d3: {  	v4 =	vadd.s32 v2, v4  }
0x2d4: {  	[tilespmem:s0], [sflag:$0x4] =	stream.indirect_vreg.gather [hbm4b:s24+s1], $0x80, v5, vm0, $0xb8;
	[tilespmem:$0xD800] =	vst v63  }
0x2d5: {  	s2 =	simm.s32 $0xB000  }
0x2d6: {  	[tilespmem:s2], [sflag:$0x4] =	stream.indirect_vreg.gather [hbm4b:s31+s1], $0x80, v5, vm1, $0xb8;
	[tilespmem:$0xD800] =	vst v63  }
0x2d7: {  	s15 =	simm.s32 $0xB400  }
0x2d8: {  	[tilespmem:s15], [sflag:$0x4] =	stream.indirect_vreg.gather [hbm4b:s24+s1], $0x80, v4, vm0, $0xb8;
	[tilespmem:$0xD800] =	vst v63  }
0x2d9: {  	s4 =	simm.s32 $0xBC00  }
0x2da: {  	[tilespmem:s4], [sflag:$0x4] =	stream.indirect_vreg.gather [hbm4b:s31+s1], $0x80, v4, vm1, $0xb8;
	[tilespmem:$0xD800] =	vst v63  }
0x2db: {  	v4 =	vld [tilespmem:$0xF90];
	_ =	sdelay $0x4  }
0x2dc: {  	v5 =	vshrl.u32 v4, $0x3  }
0x2dd: {  	v5 =	vmul.u32 $0x18, v5  }
0x2de: {  	v4 =	vand.u32 $0x7, v4  }
0x2df: {  	v4 =	vor.u32 v4, v5  }
0x2e0: {  	v5 =	vperm.xlane v4, v1;
	_ =	sdelay $0x1  }
0x2e1: {  	v5 =	vadd.s32 v2, v5;
	_ =	sdelay $0x1  }
0x2e2: {  	v4 =	vperm.xlane v4, v3;
	_ =	sdelay $0x1  }
0x2e3: {  	s7 =	simm.s32 $0xC000;
	v4 =	vadd.s32 v2, v4  }
0x2e4: {  	[tilespmem:s7], [sflag:$0x4] =	stream.indirect_vreg.gather [hbm4b:s24+s1], $0x80, v5, vm0, $0xb8;
	[tilespmem:$0xD800] =	vst v63  }
0x2e5: {  	s19 =	simm.s32 $0xC800  }
0x2e6: {  	[tilespmem:s19], [sflag:$0x4] =	stream.indirect_vreg.gather [hbm4b:s31+s1], $0x80, v5, vm1, $0xb8;
	[tilespmem:$0xD800] =	vst v63  }
0x2e7: {  	s4 =	simm.s32 $0xCC00  }
0x2e8: {  	[tilespmem:s4], [sflag:$0x4] =	stream.indirect_vreg.gather [hbm4b:s24+s1], $0x80, v4, vm0, $0xb8;
	[tilespmem:$0xD800] =	vst v63  }
0x2e9: {  	s23 =	simm.s32 $0xD400  }
0x2ea: {  	[tilespmem:s23], [sflag:$0x4] =	stream.indirect_vreg.gather [hbm4b:s31+s1], $0x80, v4, vm1, $0xb8;
	[tilespmem:$0xD800] =	vst v63  }
0x2eb: {  	_ =	swait.ge [sflag:s3], $0x3000  }
0x2ec: {  	[sflag:s3] =	ssyncset.done $0x0  }
0x2ed: {  	s4 =	rddreg [dreg:$0x7];
	[sflag:s3] =	ssyncadd.s32 $0xFFFFD000  }
0x2ee: {  	[hbm4b:s4+s1] =	stream.linear.scatter [tilespmem:s6], [sflag:$0x5], $0x3000, $0x38;
	[tilespmem:$0xD800] =	vst v63  }
0x2ef: {  	_ =	swait.ge [sflag:s20], $0x3000  }
0x2f0: {  	[sflag:s20] =	ssyncset.done $0x0  }
0x2f1: {  	[sflag:s20] =	ssyncadd.s32 $0xFFFFD000  }
0x2f2: {  	v4 =	vld [tilespmem:$0x1000];
	_ =	sdelay $0x4  }
0x2f3: {  	v5 =	vshrl.u32 v4, $0x3  }
0x2f4: {  	v5 =	vmul.u32 $0x18, v5  }
0x2f5: {  	v4 =	vand.u32 $0x7, v4  }
0x2f6: {  	v4 =	vor.u32 v4, v5  }
0x2f7: {  	v5 =	vperm.xlane v4, v1;
	_ =	sdelay $0x1  }
0x2f8: {  	v5 =	vadd.s32 v2, v5;
	_ =	sdelay $0x1  }
0x2f9: {  	v4 =	vperm.xlane v4, v3;
	_ =	sdelay $0x1  }
0x2fa: {  	v4 =	vadd.s32 v2, v4  }
0x2fb: {  	[tilespmem:s6], [sflag:$0x1] =	stream.indirect_vreg.gather [hbm4b:s24+s1], $0x80, v5, vm0, $0xb8;
	[tilespmem:$0xD800] =	vst v63  }
0x2fc: {  	s4 =	simm.s32 $0x2000  }
0x2fd: {  	[tilespmem:s4], [sflag:$0x1] =	stream.indirect_vreg.gather [hbm4b:s31+s1], $0x80, v5, vm1, $0xb8;
	[tilespmem:$0xD800] =	vst v63  }
0x2fe: {  	s16 =	simm.s32 $0x2400  }
0x2ff: {  	[tilespmem:s16], [sflag:$0x1] =	stream.indirect_vreg.gather [hbm4b:s24+s1], $0x80, v4, vm0, $0xb8;
	[tilespmem:$0xD800] =	vst v63  }
0x300: {  	s4 =	simm.s32 $0x2C00  }
0x301: {  	[tilespmem:s4], [sflag:$0x1] =	stream.indirect_vreg.gather [hbm4b:s31+s1], $0x80, v4, vm1, $0xb8;
	[tilespmem:$0xD800] =	vst v63  }
0x302: {  	v4 =	vld [tilespmem:$0x1010];
	_ =	sdelay $0x4  }
0x303: {  	v5 =	vshrl.u32 v4, $0x3  }
0x304: {  	v5 =	vmul.u32 $0x18, v5  }
0x305: {  	v4 =	vand.u32 $0x7, v4  }
0x306: {  	v4 =	vor.u32 v4, v5  }
0x307: {  	v5 =	vperm.xlane v4, v1;
	_ =	sdelay $0x1  }
0x308: {  	v5 =	vadd.s32 v2, v5;
	_ =	sdelay $0x1  }
0x309: {  	v4 =	vperm.xlane v4, v3;
	_ =	sdelay $0x1  }
0x30a: {  	s30 =	simm.s32 $0x3000;
	v4 =	vadd.s32 v2, v4  }
0x30b: {  	[tilespmem:s30], [sflag:$0x1] =	stream.indirect_vreg.gather [hbm4b:s24+s1], $0x80, v5, vm0, $0xb8;
	[tilespmem:$0xD800] =	vst v63  }
0x30c: {  	s17 =	simm.s32 $0x3800  }
0x30d: {  	[tilespmem:s17], [sflag:$0x1] =	stream.indirect_vreg.gather [hbm4b:s31+s1], $0x80, v5, vm1, $0xb8;
	[tilespmem:$0xD800] =	vst v63  }
0x30e: {  	s4 =	simm.s32 $0x3C00  }
0x30f: {  	[tilespmem:s4], [sflag:$0x1] =	stream.indirect_vreg.gather [hbm4b:s24+s1], $0x80, v4, vm0, $0xb8;
	[tilespmem:$0xD800] =	vst v63  }
0x310: {  	s4 =	simm.s32 $0x4400  }
0x311: {  	[tilespmem:s4], [sflag:$0x1] =	stream.indirect_vreg.gather [hbm4b:s31+s1], $0x80, v4, vm1, $0xb8;
	[tilespmem:$0xD800] =	vst v63  }
0x312: {  	_ =	swait.ge [sflag:s21], $0x3000  }
0x313: {  	[sflag:s21] =	ssyncset.done $0x0  }
0x314: {  	s4 =	rddreg [dreg:$0x8];
	[sflag:s21] =	ssyncadd.s32 $0xFFFFD000  }
0x315: {  	[hbm4b:s4+s1] =	stream.linear.scatter [tilespmem:s5], [sflag:$0x6], $0x3000, $0x38;
	[tilespmem:$0xD800] =	vst v63  }
0x316: {  	_ =	swait.ge [sflag:s12], $0x3000  }
0x317: {  	[sflag:s12] =	ssyncset.done $0x0  }
0x318: {  	[sflag:s12] =	ssyncadd.s32 $0xFFFFD000  }
0x319: {  	v4 =	vld [tilespmem:$0x1080];
	_ =	sdelay $0x4  }
0x31a: {  	v5 =	vshrl.u32 v4, $0x3  }
0x31b: {  	v5 =	vmul.u32 $0x18, v5  }
0x31c: {  	v4 =	vand.u32 $0x7, v4  }
0x31d: {  	v4 =	vor.u32 v4, v5  }
0x31e: {  	v5 =	vperm.xlane v4, v1;
	_ =	sdelay $0x1  }
0x31f: {  	v5 =	vadd.s32 v2, v5;
	_ =	sdelay $0x1  }
0x320: {  	v4 =	vperm.xlane v4, v3;
	_ =	sdelay $0x1  }
0x321: {  	v4 =	vadd.s32 v2, v4  }
0x322: {  	[tilespmem:s5], [sflag:$0x2] =	stream.indirect_vreg.gather [hbm4b:s24+s1], $0x80, v5, vm0, $0xb8;
	[tilespmem:$0xD800] =	vst v63  }
0x323: {  	s4 =	simm.s32 $0x5000  }
0x324: {  	[tilespmem:s4], [sflag:$0x2] =	stream.indirect_vreg.gather [hbm4b:s31+s1], $0x80, v5, vm1, $0xb8;
	[tilespmem:$0xD800] =	vst v63  }
0x325: {  	s4 =	simm.s32 $0x5400  }
0x326: {  	[tilespmem:s4], [sflag:$0x2] =	stream.indirect_vreg.gather [hbm4b:s24+s1], $0x80, v4, vm0, $0xb8;
	[tilespmem:$0xD800] =	vst v63  }
0x327: {  	s4 =	simm.s32 $0x5C00  }
0x328: {  	[tilespmem:s4], [sflag:$0x2] =	stream.indirect_vreg.gather [hbm4b:s31+s1], $0x80, v4, vm1, $0xb8;
	[tilespmem:$0xD800] =	vst v63  }
0x329: {  	v4 =	vld [tilespmem:$0x1090];
	_ =	sdelay $0x4  }
0x32a: {  	v5 =	vshrl.u32 v4, $0x3  }
0x32b: {  	v5 =	vmul.u32 $0x18, v5  }
0x32c: {  	v4 =	vand.u32 $0x7, v4  }
0x32d: {  	v4 =	vor.u32 v4, v5  }
0x32e: {  	v5 =	vperm.xlane v4, v1;
	_ =	sdelay $0x1  }
0x32f: {  	v5 =	vadd.s32 v2, v5;
	_ =	sdelay $0x1  }
0x330: {  	v4 =	vperm.xlane v4, v3;
	_ =	sdelay $0x1  }
0x331: {  	s4 =	simm.s32 $0x6000;
	v4 =	vadd.s32 v2, v4  }
0x332: {  	[tilespmem:s4], [sflag:$0x2] =	stream.indirect_vreg.gather [hbm4b:s24+s1], $0x80, v5, vm0, $0xb8;
	[tilespmem:$0xD800] =	vst v63  }
0x333: {  	s4 =	simm.s32 $0x6800  }
0x334: {  	[tilespmem:s4], [sflag:$0x2] =	stream.indirect_vreg.gather [hbm4b:s31+s1], $0x80, v5, vm1, $0xb8;
	[tilespmem:$0xD800] =	vst v63  }
0x335: {  	s22 =	simm.s32 $0x6C00  }
0x336: {  	[tilespmem:s22], [sflag:$0x2] =	stream.indirect_vreg.gather [hbm4b:s24+s1], $0x80, v4, vm0, $0xb8;
	[tilespmem:$0xD800] =	vst v63  }
0x337: {  	s29 =	simm.s32 $0x7400  }
0x338: {  	[tilespmem:s29], [sflag:$0x2] =	stream.indirect_vreg.gather [hbm4b:s31+s1], $0x80, v4, vm1, $0xb8;
	[tilespmem:$0xD800] =	vst v63  }
0x339: {  	_ =	swait.ge [sflag:s13], $0x3000  }
0x33a: {  	[sflag:s13] =	ssyncset.done $0x0  }
0x33b: {  	s4 =	rddreg [dreg:$0x9];
	[sflag:s13] =	ssyncadd.s32 $0xFFFFD000  }
0x33c: {  	[hbm4b:s4+s1] =	stream.linear.scatter [tilespmem:s11], [sflag:$0x7], $0x3000, $0x38;
	[tilespmem:$0xD800] =	vst v63  }
0x33d: {  	_ =	swait.ge [sflag:s25], $0x3000  }
0x33e: {  	[sflag:s25] =	ssyncset.done $0x0  }
0x33f: {  	[sflag:s25] =	ssyncadd.s32 $0xFFFFD000  }
0x340: {  	v4 =	vld [tilespmem:$0x1100];
	_ =	sdelay $0x4  }
0x341: {  	v5 =	vshrl.u32 v4, $0x3  }
0x342: {  	v5 =	vmul.u32 $0x18, v5  }
0x343: {  	v4 =	vand.u32 $0x7, v4  }
0x344: {  	v4 =	vor.u32 v4, v5  }
0x345: {  	v5 =	vperm.xlane v4, v1;
	_ =	sdelay $0x1  }
0x346: {  	v5 =	vadd.s32 v2, v5;
	_ =	sdelay $0x1  }
0x347: {  	v4 =	vperm.xlane v4, v3;
	_ =	sdelay $0x1  }
0x348: {  	v4 =	vadd.s32 v2, v4  }
0x349: {  	[tilespmem:s11], [sflag:$0x3] =	stream.indirect_vreg.gather [hbm4b:s24+s1], $0x80, v5, vm0, $0xb8;
	[tilespmem:$0xD800] =	vst v63  }
0x34a: {  	s18 =	simm.s32 $0x8000  }
0x34b: {  	[tilespmem:s18], [sflag:$0x3] =	stream.indirect_vreg.gather [hbm4b:s31+s1], $0x80, v5, vm1, $0xb8;
	[tilespmem:$0xD800] =	vst v63  }
0x34c: {  	s8 =	simm.s32 $0x8400  }
0x34d: {  	[tilespmem:s8], [sflag:$0x3] =	stream.indirect_vreg.gather [hbm4b:s24+s1], $0x80, v4, vm0, $0xb8;
	[tilespmem:$0xD800] =	vst v63  }
0x34e: {  	s4 =	simm.s32 $0x8C00  }
0x34f: {  	[tilespmem:s4], [sflag:$0x3] =	stream.indirect_vreg.gather [hbm4b:s31+s1], $0x80, v4, vm1, $0xb8;
	[tilespmem:$0xD800] =	vst v63  }
0x350: {  	v4 =	vld [tilespmem:$0x1110];
	_ =	sdelay $0x4  }
0x351: {  	v5 =	vshrl.u32 v4, $0x3  }
0x352: {  	v5 =	vmul.u32 $0x18, v5  }
0x353: {  	v4 =	vand.u32 $0x7, v4  }
0x354: {  	v4 =	vor.u32 v4, v5  }
0x355: {  	v5 =	vperm.xlane v4, v1;
	_ =	sdelay $0x1  }
0x356: {  	v5 =	vadd.s32 v2, v5;
	_ =	sdelay $0x1  }
0x357: {  	v4 =	vperm.xlane v4, v3;
	_ =	sdelay $0x1  }
0x358: {  	s9 =	simm.s32 $0x9000;
	v4 =	vadd.s32 v2, v4  }
0x359: {  	[tilespmem:s9], [sflag:$0x3] =	stream.indirect_vreg.gather [hbm4b:s24+s1], $0x80, v5, vm0, $0xb8;
	[tilespmem:$0xD800] =	vst v63  }
0x35a: {  	s10 =	simm.s32 $0x9800  }
0x35b: {  	[tilespmem:s10], [sflag:$0x3] =	stream.indirect_vreg.gather [hbm4b:s31+s1], $0x80, v5, vm1, $0xb8;
	[tilespmem:$0xD800] =	vst v63  }
0x35c: {  	s14 =	simm.s32 $0x9C00  }
0x35d: {  	[tilespmem:s14], [sflag:$0x3] =	stream.indirect_vreg.gather [hbm4b:s24+s1], $0x80, v4, vm0, $0xb8;
	[tilespmem:$0xD800] =	vst v63  }
0x35e: {  	s4 =	simm.s32 $0xA400  }
0x35f: {  	[tilespmem:s4], [sflag:$0x3] =	stream.indirect_vreg.gather [hbm4b:s31+s1], $0x80, v4, vm1, $0xb8;
	[tilespmem:$0xD800] =	vst v63  }
0x360: {  	_ =	swait.ge [sflag:s26], $0x3000  }
0x361: {  	[sflag:s26] =	ssyncset.done $0x0  }
0x362: {  	s4 =	rddreg [dreg:$0xa];
	[sflag:s26] =	ssyncadd.s32 $0xFFFFD000  }
0x363: {  	[hbm4b:s4+s1] =	stream.linear.scatter [tilespmem:s0], [sflag:$0x8], $0x3000, $0x38;
	[tilespmem:$0xD800] =	vst v63  }
0x364: {  	_ =	swait.ge [sflag:s28], $0x3000  }
0x365: {  	[sflag:s28] =	ssyncset.done $0x0  }
0x366: {  	[sflag:s28] =	ssyncadd.s32 $0xFFFFD000  }
0x367: {  	v4 =	vld [tilespmem:$0x1180];
	_ =	sdelay $0x4  }
0x368: {  	v5 =	vshrl.u32 v4, $0x3  }
0x369: {  	v5 =	vmul.u32 $0x18, v5  }
0x36a: {  	v4 =	vand.u32 $0x7, v4  }
0x36b: {  	v4 =	vor.u32 v4, v5  }
0x36c: {  	v5 =	vperm.xlane v4, v1;
	_ =	sdelay $0x1  }
0x36d: {  	v5 =	vadd.s32 v2, v5;
	_ =	sdelay $0x1  }
0x36e: {  	v4 =	vperm.xlane v4, v3;
	_ =	sdelay $0x1  }
0x36f: {  	v4 =	vadd.s32 v2, v4  }
0x370: {  	[tilespmem:s0], [sflag:$0x4] =	stream.indirect_vreg.gather [hbm4b:s24+s1], $0x80, v5, vm0, $0xb8;
	[tilespmem:$0xD800] =	vst v63  }
0x371: {  	s2 =	simm.s32 $0xB000  }
0x372: {  	[tilespmem:s2], [sflag:$0x4] =	stream.indirect_vreg.gather [hbm4b:s31+s1], $0x80, v5, vm1, $0xb8;
	[tilespmem:$0xD800] =	vst v63  }
0x373: {  	s15 =	simm.s32 $0xB400  }
0x374: {  	[tilespmem:s15], [sflag:$0x4] =	stream.indirect_vreg.gather [hbm4b:s24+s1], $0x80, v4, vm0, $0xb8;
	[tilespmem:$0xD800] =	vst v63  }
0x375: {  	s4 =	simm.s32 $0xBC00  }
0x376: {  	[tilespmem:s4], [sflag:$0x4] =	stream.indirect_vreg.gather [hbm4b:s31+s1], $0x80, v4, vm1, $0xb8;
	[tilespmem:$0xD800] =	vst v63  }
0x377: {  	v4 =	vld [tilespmem:$0x1190];
	_ =	sdelay $0x4  }
0x378: {  	v5 =	vshrl.u32 v4, $0x3  }
0x379: {  	v5 =	vmul.u32 $0x18, v5  }
0x37a: {  	v4 =	vand.u32 $0x7, v4  }
0x37b: {  	v4 =	vor.u32 v4, v5  }
0x37c: {  	v5 =	vperm.xlane v4, v1;
	_ =	sdelay $0x1  }
0x37d: {  	v5 =	vadd.s32 v2, v5;
	_ =	sdelay $0x1  }
0x37e: {  	v4 =	vperm.xlane v4, v3;
	_ =	sdelay $0x1  }
0x37f: {  	s7 =	simm.s32 $0xC000;
	v4 =	vadd.s32 v2, v4  }
0x380: {  	[tilespmem:s7], [sflag:$0x4] =	stream.indirect_vreg.gather [hbm4b:s24+s1], $0x80, v5, vm0, $0xb8;
	[tilespmem:$0xD800] =	vst v63  }
0x381: {  	s19 =	simm.s32 $0xC800  }
0x382: {  	[tilespmem:s19], [sflag:$0x4] =	stream.indirect_vreg.gather [hbm4b:s31+s1], $0x80, v5, vm1, $0xb8;
	[tilespmem:$0xD800] =	vst v63  }
0x383: {  	s4 =	simm.s32 $0xCC00  }
0x384: {  	[tilespmem:s4], [sflag:$0x4] =	stream.indirect_vreg.gather [hbm4b:s24+s1], $0x80, v4, vm0, $0xb8;
	[tilespmem:$0xD800] =	vst v63  }
0x385: {  	s23 =	simm.s32 $0xD400  }
0x386: {  	[tilespmem:s23], [sflag:$0x4] =	stream.indirect_vreg.gather [hbm4b:s31+s1], $0x80, v4, vm1, $0xb8;
	[tilespmem:$0xD800] =	vst v63  }
0x387: {  	_ =	swait.ge [sflag:s3], $0x3000  }
0x388: {  	[sflag:s3] =	ssyncset.done $0x0  }
0x389: {  	s4 =	rddreg [dreg:$0xb];
	[sflag:s3] =	ssyncadd.s32 $0xFFFFD000  }
0x38a: {  	[hbm4b:s4+s1] =	stream.linear.scatter [tilespmem:s6], [sflag:$0x5], $0x3000, $0x38;
	[tilespmem:$0xD800] =	vst v63  }
0x38b: {  	_ =	swait.ge [sflag:s20], $0x3000  }
0x38c: {  	[sflag:s20] =	ssyncset.done $0x0  }
0x38d: {  	[sflag:s20] =	ssyncadd.s32 $0xFFFFD000  }
0x38e: {  	v4 =	vld [tilespmem:$0x1200];
	_ =	sdelay $0x4  }
0x38f: {  	v5 =	vshrl.u32 v4, $0x3  }
0x390: {  	v5 =	vmul.u32 $0x18, v5  }
0x391: {  	v4 =	vand.u32 $0x7, v4  }
0x392: {  	v4 =	vor.u32 v4, v5  }
0x393: {  	v5 =	vperm.xlane v4, v1;
	_ =	sdelay $0x1  }
0x394: {  	v5 =	vadd.s32 v2, v5;
	_ =	sdelay $0x1  }
0x395: {  	v4 =	vperm.xlane v4, v3;
	_ =	sdelay $0x1  }
0x396: {  	v4 =	vadd.s32 v2, v4  }
0x397: {  	[tilespmem:s6], [sflag:$0x1] =	stream.indirect_vreg.gather [hbm4b:s24+s1], $0x80, v5, vm0, $0xb8;
	[tilespmem:$0xD800] =	vst v63  }
0x398: {  	s4 =	simm.s32 $0x2000  }
0x399: {  	[tilespmem:s4], [sflag:$0x1] =	stream.indirect_vreg.gather [hbm4b:s31+s1], $0x80, v5, vm1, $0xb8;
	[tilespmem:$0xD800] =	vst v63  }
0x39a: {  	s16 =	simm.s32 $0x2400  }
0x39b: {  	[tilespmem:s16], [sflag:$0x1] =	stream.indirect_vreg.gather [hbm4b:s24+s1], $0x80, v4, vm0, $0xb8;
	[tilespmem:$0xD800] =	vst v63  }
0x39c: {  	s4 =	simm.s32 $0x2C00  }
0x39d: {  	[tilespmem:s4], [sflag:$0x1] =	stream.indirect_vreg.gather [hbm4b:s31+s1], $0x80, v4, vm1, $0xb8;
	[tilespmem:$0xD800] =	vst v63  }
0x39e: {  	v4 =	vld [tilespmem:$0x1210];
	_ =	sdelay $0x4  }
0x39f: {  	v5 =	vshrl.u32 v4, $0x3  }
0x3a0: {  	v5 =	vmul.u32 $0x18, v5  }
0x3a1: {  	v4 =	vand.u32 $0x7, v4  }
0x3a2: {  	v4 =	vor.u32 v4, v5  }
0x3a3: {  	v5 =	vperm.xlane v4, v1;
	_ =	sdelay $0x1  }
0x3a4: {  	v5 =	vadd.s32 v2, v5;
	_ =	sdelay $0x1  }
0x3a5: {  	v4 =	vperm.xlane v4, v3;
	_ =	sdelay $0x1  }
0x3a6: {  	s30 =	simm.s32 $0x3000;
	v4 =	vadd.s32 v2, v4  }
0x3a7: {  	[tilespmem:s30], [sflag:$0x1] =	stream.indirect_vreg.gather [hbm4b:s24+s1], $0x80, v5, vm0, $0xb8;
	[tilespmem:$0xD800] =	vst v63  }
0x3a8: {  	s17 =	simm.s32 $0x3800  }
0x3a9: {  	[tilespmem:s17], [sflag:$0x1] =	stream.indirect_vreg.gather [hbm4b:s31+s1], $0x80, v5, vm1, $0xb8;
	[tilespmem:$0xD800] =	vst v63  }
0x3aa: {  	s4 =	simm.s32 $0x3C00  }
0x3ab: {  	[tilespmem:s4], [sflag:$0x1] =	stream.indirect_vreg.gather [hbm4b:s24+s1], $0x80, v4, vm0, $0xb8;
	[tilespmem:$0xD800] =	vst v63  }
0x3ac: {  	s4 =	simm.s32 $0x4400  }
0x3ad: {  	[tilespmem:s4], [sflag:$0x1] =	stream.indirect_vreg.gather [hbm4b:s31+s1], $0x80, v4, vm1, $0xb8;
	[tilespmem:$0xD800] =	vst v63  }
0x3ae: {  	_ =	swait.ge [sflag:s21], $0x3000  }
0x3af: {  	[sflag:s21] =	ssyncset.done $0x0  }
0x3b0: {  	s4 =	rddreg [dreg:$0xc];
	[sflag:s21] =	ssyncadd.s32 $0xFFFFD000  }
0x3b1: {  	[hbm4b:s4+s1] =	stream.linear.scatter [tilespmem:s5], [sflag:$0x6], $0x3000, $0x38;
	[tilespmem:$0xD800] =	vst v63  }
0x3b2: {  	_ =	swait.ge [sflag:s12], $0x3000  }
0x3b3: {  	[sflag:s12] =	ssyncset.done $0x0  }
0x3b4: {  	[sflag:s12] =	ssyncadd.s32 $0xFFFFD000  }
0x3b5: {  	v4 =	vld [tilespmem:$0x1280];
	_ =	sdelay $0x4  }
0x3b6: {  	v5 =	vshrl.u32 v4, $0x3  }
0x3b7: {  	v5 =	vmul.u32 $0x18, v5  }
0x3b8: {  	v4 =	vand.u32 $0x7, v4  }
0x3b9: {  	v4 =	vor.u32 v4, v5  }
0x3ba: {  	v5 =	vperm.xlane v4, v1;
	_ =	sdelay $0x1  }
0x3bb: {  	v5 =	vadd.s32 v2, v5;
	_ =	sdelay $0x1  }
0x3bc: {  	v4 =	vperm.xlane v4, v3;
	_ =	sdelay $0x1  }
0x3bd: {  	v4 =	vadd.s32 v2, v4  }
0x3be: {  	[tilespmem:s5], [sflag:$0x2] =	stream.indirect_vreg.gather [hbm4b:s24+s1], $0x80, v5, vm0, $0xb8;
	[tilespmem:$0xD800] =	vst v63  }
0x3bf: {  	s4 =	simm.s32 $0x5000  }
0x3c0: {  	[tilespmem:s4], [sflag:$0x2] =	stream.indirect_vreg.gather [hbm4b:s31+s1], $0x80, v5, vm1, $0xb8;
	[tilespmem:$0xD800] =	vst v63  }
0x3c1: {  	s4 =	simm.s32 $0x5400  }
0x3c2: {  	[tilespmem:s4], [sflag:$0x2] =	stream.indirect_vreg.gather [hbm4b:s24+s1], $0x80, v4, vm0, $0xb8;
	[tilespmem:$0xD800] =	vst v63  }
0x3c3: {  	s4 =	simm.s32 $0x5C00  }
0x3c4: {  	[tilespmem:s4], [sflag:$0x2] =	stream.indirect_vreg.gather [hbm4b:s31+s1], $0x80, v4, vm1, $0xb8;
	[tilespmem:$0xD800] =	vst v63  }
0x3c5: {  	v4 =	vld [tilespmem:$0x1290];
	_ =	sdelay $0x4  }
0x3c6: {  	v5 =	vshrl.u32 v4, $0x3  }
0x3c7: {  	v5 =	vmul.u32 $0x18, v5  }
0x3c8: {  	v4 =	vand.u32 $0x7, v4  }
0x3c9: {  	v4 =	vor.u32 v4, v5  }
0x3ca: {  	v5 =	vperm.xlane v4, v1;
	_ =	sdelay $0x1  }
0x3cb: {  	v5 =	vadd.s32 v2, v5;
	_ =	sdelay $0x1  }
0x3cc: {  	v4 =	vperm.xlane v4, v3;
	_ =	sdelay $0x1  }
0x3cd: {  	s4 =	simm.s32 $0x6000;
	v4 =	vadd.s32 v2, v4  }
0x3ce: {  	[tilespmem:s4], [sflag:$0x2] =	stream.indirect_vreg.gather [hbm4b:s24+s1], $0x80, v5, vm0, $0xb8;
	[tilespmem:$0xD800] =	vst v63  }
0x3cf: {  	s4 =	simm.s32 $0x6800  }
0x3d0: {  	[tilespmem:s4], [sflag:$0x2] =	stream.indirect_vreg.gather [hbm4b:s31+s1], $0x80, v5, vm1, $0xb8;
	[tilespmem:$0xD800] =	vst v63  }
0x3d1: {  	s22 =	simm.s32 $0x6C00  }
0x3d2: {  	[tilespmem:s22], [sflag:$0x2] =	stream.indirect_vreg.gather [hbm4b:s24+s1], $0x80, v4, vm0, $0xb8;
	[tilespmem:$0xD800] =	vst v63  }
0x3d3: {  	s29 =	simm.s32 $0x7400  }
0x3d4: {  	[tilespmem:s29], [sflag:$0x2] =	stream.indirect_vreg.gather [hbm4b:s31+s1], $0x80, v4, vm1, $0xb8;
	[tilespmem:$0xD800] =	vst v63  }
0x3d5: {  	_ =	swait.ge [sflag:s13], $0x3000  }
0x3d6: {  	[sflag:s13] =	ssyncset.done $0x0  }
0x3d7: {  	s22 =	rddreg [dreg:$0xd];
	[sflag:s13] =	ssyncadd.s32 $0xFFFFD000  }
0x3d8: {  	[hbm4b:s22+s1] =	stream.linear.scatter [tilespmem:s11], [sflag:$0x7], $0x3000, $0x38;
	[tilespmem:$0xD800] =	vst v63  }
0x3d9: {  	_ =	swait.ge [sflag:s25], $0x3000  }
0x3da: {  	[sflag:s25] =	ssyncset.done $0x0  }
0x3db: {  	[sflag:s25] =	ssyncadd.s32 $0xFFFFD000  }
0x3dc: {  	v4 =	vld [tilespmem:$0x1300];
	_ =	sdelay $0x4  }
0x3dd: {  	v5 =	vshrl.u32 v4, $0x3  }
0x3de: {  	v5 =	vmul.u32 $0x18, v5  }
0x3df: {  	v4 =	vand.u32 $0x7, v4  }
0x3e0: {  	v4 =	vor.u32 v4, v5  }
0x3e1: {  	v5 =	vperm.xlane v4, v1;
	_ =	sdelay $0x1  }
0x3e2: {  	v5 =	vadd.s32 v2, v5;
	_ =	sdelay $0x1  }
0x3e3: {  	v4 =	vperm.xlane v4, v3;
	_ =	sdelay $0x1  }
0x3e4: {  	v4 =	vadd.s32 v2, v4  }
0x3e5: {  	[tilespmem:s11], [sflag:$0x3] =	stream.indirect_vreg.gather [hbm4b:s24+s1], $0x80, v5, vm0, $0xb8;
	[tilespmem:$0xD800] =	vst v63  }
0x3e6: {  	s18 =	simm.s32 $0x8000  }
0x3e7: {  	[tilespmem:s18], [sflag:$0x3] =	stream.indirect_vreg.gather [hbm4b:s31+s1], $0x80, v5, vm1, $0xb8;
	[tilespmem:$0xD800] =	vst v63  }
0x3e8: {  	s8 =	simm.s32 $0x8400  }
0x3e9: {  	[tilespmem:s8], [sflag:$0x3] =	stream.indirect_vreg.gather [hbm4b:s24+s1], $0x80, v4, vm0, $0xb8;
	[tilespmem:$0xD800] =	vst v63  }
0x3ea: {  	s29 =	simm.s32 $0x8C00  }
0x3eb: {  	[tilespmem:s29], [sflag:$0x3] =	stream.indirect_vreg.gather [hbm4b:s31+s1], $0x80, v4, vm1, $0xb8;
	[tilespmem:$0xD800] =	vst v63  }
0x3ec: {  	v4 =	vld [tilespmem:$0x1310];
	_ =	sdelay $0x4  }
0x3ed: {  	v5 =	vshrl.u32 v4, $0x3  }
0x3ee: {  	v5 =	vmul.u32 $0x18, v5  }
0x3ef: {  	v4 =	vand.u32 $0x7, v4  }
0x3f0: {  	v4 =	vor.u32 v4, v5  }
0x3f1: {  	v5 =	vperm.xlane v4, v1;
	_ =	sdelay $0x1  }
0x3f2: {  	v5 =	vadd.s32 v2, v5;
	_ =	sdelay $0x1  }
0x3f3: {  	v4 =	vperm.xlane v4, v3;
	_ =	sdelay $0x1  }
0x3f4: {  	s9 =	simm.s32 $0x9000;
	v4 =	vadd.s32 v2, v4  }
0x3f5: {  	[tilespmem:s9], [sflag:$0x3] =	stream.indirect_vreg.gather [hbm4b:s24+s1], $0x80, v5, vm0, $0xb8;
	[tilespmem:$0xD800] =	vst v63  }
0x3f6: {  	s10 =	simm.s32 $0x9800  }
0x3f7: {  	[tilespmem:s10], [sflag:$0x3] =	stream.indirect_vreg.gather [hbm4b:s31+s1], $0x80, v5, vm1, $0xb8;
	[tilespmem:$0xD800] =	vst v63  }
0x3f8: {  	s14 =	simm.s32 $0x9C00  }
0x3f9: {  	[tilespmem:s14], [sflag:$0x3] =	stream.indirect_vreg.gather [hbm4b:s24+s1], $0x80, v4, vm0, $0xb8;
	[tilespmem:$0xD800] =	vst v63  }
0x3fa: {  	s18 =	simm.s32 $0xA400  }
0x3fb: {  	[tilespmem:s18], [sflag:$0x3] =	stream.indirect_vreg.gather [hbm4b:s31+s1], $0x80, v4, vm1, $0xb8;
	[tilespmem:$0xD800] =	vst v63  }
0x3fc: {  	_ =	swait.ge [sflag:s26], $0x3000  }
0x3fd: {  	[sflag:s26] =	ssyncset.done $0x0  }
0x3fe: {  	s29 =	rddreg [dreg:$0xe];
	[sflag:s26] =	ssyncadd.s32 $0xFFFFD000  }
0x3ff: {  	[hbm4b:s29+s1] =	stream.linear.scatter [tilespmem:s0], [sflag:$0x8], $0x3000, $0x38;
	[tilespmem:$0xD800] =	vst v63  }
0x400: {  	_ =	swait.ge [sflag:s28], $0x3000  }
0x401: {  	[sflag:s28] =	ssyncset.done $0x0  }
0x402: {  	[sflag:s28] =	ssyncadd.s32 $0xFFFFD000  }
0x403: {  	v4 =	vld [tilespmem:$0x1380];
	_ =	sdelay $0x4  }
0x404: {  	v5 =	vshrl.u32 v4, $0x3  }
0x405: {  	v5 =	vmul.u32 $0x18, v5  }
0x406: {  	v4 =	vand.u32 $0x7, v4  }
0x407: {  	v4 =	vor.u32 v4, v5  }
0x408: {  	v5 =	vperm.xlane v4, v1;
	_ =	sdelay $0x1  }
0x409: {  	v5 =	vadd.s32 v2, v5;
	_ =	sdelay $0x1  }
0x40a: {  	v4 =	vperm.xlane v4, v3;
	_ =	sdelay $0x1  }
0x40b: {  	v4 =	vadd.s32 v2, v4  }
0x40c: {  	[tilespmem:s0], [sflag:$0x4] =	stream.indirect_vreg.gather [hbm4b:s24+s1], $0x80, v5, vm0, $0xb8;
	[tilespmem:$0xD800] =	vst v63  }
0x40d: {  	s2 =	simm.s32 $0xB000  }
0x40e: {  	[tilespmem:s2], [sflag:$0x4] =	stream.indirect_vreg.gather [hbm4b:s31+s1], $0x80, v5, vm1, $0xb8;
	[tilespmem:$0xD800] =	vst v63  }
0x40f: {  	s15 =	simm.s32 $0xB400  }
0x410: {  	[tilespmem:s15], [sflag:$0x4] =	stream.indirect_vreg.gather [hbm4b:s24+s1], $0x80, v4, vm0, $0xb8;
	[tilespmem:$0xD800] =	vst v63  }
0x411: {  	s4 =	simm.s32 $0xBC00  }
0x412: {  	[tilespmem:s4], [sflag:$0x4] =	stream.indirect_vreg.gather [hbm4b:s31+s1], $0x80, v4, vm1, $0xb8;
	[tilespmem:$0xD800] =	vst v63  }
0x413: {  	v4 =	vld [tilespmem:$0x1390];
	_ =	sdelay $0x4  }
0x414: {  	v5 =	vshrl.u32 v4, $0x3  }
0x415: {  	v5 =	vmul.u32 $0x18, v5  }
0x416: {  	v4 =	vand.u32 $0x7, v4  }
0x417: {  	v4 =	vor.u32 v4, v5  }
0x418: {  	v5 =	vperm.xlane v4, v1;
	_ =	sdelay $0x1  }
0x419: {  	v5 =	vadd.s32 v2, v5;
	_ =	sdelay $0x1  }
0x41a: {  	v4 =	vperm.xlane v4, v3;
	_ =	sdelay $0x1  }
0x41b: {  	s7 =	simm.s32 $0xC000;
	v4 =	vadd.s32 v2, v4  }
0x41c: {  	[tilespmem:s7], [sflag:$0x4] =	stream.indirect_vreg.gather [hbm4b:s24+s1], $0x80, v5, vm0, $0xb8;
	[tilespmem:$0xD800] =	vst v63  }
0x41d: {  	s19 =	simm.s32 $0xC800  }
0x41e: {  	[tilespmem:s19], [sflag:$0x4] =	stream.indirect_vreg.gather [hbm4b:s31+s1], $0x80, v5, vm1, $0xb8;
	[tilespmem:$0xD800] =	vst v63  }
0x41f: {  	s29 =	simm.s32 $0xCC00  }
0x420: {  	[tilespmem:s29], [sflag:$0x4] =	stream.indirect_vreg.gather [hbm4b:s24+s1], $0x80, v4, vm0, $0xb8;
	[tilespmem:$0xD800] =	vst v63  }
0x421: {  	s23 =	simm.s32 $0xD400  }
0x422: {  	[tilespmem:s23], [sflag:$0x4] =	stream.indirect_vreg.gather [hbm4b:s31+s1], $0x80, v4, vm1, $0xb8;
	[tilespmem:$0xD800] =	vst v63  }
0x423: {  	_ =	swait.ge [sflag:s3], $0x3000  }
0x424: {  	[sflag:s3] =	ssyncset.done $0x0  }
0x425: {  	s2 =	rddreg [dreg:$0xf];
	[sflag:s3] =	ssyncadd.s32 $0xFFFFD000  }
0x426: {  	[hbm4b:s2+s1] =	stream.linear.scatter [tilespmem:s6], [sflag:$0x5], $0x3000, $0x38;
	[tilespmem:$0xD800] =	vst v63  }
0x427: {  	_ =	swait.ge [sflag:s20], $0x3000  }
0x428: {  	[sflag:s20] =	ssyncset.done $0x0  }
0x429: {  	[sflag:s20] =	ssyncadd.s32 $0xFFFFD000  }
0x42a: {  	v4 =	vld [tilespmem:$0x1400];
	_ =	sdelay $0x4  }
0x42b: {  	v5 =	vshrl.u32 v4, $0x3  }
0x42c: {  	v5 =	vmul.u32 $0x18, v5  }
0x42d: {  	v4 =	vand.u32 $0x7, v4  }
0x42e: {  	v4 =	vor.u32 v4, v5  }
0x42f: {  	v5 =	vperm.xlane v4, v1;
	_ =	sdelay $0x1  }
0x430: {  	v5 =	vadd.s32 v2, v5;
	_ =	sdelay $0x1  }
0x431: {  	v4 =	vperm.xlane v4, v3;
	_ =	sdelay $0x1  }
0x432: {  	v4 =	vadd.s32 v2, v4  }
0x433: {  	[tilespmem:s6], [sflag:$0x1] =	stream.indirect_vreg.gather [hbm4b:s24+s1], $0x80, v5, vm0, $0xb8;
	[tilespmem:$0xD800] =	vst v63  }
0x434: {  	s7 =	simm.s32 $0x2000  }
0x435: {  	[tilespmem:s7], [sflag:$0x1] =	stream.indirect_vreg.gather [hbm4b:s31+s1], $0x80, v5, vm1, $0xb8;
	[tilespmem:$0xD800] =	vst v63  }
0x436: {  	s16 =	simm.s32 $0x2400  }
0x437: {  	[tilespmem:s16], [sflag:$0x1] =	stream.indirect_vreg.gather [hbm4b:s24+s1], $0x80, v4, vm0, $0xb8;
	[tilespmem:$0xD800] =	vst v63  }
0x438: {  	s16 =	simm.s32 $0x2C00  }
0x439: {  	[tilespmem:s16], [sflag:$0x1] =	stream.indirect_vreg.gather [hbm4b:s31+s1], $0x80, v4, vm1, $0xb8;
	[tilespmem:$0xD800] =	vst v63  }
0x43a: {  	v4 =	vld [tilespmem:$0x1410];
	_ =	sdelay $0x4  }
0x43b: {  	v5 =	vshrl.u32 v4, $0x3  }
0x43c: {  	v5 =	vmul.u32 $0x18, v5  }
0x43d: {  	v4 =	vand.u32 $0x7, v4  }
0x43e: {  	v4 =	vor.u32 v4, v5  }
0x43f: {  	v5 =	vperm.xlane v4, v1;
	_ =	sdelay $0x1  }
0x440: {  	v5 =	vadd.s32 v2, v5;
	_ =	sdelay $0x1  }
0x441: {  	v4 =	vperm.xlane v4, v3;
	_ =	sdelay $0x1  }
0x442: {  	s30 =	simm.s32 $0x3000;
	v4 =	vadd.s32 v2, v4  }
0x443: {  	[tilespmem:s30], [sflag:$0x1] =	stream.indirect_vreg.gather [hbm4b:s24+s1], $0x80, v5, vm0, $0xb8;
	[tilespmem:$0xD800] =	vst v63  }
0x444: {  	s17 =	simm.s32 $0x3800  }
0x445: {  	[tilespmem:s17], [sflag:$0x1] =	stream.indirect_vreg.gather [hbm4b:s31+s1], $0x80, v5, vm1, $0xb8;
	[tilespmem:$0xD800] =	vst v63  }
0x446: {  	s17 =	simm.s32 $0x3C00  }
0x447: {  	[tilespmem:s17], [sflag:$0x1] =	stream.indirect_vreg.gather [hbm4b:s24+s1], $0x80, v4, vm0, $0xb8;
	[tilespmem:$0xD800] =	vst v63  }
0x448: {  	s19 =	simm.s32 $0x4400  }
0x449: {  	[tilespmem:s19], [sflag:$0x1] =	stream.indirect_vreg.gather [hbm4b:s31+s1], $0x80, v4, vm1, $0xb8;
	[tilespmem:$0xD800] =	vst v63  }
0x44a: {  	_ =	swait.ge [sflag:s21], $0x3000  }
0x44b: {  	[sflag:s21] =	ssyncset.done $0x0  }
0x44c: {  	s29 =	rddreg [dreg:$0x10];
	[sflag:s21] =	ssyncadd.s32 $0xFFFFD000  }
0x44d: {  	[hbm4b:s29+s1] =	stream.linear.scatter [tilespmem:s5], [sflag:$0x6], $0x3000, $0x38;
	[tilespmem:$0xD800] =	vst v63  }
0x44e: {  	_ =	swait.ge [sflag:s12], $0x3000  }
0x44f: {  	[sflag:s12] =	ssyncset.done $0x0  }
0x450: {  	[sflag:s12] =	ssyncadd.s32 $0xFFFFD000  }
0x451: {  	v4 =	vld [tilespmem:$0x1480];
	_ =	sdelay $0x4  }
0x452: {  	v5 =	vshrl.u32 v4, $0x3  }
0x453: {  	v5 =	vmul.u32 $0x18, v5  }
0x454: {  	v4 =	vand.u32 $0x7, v4  }
0x455: {  	v4 =	vor.u32 v4, v5  }
0x456: {  	v5 =	vperm.xlane v4, v1;
	_ =	sdelay $0x1  }
0x457: {  	v5 =	vadd.s32 v2, v5;
	_ =	sdelay $0x1  }
0x458: {  	v4 =	vperm.xlane v4, v3;
	_ =	sdelay $0x1  }
0x459: {  	v4 =	vadd.s32 v2, v4  }
0x45a: {  	[tilespmem:s5], [sflag:$0x2] =	stream.indirect_vreg.gather [hbm4b:s24+s1], $0x80, v5, vm0, $0xb8;
	[tilespmem:$0xD800] =	vst v63  }
0x45b: {  	s17 =	simm.s32 $0x5000  }
0x45c: {  	[tilespmem:s17], [sflag:$0x2] =	stream.indirect_vreg.gather [hbm4b:s31+s1], $0x80, v5, vm1, $0xb8;
	[tilespmem:$0xD800] =	vst v63  }
0x45d: {  	s19 =	simm.s32 $0x5400  }
0x45e: {  	[tilespmem:s19], [sflag:$0x2] =	stream.indirect_vreg.gather [hbm4b:s24+s1], $0x80, v4, vm0, $0xb8;
	[tilespmem:$0xD800] =	vst v63  }
0x45f: {  	s29 =	simm.s32 $0x5C00  }
0x460: {  	[tilespmem:s29], [sflag:$0x2] =	stream.indirect_vreg.gather [hbm4b:s31+s1], $0x80, v4, vm1, $0xb8;
	[tilespmem:$0xD800] =	vst v63  }
0x461: {  	v4 =	vld [tilespmem:$0x1490];
	_ =	sdelay $0x4  }
0x462: {  	v5 =	vshrl.u32 v4, $0x3  }
0x463: {  	v5 =	vmul.u32 $0x18, v5  }
0x464: {  	v4 =	vand.u32 $0x7, v4  }
0x465: {  	v4 =	vor.u32 v4, v5  }
0x466: {  	v5 =	vperm.xlane v4, v1;
	_ =	sdelay $0x1  }
0x467: {  	v5 =	vadd.s32 v2, v5;
	_ =	sdelay $0x1  }
0x468: {  	v4 =	vperm.xlane v4, v3;
	_ =	sdelay $0x1  }
0x469: {  	s17 =	simm.s32 $0x6000;
	v4 =	vadd.s32 v2, v4  }
0x46a: {  	[tilespmem:s17], [sflag:$0x2] =	stream.indirect_vreg.gather [hbm4b:s24+s1], $0x80, v5, vm0, $0xb8;
	[tilespmem:$0xD800] =	vst v63  }
0x46b: {  	s19 =	simm.s32 $0x6800  }
0x46c: {  	[tilespmem:s19], [sflag:$0x2] =	stream.indirect_vreg.gather [hbm4b:s31+s1], $0x80, v5, vm1, $0xb8;
	[tilespmem:$0xD800] =	vst v63  }
0x46d: {  	s29 =	simm.s32 $0x6C00  }
0x46e: {  	[tilespmem:s29], [sflag:$0x2] =	stream.indirect_vreg.gather [hbm4b:s24+s1], $0x80, v4, vm0, $0xb8;
	[tilespmem:$0xD800] =	vst v63  }
0x46f: {  	s17 =	simm.s32 $0x7400  }
0x470: {  	[tilespmem:s17], [sflag:$0x2] =	stream.indirect_vreg.gather [hbm4b:s31+s1], $0x80, v4, vm1, $0xb8;
	[tilespmem:$0xD800] =	vst v63  }
0x471: {  	_ =	swait.ge [sflag:s13], $0x3000  }
0x472: {  	[sflag:s13] =	ssyncset.done $0x0  }
0x473: {  	s19 =	rddreg [dreg:$0x11];
	[sflag:s13] =	ssyncadd.s32 $0xFFFFD000  }
0x474: {  	[hbm4b:s19+s1] =	stream.linear.scatter [tilespmem:s11], [sflag:$0x7], $0x3000, $0x38;
	[tilespmem:$0xD800] =	vst v63  }
0x475: {  	_ =	swait.ge [sflag:s25], $0x3000  }
0x476: {  	[sflag:s25] =	ssyncset.done $0x0  }
0x477: {  	[sflag:s25] =	ssyncadd.s32 $0xFFFFD000  }
0x478: {  	v4 =	vld [tilespmem:$0x1500];
	_ =	sdelay $0x4  }
0x479: {  	v5 =	vshrl.u32 v4, $0x3  }
0x47a: {  	v5 =	vmul.u32 $0x18, v5  }
0x47b: {  	v4 =	vand.u32 $0x7, v4  }
0x47c: {  	v4 =	vor.u32 v4, v5  }
0x47d: {  	v5 =	vperm.xlane v4, v1;
	_ =	sdelay $0x1  }
0x47e: {  	v5 =	vadd.s32 v2, v5;
	_ =	sdelay $0x1  }
0x47f: {  	v4 =	vperm.xlane v4, v3;
	_ =	sdelay $0x1  }
0x480: {  	v4 =	vadd.s32 v2, v4  }
0x481: {  	[tilespmem:s11], [sflag:$0x3] =	stream.indirect_vreg.gather [hbm4b:s24+s1], $0x80, v5, vm0, $0xb8;
	[tilespmem:$0xD800] =	vst v63  }
0x482: {  	s22 =	simm.s32 $0x8000  }
0x483: {  	[tilespmem:s22], [sflag:$0x3] =	stream.indirect_vreg.gather [hbm4b:s31+s1], $0x80, v5, vm1, $0xb8;
	[tilespmem:$0xD800] =	vst v63  }
0x484: {  	s8 =	simm.s32 $0x8400  }
0x485: {  	[tilespmem:s8], [sflag:$0x3] =	stream.indirect_vreg.gather [hbm4b:s24+s1], $0x80, v4, vm0, $0xb8;
	[tilespmem:$0xD800] =	vst v63  }
0x486: {  	s8 =	simm.s32 $0x8C00  }
0x487: {  	[tilespmem:s8], [sflag:$0x3] =	stream.indirect_vreg.gather [hbm4b:s31+s1], $0x80, v4, vm1, $0xb8;
	[tilespmem:$0xD800] =	vst v63  }
0x488: {  	v4 =	vld [tilespmem:$0x1510];
	_ =	sdelay $0x4  }
0x489: {  	v5 =	vshrl.u32 v4, $0x3  }
0x48a: {  	v5 =	vmul.u32 $0x18, v5  }
0x48b: {  	v4 =	vand.u32 $0x7, v4  }
0x48c: {  	v4 =	vor.u32 v4, v5  }
0x48d: {  	v5 =	vperm.xlane v4, v1;
	_ =	sdelay $0x1  }
0x48e: {  	v5 =	vadd.s32 v2, v5;
	_ =	sdelay $0x1  }
0x48f: {  	v4 =	vperm.xlane v4, v3;
	_ =	sdelay $0x1  }
0x490: {  	s9 =	simm.s32 $0x9000;
	v4 =	vadd.s32 v2, v4  }
0x491: {  	[tilespmem:s9], [sflag:$0x3] =	stream.indirect_vreg.gather [hbm4b:s24+s1], $0x80, v5, vm0, $0xb8;
	[tilespmem:$0xD800] =	vst v63  }
0x492: {  	s10 =	simm.s32 $0x9800  }
0x493: {  	[tilespmem:s10], [sflag:$0x3] =	stream.indirect_vreg.gather [hbm4b:s31+s1], $0x80, v5, vm1, $0xb8;
	[tilespmem:$0xD800] =	vst v63  }
0x494: {  	s14 =	simm.s32 $0x9C00  }
0x495: {  	[tilespmem:s14], [sflag:$0x3] =	stream.indirect_vreg.gather [hbm4b:s24+s1], $0x80, v4, vm0, $0xb8;
	[tilespmem:$0xD800] =	vst v63  }
0x496: {  	s22 =	simm.s32 $0xA400  }
0x497: {  	[tilespmem:s22], [sflag:$0x3] =	stream.indirect_vreg.gather [hbm4b:s31+s1], $0x80, v4, vm1, $0xb8;
	[tilespmem:$0xD800] =	vst v63  }
0x498: {  	_ =	swait.ge [sflag:s26], $0x3000  }
0x499: {  	[sflag:s26] =	ssyncset.done $0x0  }
0x49a: {  	s14 =	rddreg [dreg:$0x12];
	[sflag:s26] =	ssyncadd.s32 $0xFFFFD000  }
0x49b: {  	[hbm4b:s14+s1] =	stream.linear.scatter [tilespmem:s0], [sflag:$0x8], $0x3000, $0x38;
	[tilespmem:$0xD800] =	vst v63  }
0x49c: {  	_ =	swait.ge [sflag:s28], $0x3000  }
0x49d: {  	[sflag:s28] =	ssyncset.done $0x0  }
0x49e: {  	[sflag:s28] =	ssyncadd.s32 $0xFFFFD000  }
0x49f: {  	v4 =	vld [tilespmem:$0x1580];
	_ =	sdelay $0x4  }
0x4a0: {  	v5 =	vshrl.u32 v4, $0x3  }
0x4a1: {  	v5 =	vmul.u32 $0x18, v5  }
0x4a2: {  	v4 =	vand.u32 $0x7, v4  }
0x4a3: {  	v4 =	vor.u32 v4, v5  }
0x4a4: {  	v5 =	vperm.xlane v4, v1;
	_ =	sdelay $0x1  }
0x4a5: {  	v5 =	vadd.s32 v2, v5;
	_ =	sdelay $0x1  }
0x4a6: {  	v4 =	vperm.xlane v4, v3;
	_ =	sdelay $0x1  }
0x4a7: {  	v4 =	vadd.s32 v2, v4  }
0x4a8: {  	[tilespmem:s0], [sflag:$0x4] =	stream.indirect_vreg.gather [hbm4b:s24+s1], $0x80, v5, vm0, $0xb8;
	[tilespmem:$0xD800] =	vst v63  }
0x4a9: {  	s18 =	simm.s32 $0xB000  }
0x4aa: {  	[tilespmem:s18], [sflag:$0x4] =	stream.indirect_vreg.gather [hbm4b:s31+s1], $0x80, v5, vm1, $0xb8;
	[tilespmem:$0xD800] =	vst v63  }
0x4ab: {  	s15 =	simm.s32 $0xB400  }
0x4ac: {  	[tilespmem:s15], [sflag:$0x4] =	stream.indirect_vreg.gather [hbm4b:s24+s1], $0x80, v4, vm0, $0xb8;
	[tilespmem:$0xD800] =	vst v63  }
0x4ad: {  	s22 =	simm.s32 $0xBC00  }
0x4ae: {  	[tilespmem:s22], [sflag:$0x4] =	stream.indirect_vreg.gather [hbm4b:s31+s1], $0x80, v4, vm1, $0xb8;
	[tilespmem:$0xD800] =	vst v63  }
0x4af: {  	v4 =	vld [tilespmem:$0x1590];
	_ =	sdelay $0x4  }
0x4b0: {  	v5 =	vshrl.u32 v4, $0x3  }
0x4b1: {  	v5 =	vmul.u32 $0x18, v5  }
0x4b2: {  	v4 =	vand.u32 $0x7, v4  }
0x4b3: {  	v4 =	vor.u32 v4, v5  }
0x4b4: {  	v5 =	vperm.xlane v4, v1;
	_ =	sdelay $0x1  }
0x4b5: {  	v5 =	vadd.s32 v2, v5;
	_ =	sdelay $0x1  }
0x4b6: {  	v4 =	vperm.xlane v4, v3;
	_ =	sdelay $0x1  }
0x4b7: {  	s15 =	simm.s32 $0xC000;
	v4 =	vadd.s32 v2, v4  }
0x4b8: {  	[tilespmem:s15], [sflag:$0x4] =	stream.indirect_vreg.gather [hbm4b:s24+s1], $0x80, v5, vm0, $0xb8;
	[tilespmem:$0xD800] =	vst v63  }
0x4b9: {  	s22 =	simm.s32 $0xC800  }
0x4ba: {  	[tilespmem:s22], [sflag:$0x4] =	stream.indirect_vreg.gather [hbm4b:s31+s1], $0x80, v5, vm1, $0xb8;
	[tilespmem:$0xD800] =	vst v63  }
0x4bb: {  	s4 =	simm.s32 $0xCC00  }
0x4bc: {  	[tilespmem:s4], [sflag:$0x4] =	stream.indirect_vreg.gather [hbm4b:s24+s1], $0x80, v4, vm0, $0xb8;
	[tilespmem:$0xD800] =	vst v63  }
0x4bd: {  	s4 =	simm.s32 $0xD400  }
0x4be: {  	[tilespmem:s4], [sflag:$0x4] =	stream.indirect_vreg.gather [hbm4b:s31+s1], $0x80, v4, vm1, $0xb8;
	[tilespmem:$0xD800] =	vst v63  }
0x4bf: {  	_ =	swait.ge [sflag:s3], $0x3000  }
0x4c0: {  	[sflag:s3] =	ssyncset.done $0x0  }
0x4c1: {  	s4 =	rddreg [dreg:$0x13];
	[sflag:s3] =	ssyncadd.s32 $0xFFFFD000  }
0x4c2: {  	[hbm4b:s4+s1] =	stream.linear.scatter [tilespmem:s6], [sflag:$0x5], $0x3000, $0x38;
	[tilespmem:$0xD800] =	vst v63  }
0x4c3: {  	_ =	swait.ge [sflag:s20], $0x3000  }
0x4c4: {  	[sflag:s20] =	ssyncset.done $0x0  }
0x4c5: {  	[sflag:s20] =	ssyncadd.s32 $0xFFFFD000  }
0x4c6: {  	v4 =	vld [tilespmem:$0x1600];
	_ =	sdelay $0x4  }
0x4c7: {  	v5 =	vshrl.u32 v4, $0x3  }
0x4c8: {  	v5 =	vmul.u32 $0x18, v5  }
0x4c9: {  	v4 =	vand.u32 $0x7, v4  }
0x4ca: {  	v4 =	vor.u32 v4, v5  }
0x4cb: {  	v5 =	vperm.xlane v4, v1;
	_ =	sdelay $0x1  }
0x4cc: {  	v5 =	vadd.s32 v2, v5;
	_ =	sdelay $0x1  }
0x4cd: {  	v4 =	vperm.xlane v4, v3;
	_ =	sdelay $0x1  }
0x4ce: {  	v4 =	vadd.s32 v2, v4  }
0x4cf: {  	[tilespmem:s6], [sflag:$0x1] =	stream.indirect_vreg.gather [hbm4b:s24+s1], $0x80, v5, vm0, $0xb8;
	[tilespmem:$0xD800] =	vst v63  }
0x4d0: {  	s4 =	simm.s32 $0x2000  }
0x4d1: {  	[tilespmem:s4], [sflag:$0x1] =	stream.indirect_vreg.gather [hbm4b:s31+s1], $0x80, v5, vm1, $0xb8;
	[tilespmem:$0xD800] =	vst v63  }
0x4d2: {  	s23 =	simm.s32 $0x2400  }
0x4d3: {  	[tilespmem:s23], [sflag:$0x1] =	stream.indirect_vreg.gather [hbm4b:s24+s1], $0x80, v4, vm0, $0xb8;
	[tilespmem:$0xD800] =	vst v63  }
0x4d4: {  	s23 =	simm.s32 $0x2C00  }
0x4d5: {  	[tilespmem:s23], [sflag:$0x1] =	stream.indirect_vreg.gather [hbm4b:s31+s1], $0x80, v4, vm1, $0xb8;
	[tilespmem:$0xD800] =	vst v63  }
0x4d6: {  	v4 =	vld [tilespmem:$0x1610];
	_ =	sdelay $0x4  }
0x4d7: {  	v5 =	vshrl.u32 v4, $0x3  }
0x4d8: {  	v5 =	vmul.u32 $0x18, v5  }
0x4d9: {  	v4 =	vand.u32 $0x7, v4  }
0x4da: {  	v4 =	vor.u32 v4, v5  }
0x4db: {  	v5 =	vperm.xlane v4, v1;
	_ =	sdelay $0x1  }
0x4dc: {  	v5 =	vadd.s32 v2, v5;
	_ =	sdelay $0x1  }
0x4dd: {  	v4 =	vperm.xlane v4, v3;
	_ =	sdelay $0x1  }
0x4de: {  	s16 =	simm.s32 $0x3000;
	v4 =	vadd.s32 v2, v4  }
0x4df: {  	[tilespmem:s16], [sflag:$0x1] =	stream.indirect_vreg.gather [hbm4b:s24+s1], $0x80, v5, vm0, $0xb8;
	[tilespmem:$0xD800] =	vst v63  }
0x4e0: {  	s30 =	simm.s32 $0x3800  }
0x4e1: {  	[tilespmem:s30], [sflag:$0x1] =	stream.indirect_vreg.gather [hbm4b:s31+s1], $0x80, v5, vm1, $0xb8;
	[tilespmem:$0xD800] =	vst v63  }
0x4e2: {  	s2 =	simm.s32 $0x3C00  }
0x4e3: {  	[tilespmem:s2], [sflag:$0x1] =	stream.indirect_vreg.gather [hbm4b:s24+s1], $0x80, v4, vm0, $0xb8;
	[tilespmem:$0xD800] =	vst v63  }
0x4e4: {  	s7 =	simm.s32 $0x4400  }
0x4e5: {  	[tilespmem:s7], [sflag:$0x1] =	stream.indirect_vreg.gather [hbm4b:s31+s1], $0x80, v4, vm1, $0xb8;
	[tilespmem:$0xD800] =	vst v63  }
0x4e6: {  	_ =	swait.ge [sflag:s21], $0x3000  }
0x4e7: {  	[sflag:s21] =	ssyncset.done $0x0  }
0x4e8: {  	s23 =	rddreg [dreg:$0x14];
	[sflag:s21] =	ssyncadd.s32 $0xFFFFD000  }
0x4e9: {  	[hbm4b:s23+s1] =	stream.linear.scatter [tilespmem:s5], [sflag:$0x6], $0x3000, $0x38;
	[tilespmem:$0xD800] =	vst v63  }
0x4ea: {  	_ =	swait.ge [sflag:s12], $0x3000  }
0x4eb: {  	[sflag:s12] =	ssyncset.done $0x0  }
0x4ec: {  	[sflag:s12] =	ssyncadd.s32 $0xFFFFD000  }
0x4ed: {  	v4 =	vld [tilespmem:$0x1680];
	_ =	sdelay $0x4  }
0x4ee: {  	v5 =	vshrl.u32 v4, $0x3  }
0x4ef: {  	v5 =	vmul.u32 $0x18, v5  }
0x4f0: {  	v4 =	vand.u32 $0x7, v4  }
0x4f1: {  	v4 =	vor.u32 v4, v5  }
0x4f2: {  	v5 =	vperm.xlane v4, v1;
	_ =	sdelay $0x1  }
0x4f3: {  	v5 =	vadd.s32 v2, v5;
	_ =	sdelay $0x1  }
0x4f4: {  	v4 =	vperm.xlane v4, v3;
	_ =	sdelay $0x1  }
0x4f5: {  	v4 =	vadd.s32 v2, v4  }
0x4f6: {  	[tilespmem:s5], [sflag:$0x2] =	stream.indirect_vreg.gather [hbm4b:s24+s1], $0x80, v5, vm0, $0xb8;
	[tilespmem:$0xD800] =	vst v63  }
0x4f7: {  	s30 =	simm.s32 $0x5000  }
0x4f8: {  	[tilespmem:s30], [sflag:$0x2] =	stream.indirect_vreg.gather [hbm4b:s31+s1], $0x80, v5, vm1, $0xb8;
	[tilespmem:$0xD800] =	vst v63  }
0x4f9: {  	s4 =	simm.s32 $0x5400  }
0x4fa: {  	[tilespmem:s4], [sflag:$0x2] =	stream.indirect_vreg.gather [hbm4b:s24+s1], $0x80, v4, vm0, $0xb8;
	[tilespmem:$0xD800] =	vst v63  }
0x4fb: {  	s7 =	simm.s32 $0x5C00  }
0x4fc: {  	[tilespmem:s7], [sflag:$0x2] =	stream.indirect_vreg.gather [hbm4b:s31+s1], $0x80, v4, vm1, $0xb8;
	[tilespmem:$0xD800] =	vst v63  }
0x4fd: {  	v4 =	vld [tilespmem:$0x1690];
	_ =	sdelay $0x4  }
0x4fe: {  	v5 =	vshrl.u32 v4, $0x3  }
0x4ff: {  	v5 =	vmul.u32 $0x18, v5  }
0x500: {  	v4 =	vand.u32 $0x7, v4  }
0x501: {  	v4 =	vor.u32 v4, v5  }
0x502: {  	v5 =	vperm.xlane v4, v1;
	_ =	sdelay $0x1  }
0x503: {  	v5 =	vadd.s32 v2, v5;
	_ =	sdelay $0x1  }
0x504: {  	v4 =	vperm.xlane v4, v3;
	_ =	sdelay $0x1  }
0x505: {  	s16 =	simm.s32 $0x6000;
	v4 =	vadd.s32 v2, v4  }
0x506: {  	[tilespmem:s16], [sflag:$0x2] =	stream.indirect_vreg.gather [hbm4b:s24+s1], $0x80, v5, vm0, $0xb8;
	[tilespmem:$0xD800] =	vst v63  }
0x507: {  	s23 =	simm.s32 $0x6800  }
0x508: {  	[tilespmem:s23], [sflag:$0x2] =	stream.indirect_vreg.gather [hbm4b:s31+s1], $0x80, v5, vm1, $0xb8;
	[tilespmem:$0xD800] =	vst v63  }
0x509: {  	s29 =	simm.s32 $0x6C00  }
0x50a: {  	[tilespmem:s29], [sflag:$0x2] =	stream.indirect_vreg.gather [hbm4b:s24+s1], $0x80, v4, vm0, $0xb8;
	[tilespmem:$0xD800] =	vst v63  }
0x50b: {  	s30 =	simm.s32 $0x7400  }
0x50c: {  	[tilespmem:s30], [sflag:$0x2] =	stream.indirect_vreg.gather [hbm4b:s31+s1], $0x80, v4, vm1, $0xb8;
	[tilespmem:$0xD800] =	vst v63  }
0x50d: {  	_ =	swait.ge [sflag:s13], $0x3000  }
0x50e: {  	[sflag:s13] =	ssyncset.done $0x0  }
0x50f: {  	s2 =	rddreg [dreg:$0x15];
	[sflag:s13] =	ssyncadd.s32 $0xFFFFD000  }
0x510: {  	[hbm4b:s2+s1] =	stream.linear.scatter [tilespmem:s11], [sflag:$0x7], $0x3000, $0x38;
	[tilespmem:$0xD800] =	vst v63  }
0x511: {  	_ =	swait.ge [sflag:s25], $0x3000  }
0x512: {  	[sflag:s25] =	ssyncset.done $0x0  }
0x513: {  	[sflag:s25] =	ssyncadd.s32 $0xFFFFD000  }
0x514: {  	v4 =	vld [tilespmem:$0x1700];
	_ =	sdelay $0x4  }
0x515: {  	v5 =	vshrl.u32 v4, $0x3  }
0x516: {  	v5 =	vmul.u32 $0x18, v5  }
0x517: {  	v4 =	vand.u32 $0x7, v4  }
0x518: {  	v4 =	vor.u32 v4, v5  }
0x519: {  	v5 =	vperm.xlane v4, v1;
	_ =	sdelay $0x1  }
0x51a: {  	v5 =	vadd.s32 v2, v5;
	_ =	sdelay $0x1  }
0x51b: {  	v4 =	vperm.xlane v4, v3;
	_ =	sdelay $0x1  }
0x51c: {  	v4 =	vadd.s32 v2, v4  }
0x51d: {  	[tilespmem:s11], [sflag:$0x3] =	stream.indirect_vreg.gather [hbm4b:s24+s1], $0x80, v5, vm0, $0xb8;
	[tilespmem:$0xD800] =	vst v63  }
0x51e: {  	s19 =	simm.s32 $0x8000  }
0x51f: {  	[tilespmem:s19], [sflag:$0x3] =	stream.indirect_vreg.gather [hbm4b:s31+s1], $0x80, v5, vm1, $0xb8;
	[tilespmem:$0xD800] =	vst v63  }
0x520: {  	s17 =	simm.s32 $0x8400  }
0x521: {  	[tilespmem:s17], [sflag:$0x3] =	stream.indirect_vreg.gather [hbm4b:s24+s1], $0x80, v4, vm0, $0xb8;
	[tilespmem:$0xD800] =	vst v63  }
0x522: {  	s7 =	simm.s32 $0x8C00  }
0x523: {  	[tilespmem:s7], [sflag:$0x3] =	stream.indirect_vreg.gather [hbm4b:s31+s1], $0x80, v4, vm1, $0xb8;
	[tilespmem:$0xD800] =	vst v63  }
0x524: {  	v4 =	vld [tilespmem:$0x1710];
	_ =	sdelay $0x4  }
0x525: {  	v5 =	vshrl.u32 v4, $0x3  }
0x526: {  	v5 =	vmul.u32 $0x18, v5  }
0x527: {  	v4 =	vand.u32 $0x7, v4  }
0x528: {  	v4 =	vor.u32 v4, v5  }
0x529: {  	v5 =	vperm.xlane v4, v1;
	_ =	sdelay $0x1  }
0x52a: {  	v5 =	vadd.s32 v2, v5;
	_ =	sdelay $0x1  }
0x52b: {  	v4 =	vperm.xlane v4, v3;
	_ =	sdelay $0x1  }
0x52c: {  	s8 =	simm.s32 $0x9000;
	v4 =	vadd.s32 v2, v4  }
0x52d: {  	[tilespmem:s8], [sflag:$0x3] =	stream.indirect_vreg.gather [hbm4b:s24+s1], $0x80, v5, vm0, $0xb8;
	[tilespmem:$0xD800] =	vst v63  }
0x52e: {  	s9 =	simm.s32 $0x9800  }
0x52f: {  	[tilespmem:s9], [sflag:$0x3] =	stream.indirect_vreg.gather [hbm4b:s31+s1], $0x80, v5, vm1, $0xb8;
	[tilespmem:$0xD800] =	vst v63  }
0x530: {  	s10 =	simm.s32 $0x9C00  }
0x531: {  	[tilespmem:s10], [sflag:$0x3] =	stream.indirect_vreg.gather [hbm4b:s24+s1], $0x80, v4, vm0, $0xb8;
	[tilespmem:$0xD800] =	vst v63  }
0x532: {  	s9 =	simm.s32 $0xA400  }
0x533: {  	[tilespmem:s9], [sflag:$0x3] =	stream.indirect_vreg.gather [hbm4b:s31+s1], $0x80, v4, vm1, $0xb8;
	[tilespmem:$0xD800] =	vst v63  }
0x534: {  	_ =	swait.ge [sflag:s26], $0x3000  }
0x535: {  	[sflag:s26] =	ssyncset.done $0x0  }
0x536: {  	s10 =	rddreg [dreg:$0x16];
	[sflag:s26] =	ssyncadd.s32 $0xFFFFD000  }
0x537: {  	[hbm4b:s10+s1] =	stream.linear.scatter [tilespmem:s0], [sflag:$0x8], $0x3000, $0x38;
	[tilespmem:$0xD800] =	vst v63  }
0x538: {  	_ =	swait.ge [sflag:s28], $0x3000  }
0x539: {  	[sflag:s28] =	ssyncset.done $0x0  }
0x53a: {  	[sflag:s28] =	ssyncadd.s32 $0xFFFFD000  }
0x53b: {  	v4 =	vld [tilespmem:$0x1780];
	_ =	sdelay $0x4  }
0x53c: {  	v5 =	vshrl.u32 v4, $0x3  }
0x53d: {  	v5 =	vmul.u32 $0x18, v5  }
0x53e: {  	v4 =	vand.u32 $0x7, v4  }
0x53f: {  	v4 =	vor.u32 v4, v5  }
0x540: {  	v5 =	vperm.xlane v4, v1;
	_ =	sdelay $0x1  }
0x541: {  	v5 =	vadd.s32 v2, v5;
	_ =	sdelay $0x1  }
0x542: {  	v4 =	vperm.xlane v4, v3;
	_ =	sdelay $0x1  }
0x543: {  	v4 =	vadd.s32 v2, v4  }
0x544: {  	[tilespmem:s0], [sflag:$0x4] =	stream.indirect_vreg.gather [hbm4b:s24+s1], $0x80, v5, vm0, $0xb8;
	[tilespmem:$0xD800] =	vst v63  }
0x545: {  	s14 =	simm.s32 $0xB000  }
0x546: {  	[tilespmem:s14], [sflag:$0x4] =	stream.indirect_vreg.gather [hbm4b:s31+s1], $0x80, v5, vm1, $0xb8;
	[tilespmem:$0xD800] =	vst v63  }
0x547: {  	s18 =	simm.s32 $0xB400  }
0x548: {  	[tilespmem:s18], [sflag:$0x4] =	stream.indirect_vreg.gather [hbm4b:s24+s1], $0x80, v4, vm0, $0xb8;
	[tilespmem:$0xD800] =	vst v63  }
0x549: {  	s14 =	simm.s32 $0xBC00  }
0x54a: {  	[tilespmem:s14], [sflag:$0x4] =	stream.indirect_vreg.gather [hbm4b:s31+s1], $0x80, v4, vm1, $0xb8;
	[tilespmem:$0xD800] =	vst v63  }
0x54b: {  	v4 =	vld [tilespmem:$0x1790];
	_ =	sdelay $0x4  }
0x54c: {  	v5 =	vshrl.u32 v4, $0x3  }
0x54d: {  	v5 =	vmul.u32 $0x18, v5  }
0x54e: {  	v4 =	vand.u32 $0x7, v4  }
0x54f: {  	v4 =	vor.u32 v4, v5  }
0x550: {  	v5 =	vperm.xlane v4, v1;
	_ =	sdelay $0x1  }
0x551: {  	v5 =	vadd.s32 v2, v5;
	_ =	sdelay $0x1  }
0x552: {  	v4 =	vperm.xlane v4, v3;
	_ =	sdelay $0x1  }
0x553: {  	s15 =	simm.s32 $0xC000;
	v4 =	vadd.s32 v2, v4  }
0x554: {  	[tilespmem:s15], [sflag:$0x4] =	stream.indirect_vreg.gather [hbm4b:s24+s1], $0x80, v5, vm0, $0xb8;
	[tilespmem:$0xD800] =	vst v63  }
0x555: {  	s22 =	simm.s32 $0xC800  }
0x556: {  	[tilespmem:s22], [sflag:$0x4] =	stream.indirect_vreg.gather [hbm4b:s31+s1], $0x80, v5, vm1, $0xb8;
	[tilespmem:$0xD800] =	vst v63  }
0x557: {  	s16 =	simm.s32 $0xCC00  }
0x558: {  	[tilespmem:s16], [sflag:$0x4] =	stream.indirect_vreg.gather [hbm4b:s24+s1], $0x80, v4, vm0, $0xb8;
	[tilespmem:$0xD800] =	vst v63  }
0x559: {  	s17 =	simm.s32 $0xD400  }
0x55a: {  	[tilespmem:s17], [sflag:$0x4] =	stream.indirect_vreg.gather [hbm4b:s31+s1], $0x80, v4, vm1, $0xb8;
	[tilespmem:$0xD800] =	vst v63  }
0x55b: {  	_ =	swait.ge [sflag:s3], $0x3000  }
0x55c: {  	[sflag:s3] =	ssyncset.done $0x0  }
0x55d: {  	s18 =	rddreg [dreg:$0x17];
	[sflag:s3] =	ssyncadd.s32 $0xFFFFD000  }
0x55e: {  	[hbm4b:s18+s1] =	stream.linear.scatter [tilespmem:s6], [sflag:$0x5], $0x3000, $0x38;
	[tilespmem:$0xD800] =	vst v63  }
0x55f: {  	_ =	swait.ge [sflag:s21], $0x3000  }
0x560: {  	[sflag:s21] =	ssyncset.done $0x0  }
0x561: {  	s19 =	rddreg [dreg:$0x18];
	[sflag:s21] =	ssyncadd.s32 $0xFFFFD000  }
0x562: {  	[hbm4b:s19+s1] =	stream.linear.scatter [tilespmem:s5], [sflag:$0x6], $0x3000, $0x38;
	[tilespmem:$0xD800] =	vst v63  }
0x563: {  	_ =	swait.ge [sflag:s13], $0x3000  }
0x564: {  	[sflag:s13] =	ssyncset.done $0x0  }
0x565: {  	s22 =	rddreg [dreg:$0x19];
	[sflag:s13] =	ssyncadd.s32 $0xFFFFD000  }
0x566: {  	[hbm4b:s22+s1] =	stream.linear.scatter [tilespmem:s11], [sflag:$0x7], $0x3000, $0x38;
	[tilespmem:$0xD800] =	vst v63  }
0x567: {  	_ =	swait.ge [sflag:s26], $0x3000  }
0x568: {  	[sflag:s26] =	ssyncset.done $0x0  }
0x569: {  	s23 =	rddreg [dreg:$0x1a];
	[sflag:s26] =	ssyncadd.s32 $0xFFFFD000  }
0x56a: {  	[hbm4b:s23+s1] =	stream.linear.scatter [tilespmem:s0], [sflag:$0x8], $0x3000, $0x38;
	[tilespmem:$0xD800] =	vst v63  }
0x56b: {  	_ =	swait.ge [sflag:s20], $0x3000  }
0x56c: {  	[sflag:s20] =	ssyncset.done $0x0  }
0x56d: {  	[sflag:s20] =	ssyncadd.s32 $0xFFFFD000  }
0x56e: {  	_ =	swait.ge [sflag:s12], $0x3000  }
0x56f: {  	[sflag:s12] =	ssyncset.done $0x0  }
0x570: {  	[sflag:s12] =	ssyncadd.s32 $0xFFFFD000  }
0x571: {  	_ =	swait.ge [sflag:s25], $0x3000  }
0x572: {  	[sflag:s25] =	ssyncset.done $0x0  }
0x573: {  	[sflag:s25] =	ssyncadd.s32 $0xFFFFD000  }
0x574: {  	_ =	swait.ge [sflag:s28], $0x3000  }
0x575: {  	s29 =	sld [smem:$0x7F6];
	_ =	sdelay $0x2  }
0x576: {  	s30 =	rddreg [dreg:$0x1b];
	s2 =	sadd.s32 $0x1, s29  }
0x577: {  	p0 =	sne.s32 s2, s30  }
.Ltmp1:
0x578: {  	_ = 	snop;
	(pc) =	sbr.rel @p0 .LBB2_1-.Ltmp1, $3  }
0x579: {  	_ =	sdelay $0x1  }
0x57a: {  	[sflag:s28] =	ssyncset.done $0x0  }
0x57b: {  	[sflag:s28] =	ssyncadd.s32 $0xFFFFD000  }
0x57c: {  	_ =	sfence.sel $0x180000  }
0x57d: {  	[bflag:$0x0] =	sbarrier.arrive $0xFFFF  }
0x57e: {  	_ =	strace $0x90000047  }
0x57f: {  	s0 =	stileid.u32;
	[bflag:$0x2] =	sbarrier.arrive $0xFFFF  }
0x580: {  	p0 =	sne.s32 s0, $0x0;
	s0 =	rddreg [dreg:$0x3]  }
0x581: {  	s0 =	sadd.s32 @!p0 $0x100000, s0  }
0x582: {  	[sflag:s0] =	ssyncadd.tile.s32 @!p0 $0x1;
	_ =	shalt  }
.Lfunc_end2:
_tile_overlayer_lowered:
.L_overlay_start_2:
0x583: {  	(tag) =	ssettag $0x2  }
0x584: {  	s0 =	rddreg [dreg:$0x0];
	s2 =	stileid.u32  }
0x585: {  	s1 =	rddreg [dreg:$0x1];
	p0 =	sne.s32 s2, $0x0  }
0x586: {  	s3 =	rddreg [dreg:$0x2];
	[bflag:$0x3] =	sbarrier.arrive $0xFFFF;
	s2 =	simm.s32 @!p0 $0x1C09  }
0x587: {  	[timem:s3], [sflag:s2] =	dma.local @!p0 [hbm:s0], s1  }
0x588: {  	s0 =	simm.s32 @!p0 $0x9  }
0x589: {  	_ =	swait.ge @!p0 [sflag:s0], s1  }
0x58a: {  	s1 =	ssub.s32 @!p0 $0x0, s1;
	[sflag:s0] =	ssyncset.done @!p0 $0x0  }
0x58b: {  	[sflag:s0] =	ssyncadd.s32 @!p0 s1  }
0x58c: {  	[bflag:$0x3] =	sbarrier.arrive $0xFFFF  }
0x58d: {  	_ =	shalt  }

</sc_bundles>
